<compile_context>
chip_gen: v7x
topology: tpu7x:2x2x1
jax: 0.10.2.dev20260603
libtpu: 0.0.44.dev20260713+nightly
codegen_flags: <defaults>
</compile_context>

<pallas_src>
import functools

import jax
import jax.numpy as jnp
from jax import lax
from jax.experimental import pallas as pl
from jax.experimental.pallas import tpu as pltpu
from jax.experimental.pallas import tpu_sc as plsc

D = 1024
H = 16
DH = 64
E = 8
HID = 2048
S = 2048
VOCAB = 32000
L = 2
EPS = 1e-5

BT = 128
NPAD = 4096 + E * BT
NTILES = NPAD // BT

NW = 32
F32 = jnp.float32
BF16 = jnp.bfloat16


def _sc_mesh():
    return plsc.VectorSubcoreMesh(core_axis_name="c", subcore_axis_name="s")


def _wid():
    return lax.axis_index("s") * 2 + lax.axis_index("c")


def _sc_gather(table, idx):
    n = idx.shape[0]
    per = n // NW

    @functools.partial(
        pl.kernel,
        out_type=jax.ShapeDtypeStruct((n, D), F32),
        mesh=_sc_mesh(),
        scratch_types=[
            pltpu.VMEM((per,), jnp.int32),
            pltpu.VMEM((per, D), F32),
            pltpu.SemaphoreType.DMA,
        ],
    )
    def k(table_hbm, idx_hbm, out_hbm, idx_v, rows_v, sem):
        base = _wid() * per
        pltpu.sync_copy(idx_hbm.at[pl.ds(base, per)], idx_v)
        pltpu.async_copy(table_hbm.at[idx_v], rows_v, sem).wait()
        pltpu.sync_copy(rows_v, out_hbm.at[pl.ds(base, per)])

    return k(table, idx)


def _sc_dispatch(x, d0, d1):
    per = S // NW

    @functools.partial(
        pl.kernel,
        out_type=jax.ShapeDtypeStruct((NPAD, D), F32),
        mesh=_sc_mesh(),
        scratch_types=[
            pltpu.VMEM((per,), jnp.int32),
            pltpu.VMEM((per,), jnp.int32),
            pltpu.VMEM((per, D), F32),
            pltpu.SemaphoreType.DMA,
            pltpu.SemaphoreType.DMA,
        ],
    )
    def k(x_hbm, d0_hbm, d1_hbm, out_hbm, i0_v, i1_v, rows_v, sem0, sem1):
        base = _wid() * per
        pltpu.sync_copy(x_hbm.at[pl.ds(base, per)], rows_v)
        pltpu.sync_copy(d0_hbm.at[pl.ds(base, per)], i0_v)
        pltpu.sync_copy(d1_hbm.at[pl.ds(base, per)], i1_v)
        c0 = pltpu.async_copy(rows_v, out_hbm.at[i0_v], sem0)
        c1 = pltpu.async_copy(rows_v, out_hbm.at[i1_v], sem1)
        c0.wait()
        c1.wait()

    return k(x, d0, d1)


def _sc_combine(ys, d0, d1):
    per = S // NW
    out = jax.ShapeDtypeStruct((S, D), F32)
    hc = per // 2

    @functools.partial(
        pl.kernel,
        out_type=(out, out),
        mesh=_sc_mesh(),
        scratch_types=[
            pltpu.VMEM((per,), jnp.int32),
            pltpu.VMEM((per,), jnp.int32),
            pltpu.VMEM((hc, D), F32),
            pltpu.VMEM((hc, D), F32),
            pltpu.SemaphoreType.DMA,
            pltpu.SemaphoreType.DMA,
            pltpu.SemaphoreType.DMA,
            pltpu.SemaphoreType.DMA,
        ],
    )
    def k(ys_hbm, d0_hbm, d1_hbm, g0_hbm, g1_hbm, i0_v, i1_v, bufa, bufb,
          sg0, sg1, sw0, sw1):
        base = _wid() * per
        pltpu.sync_copy(d0_hbm.at[pl.ds(base, per)], i0_v)
        pltpu.sync_copy(d1_hbm.at[pl.ds(base, per)], i1_v)
        ga = pltpu.async_copy(ys_hbm.at[i0_v.at[pl.ds(0, hc)]], bufa, sg0)
        gb = pltpu.async_copy(ys_hbm.at[i0_v.at[pl.ds(hc, hc)]], bufb, sg1)
        ga.wait()
        wa = pltpu.async_copy(bufa, g0_hbm.at[pl.ds(base, hc)], sw0)
        gb.wait()
        wb = pltpu.async_copy(bufb, g0_hbm.at[pl.ds(base + hc, hc)], sw1)
        wa.wait()
        gc = pltpu.async_copy(ys_hbm.at[i1_v.at[pl.ds(0, hc)]], bufa, sg0)
        wb.wait()
        gd = pltpu.async_copy(ys_hbm.at[i1_v.at[pl.ds(hc, hc)]], bufb, sg1)
        gc.wait()
        wc = pltpu.async_copy(bufa, g1_hbm.at[pl.ds(base, hc)], sw0)
        gd.wait()
        wd = pltpu.async_copy(bufb, g1_hbm.at[pl.ds(base + hc, hc)], sw1)
        wc.wait()
        wd.wait()

    return k(ys, d0, d1)


def _dotT(a, b):
    return lax.dot_general(a.astype(BF16), b.astype(BF16),
                           (((1,), (1,)), ((), ())),
                           preferred_element_type=F32)


def _layer_norm(h, g, b):
    m = jnp.mean(h, axis=-1, keepdims=True)
    v = jnp.mean((h - m) ** 2, axis=-1, keepdims=True)
    return (h - m) / jnp.sqrt(v + EPS) * g + b


def _qkv0(g, pos2d, W, b):
    def body(g_ref, p_ref, w_ref, b_ref, xp_ref, qkv_ref):
        xp = g_ref[...] + p_ref[...]
        xp_ref[...] = xp
        qkv_ref[...] = _dotT(xp, w_ref[...]) + b_ref[...]

    return pl.pallas_call(
        body,
        grid=(8, 3),
        in_specs=[
            pl.BlockSpec((S // 8, D), lambda i, j: (i, 0)),
            pl.BlockSpec((S // 8, D), lambda i, j: (i, 0)),
            pl.BlockSpec((D, D), lambda i, j: (j, 0)),
            pl.BlockSpec((1, D), lambda i, j: (0, j)),
        ],
        out_specs=[
            pl.BlockSpec((S // 8, D), lambda i, j: (i, 0)),
            pl.BlockSpec((S // 8, D), lambda i, j: (i, j)),
        ],
        out_shape=[
            jax.ShapeDtypeStruct((S, D), F32),
            jax.ShapeDtypeStruct((S, 3 * D), F32),
        ],
    )(g, pos2d, W, b.reshape(1, 3 * D))


def _ln2qkv(x1, g0, g1, w, lg, lb, W, b):
    def body(x_ref, g0_ref, g1_ref, w_ref, lg_ref, lb_ref, wq_ref, b_ref,
             x2_ref, qkv_ref):
        j = pl.program_id(1)

        @pl.when(j == 0)
        def _():
            ww = w_ref[...]
            moe = ww[:, 0:1] * g0_ref[...] + ww[:, 1:2] * g1_ref[...]
            x2_ref[...] = _layer_norm(x_ref[...] + moe, lg_ref[...],
                                      lb_ref[...])

        qkv_ref[...] = _dotT(x2_ref[...], wq_ref[...]) + b_ref[...]

    return pl.pallas_call(
        body,
        grid=(8, 3),
        in_specs=[
            pl.BlockSpec((S // 8, D), lambda i, j: (i, 0)),
            pl.BlockSpec((S // 8, D), lambda i, j: (i, 0)),
            pl.BlockSpec((S // 8, D), lambda i, j: (i, 0)),
            pl.BlockSpec((S // 8, 2), lambda i, j: (i, 0)),
            pl.BlockSpec((1, D), lambda i, j: (0, 0)),
            pl.BlockSpec((1, D), lambda i, j: (0, 0)),
            pl.BlockSpec((D, D), lambda i, j: (j, 0)),
            pl.BlockSpec((1, D), lambda i, j: (0, j)),
        ],
        out_specs=[
            pl.BlockSpec((S // 8, D), lambda i, j: (i, 0)),
            pl.BlockSpec((S // 8, D), lambda i, j: (i, j)),
        ],
        out_shape=[
            jax.ShapeDtypeStruct((S, D), F32),
            jax.ShapeDtypeStruct((S, 3 * D), F32),
        ],
    )(x1, g0, g1, w, lg.reshape(1, D), lb.reshape(1, D), W,
      b.reshape(1, 3 * D))


def _attn(qkv):
    QB = 1024

    def body(q_ref, k_ref, v_ref, o_ref):
        kk = k_ref[...]
        vv = v_ref[...]
        outs = []
        for hh in range(2):
            sl = slice(hh * DH, (hh + 1) * DH)
            s = _dotT(q_ref[:, sl], kk[:, sl]) * (1.0 / (DH ** 0.5))
            s = s - jnp.max(s, axis=-1, keepdims=True)
            p = jnp.exp(s)
            p = p / jnp.sum(p, axis=-1, keepdims=True)
            outs.append(lax.dot_general(p.astype(BF16), vv[:, sl].astype(BF16),
                                        (((1,), (0,)), ((), ())),
                                        preferred_element_type=F32))
        o_ref[...] = jnp.concatenate(outs, axis=1)

    return pl.pallas_call(
        body,
        grid=(8, S // QB),
        in_specs=[
            pl.BlockSpec((QB, 128), lambda hp, qb: (qb, hp)),
            pl.BlockSpec((S, 128), lambda hp, qb: (0, 8 + hp)),
            pl.BlockSpec((S, 128), lambda hp, qb: (0, 16 + hp)),
        ],
        out_specs=pl.BlockSpec((QB, 128), lambda hp, qb: (qb, hp)),
        out_shape=jax.ShapeDtypeStruct((S, D), F32),
    )(qkv, qkv, qkv)


def _postattn_route(ao, Wo, bo, xp, lg, lb, Wr, br):
    def body(ao_ref, wo_ref, bo_ref, xp_ref, lg_ref, lb_ref, wr_ref, br_ref,
             x1_ref, w_ref, d0_ref, d1_ref, eot_ref):
        y = _dotT(ao_ref[...], wo_ref[...]) + bo_ref[...]
        x = _layer_norm(xp_ref[...] + y, lg_ref[...], lb_ref[...])
        x1_ref[...] = x

        logits = _dotT(x, wr_ref[...]) + br_ref[...]
        mx = jnp.max(logits, axis=-1, keepdims=True)
        p = jnp.exp(logits - mx)
        gates = p / jnp.sum(p, axis=-1, keepdims=True)

        idx8 = lax.broadcasted_iota(jnp.int32, (S, E), 1)
        m1 = jnp.max(gates, axis=-1, keepdims=True)
        i1 = jnp.min(jnp.where(gates == m1, idx8, E), axis=-1, keepdims=True)
        oh0 = (idx8 == i1).astype(F32)
        masked = jnp.where(idx8 == i1, -1.0, gates)
        m2 = jnp.max(masked, axis=-1, keepdims=True)
        i2 = jnp.min(jnp.where(masked == m2, idx8, E), axis=-1, keepdims=True)
        oh1 = (idx8 == i2).astype(F32)

        wsum = m1 + m2
        w_ref[...] = jnp.concatenate([m1 / wsum, m2 / wsum], axis=1)

        ii = lax.broadcasted_iota(jnp.int32, (512, 512), 0)
        jj = lax.broadcasted_iota(jnp.int32, (512, 512), 1)
        tril = (jj < ii).astype(F32)

        def exc_prefix(oh):
            parts = []
            carry = jnp.zeros((1, E), F32)
            for bb in range(4):
                blk = oh[bb * 512:(bb + 1) * 512]
                parts.append(jnp.dot(tril, blk, preferred_element_type=F32,
                                     precision=lax.Precision.HIGHEST) + carry)
                carry = carry + jnp.sum(blk, axis=0, keepdims=True)
            return jnp.concatenate(parts, axis=0), carry

        pre0, c0 = exc_prefix(oh0)
        pre1, c1 = exc_prefix(oh1)
        counts = c0 + c1
        padded = jnp.floor((counts + (BT - 1)) / BT) * BT
        ei = lax.broadcasted_iota(jnp.int32, (E, E), 0)
        ej = lax.broadcasted_iota(jnp.int32, (E, E), 1)
        tril8 = (ei < ej).astype(F32)
        pstart = jnp.dot(padded, tril8, preferred_element_type=F32,
                         precision=lax.Precision.HIGHEST)

        d0 = jnp.sum((pstart + pre0) * oh0, axis=-1, keepdims=True)
        d1 = jnp.sum((pstart + c0 + pre1) * oh1, axis=-1, keepdims=True)
        d0_ref[...] = d0.astype(jnp.int32)
        d1_ref[...] = d1.astype(jnp.int32)

        ts = lax.broadcasted_iota(jnp.int32, (NTILES, E), 0).astype(F32) * BT
        cmp = (ts >= pstart).astype(jnp.int32)
        eot_ref[...] = jnp.sum(cmp, axis=-1, keepdims=True) - 1

    return pl.pallas_call(
        body,
        grid=(1,),
        in_specs=[
            pl.BlockSpec((S, D), lambda i: (0, 0)),
            pl.BlockSpec((D, D), lambda i: (0, 0)),
            pl.BlockSpec((1, D), lambda i: (0, 0)),
            pl.BlockSpec((S, D), lambda i: (0, 0)),
            pl.BlockSpec((1, D), lambda i: (0, 0)),
            pl.BlockSpec((1, D), lambda i: (0, 0)),
            pl.BlockSpec((E, D), lambda i: (0, 0)),
            pl.BlockSpec((1, E), lambda i: (0, 0)),
        ],
        out_specs=[
            pl.BlockSpec((S, D), lambda i: (0, 0)),
            pl.BlockSpec((S, 2), lambda i: (0, 0)),
            pl.BlockSpec((S, 1), lambda i: (0, 0)),
            pl.BlockSpec((S, 1), lambda i: (0, 0)),
            pl.BlockSpec((NTILES, 1), lambda i: (0, 0)),
        ],
        out_shape=[
            jax.ShapeDtypeStruct((S, D), F32),
            jax.ShapeDtypeStruct((S, 2), F32),
            jax.ShapeDtypeStruct((S, 1), jnp.int32),
            jax.ShapeDtypeStruct((S, 1), jnp.int32),
            jax.ShapeDtypeStruct((NTILES, 1), jnp.int32),
        ],
    )(ao, Wo, bo.reshape(1, D), xp, lg.reshape(1, D), lb.reshape(1, D), Wr,
      br.reshape(1, E))


def _gmm(eot, xs, W1l, b1l, W2l, b2l):
    HB = 512

    def body(eot_ref, xs_ref, w1_ref, b1_ref, w2_ref, b2_ref, o_ref):
        j = pl.program_id(1)
        h = jnp.maximum(_dotT(xs_ref[...], w1_ref[0]) + b1_ref[0], 0.0)
        part = _dotT(h, w2_ref[0])

        @pl.when(j == 0)
        def _():
            o_ref[...] = part + b2_ref[0]

        @pl.when(j > 0)
        def _():
            o_ref[...] += part

    grid_spec = pltpu.PrefetchScalarGridSpec(
        num_scalar_prefetch=1,
        grid=(NTILES, HID // HB),
        in_specs=[
            pl.BlockSpec((BT, D), lambda i, j, eot: (i, 0)),
            pl.BlockSpec((1, HB, D), lambda i, j, eot: (eot[i, 0], j, 0)),
            pl.BlockSpec((1, 1, HB), lambda i, j, eot: (eot[i, 0], 0, j)),
            pl.BlockSpec((1, D, HB), lambda i, j, eot: (eot[i, 0], 0, j)),
            pl.BlockSpec((1, 1, D), lambda i, j, eot: (eot[i, 0], 0, 0)),
        ],
        out_specs=pl.BlockSpec((BT, D), lambda i, j, eot: (i, 0)),
    )
    return pl.pallas_call(
        body,
        grid_spec=grid_spec,
        out_shape=jax.ShapeDtypeStruct((NPAD, D), F32),
    )(eot, xs, W1l, b1l.reshape(E, 1, HID), W2l, b2l.reshape(E, 1, D))


def _ln2final(x1, g0, g1, w, lg, lb, Wout, bout):
    RB, CB = 512, 1280

    def body(x_ref, g0_ref, g1_ref, w_ref, lg_ref, lb_ref, wo_ref, b_ref,
             o_ref, x2_scr):
        j = pl.program_id(1)

        @pl.when(j == 0)
        def _():
            ww = w_ref[...]
            moe = ww[:, 0:1] * g0_ref[...] + ww[:, 1:2] * g1_ref[...]
            x2_scr[...] = _layer_norm(x_ref[...] + moe, lg_ref[...],
                                      lb_ref[...])

        o_ref[...] = _dotT(x2_scr[...], wo_ref[...]) + b_ref[...]

    return pl.pallas_call(
        body,
        grid=(S // RB, VOCAB // CB),
        in_specs=[
            pl.BlockSpec((RB, D), lambda i, j: (i, 0)),
            pl.BlockSpec((RB, D), lambda i, j: (i, 0)),
            pl.BlockSpec((RB, D), lambda i, j: (i, 0)),
            pl.BlockSpec((RB, 2), lambda i, j: (i, 0)),
            pl.BlockSpec((1, D), lambda i, j: (0, 0)),
            pl.BlockSpec((1, D), lambda i, j: (0, 0)),
            pl.BlockSpec((CB, D), lambda i, j: (j, 0)),
            pl.BlockSpec((1, CB), lambda i, j: (0, j)),
        ],
        out_specs=pl.BlockSpec((RB, CB), lambda i, j: (i, j)),
        out_shape=jax.ShapeDtypeStruct((S, VOCAB), F32),
        scratch_shapes=[pltpu.VMEM((RB, D), F32)],
    )(x1, g0, g1, w, lg.reshape(1, D), lb.reshape(1, D), Wout,
      bout.reshape(1, VOCAB))


def kernel(src, emb, pos, Wqkv, bqkv, Wo, bo, ln1_g, ln1_b, ln2_g, ln2_b,
           Wr, br, W1, b1, W2, b2, Wout, bout):
    Wqkv = Wqkv.astype(BF16)
    Wo = Wo.astype(BF16)
    W1 = W1.astype(BF16)
    W2 = W2.astype(BF16)
    srcf = src.reshape(S)
    gath = _sc_gather(emb, srcf)
    pos2d = pos[0, :S, :]
    moe_state = None
    for l in range(L):
        if l == 0:
            xp, qkv = _qkv0(gath, pos2d, Wqkv[l], bqkv[l])
        else:
            x1p, g0p, g1p, wp = moe_state
            xp, qkv = _ln2qkv(x1p, g0p, g1p, wp, ln2_g[l - 1], ln2_b[l - 1],
                              Wqkv[l], bqkv[l])
        ao = _attn(qkv)
        x1, w, d0, d1, eot = _postattn_route(ao, Wo[l], bo[l], xp,
                                             ln1_g[l], ln1_b[l], Wr[l], br[l])
        d0f = d0.reshape(S)
        d1f = d1.reshape(S)
        xs = _sc_dispatch(x1, d0f, d1f)
        ys = _gmm(eot, xs, W1[l], b1[l], W2[l], b2[l])
        g0, g1 = _sc_combine(ys, d0f, d1f)
        moe_state = (x1, g0, g1, w)
    x1, g0, g1, w = moe_state
    out = _ln2final(x1, g0, g1, w, ln2_g[L - 1], ln2_b[L - 1], Wout, bout)
    return out.reshape(1, S, VOCAB)

# --- scband reference (transcript-rebuilt; emitter-appended) ---
"""Pipeline reference for scband-model-37211596653143 (READ-ONLY COPY).

The authoritative reference and input builder live on the scoring server;
editing this copy changes nothing except your own understanding.
"""

import jax, jax.numpy as jnp
import numpy as np

MODEL_DIM = 1024
NUM_HEADS = 16
NUM_EXPERTS = 8
HIDDEN_DIM = 2048
NUM_LAYERS = 2
VOCAB = 32000
MAX_SEQ = 2048
TOP_K = 2
B = 1
S = 2048


def layer_norm(x, g, b, eps=1e-5):
    m = jnp.mean(x, axis=-1, keepdims=True)
    v = jnp.mean((x - m) ** 2, axis=-1, keepdims=True)
    return (x - m) / jnp.sqrt(v + eps) * g + b


def setup_inputs(seed: int = 0) -> dict:
    key = jax.random.key(seed)
    ks = jax.random.split(key, 16)
    s = 0.02
    d, L, E, h = MODEL_DIM, NUM_LAYERS, NUM_EXPERTS, HIDDEN_DIM
    inp = {
        "src": jax.random.randint(ks[0], (B, S), 0, VOCAB, dtype=jnp.int32),
        "emb": jax.random.normal(ks[1], (VOCAB, d), dtype=jnp.float32) * s,
        "pos": jnp.zeros((1, MAX_SEQ, d), dtype=jnp.float32),
        "Wqkv": jax.random.normal(ks[2], (L, 3 * d, d), dtype=jnp.float32) * s,
        "bqkv": jnp.zeros((L, 3 * d), dtype=jnp.float32),
        "Wo": jax.random.normal(ks[3], (L, d, d), dtype=jnp.float32) * s,
        "bo": jnp.zeros((L, d), dtype=jnp.float32),
        "ln1_g": jnp.ones((L, d), dtype=jnp.float32),
        "ln1_b": jnp.zeros((L, d), dtype=jnp.float32),
        "ln2_g": jnp.ones((L, d), dtype=jnp.float32),
        "ln2_b": jnp.zeros((L, d), dtype=jnp.float32),
        "Wr": jax.random.normal(ks[4], (L, E, d), dtype=jnp.float32) * s,
        "br": jnp.zeros((L, E), dtype=jnp.float32),
        "W1": jax.random.normal(ks[5], (L, E, h, d), dtype=jnp.float32) * s,
        "b1": jnp.zeros((L, E, h), dtype=jnp.float32),
        "W2": jax.random.normal(ks[6], (L, E, d, h), dtype=jnp.float32) * s,
        "b2": jnp.zeros((L, E, d), dtype=jnp.float32),
        "Wout": jax.random.normal(ks[7], (VOCAB, d), dtype=jnp.float32) * s,
        "bout": jnp.zeros((VOCAB,), dtype=jnp.float32),
    }
    return inp


def reference(src, emb, pos, Wqkv, bqkv, Wo, bo, ln1_g, ln1_b, ln2_g, ln2_b,
              Wr, br, W1, b1, W2, b2, Wout, bout):
    x = jnp.take(emb, src, axis=0) + pos[:, :src.shape[1], :]
    Bn, Sn, d = x.shape
    H = NUM_HEADS
    dh = d // H
    for l in range(NUM_LAYERS):
        # multi-head self-attention
        qkv = x @ Wqkv[l].T + bqkv[l]
        q, k, v = jnp.split(qkv, 3, axis=-1)
        q = q.reshape(Bn, Sn, H, dh).transpose(0, 2, 1, 3)
        k = k.reshape(Bn, Sn, H, dh).transpose(0, 2, 1, 3)
        v = v.reshape(Bn, Sn, H, dh).transpose(0, 2, 1, 3)
        scores = jnp.einsum('bhqd,bhkd->bhqk', q, k) / (dh ** 0.5)
        attn = jax.nn.softmax(scores, axis=-1)
        ao = jnp.einsum('bhqk,bhkd->bhqd', attn, v)
        ao = ao.transpose(0, 2, 1, 3).reshape(Bn, Sn, d)
        ao = ao @ Wo[l].T + bo[l]
        x = layer_norm(x + ao, ln1_g[l], ln1_b[l])
        # Mixture-of-Experts FFN with top-k routing
        logits = x @ Wr[l].T + br[l]
        gates = jax.nn.softmax(logits, axis=-1)
        topv, topi = jax.lax.top_k(gates, TOP_K)
        topv = topv / jnp.sum(topv, axis=-1, keepdims=True)
        moe = jnp.zeros_like(x)
        for e in range(NUM_EXPERTS):
            w_e = jnp.sum(jnp.where(topi == e, topv, 0.0), axis=-1)
            he = jax.nn.relu(x @ W1[l][e].T + b1[l][e])
            ye = he @ W2[l][e].T + b2[l][e]
            moe = moe + w_e[..., None] * ye
        x = layer_norm(x + moe, ln2_g[l], ln2_b[l])
    return x @ Wout.T + bout

if __name__ == "__main__":
    import jax
    _d = setup_inputs()
    print(jax.jit(kernel)(*tuple(_d.values())))

</pallas_src>

<mosaic_0001>
#map = affine_map<(d0, d1) -> (0, 0)>
#map1 = affine_map<(d0, d1) -> (0)>
module attributes {stable_mosaic.version = 14 : i64} {
  func.func @k(%arg0: i32, %arg1: i32, %arg2: memref<5120x1024xf32, #tpu.memory_space<hbm>>, %arg3: memref<2048xi32, #tpu.memory_space<hbm>>, %arg4: memref<2048xi32, #tpu.memory_space<hbm>>, %arg5: memref<2048x1024xf32, #tpu.memory_space<hbm>>, %arg6: memref<2048x1024xf32, #tpu.memory_space<hbm>>, %arg7: memref<64xi32, #tpu.memory_space<vmem>>, %arg8: memref<64xi32, #tpu.memory_space<vmem>>, %arg9: memref<32x1024xf32, #tpu.memory_space<vmem>>, %arg10: memref<32x1024xf32, #tpu.memory_space<vmem>>, %arg11: memref<!tpu.dma_semaphore, #tpu.memory_space<semaphore_mem>>, %arg12: memref<!tpu.dma_semaphore, #tpu.memory_space<semaphore_mem>>, %arg13: memref<!tpu.dma_semaphore, #tpu.memory_space<semaphore_mem>>, %arg14: memref<!tpu.dma_semaphore, #tpu.memory_space<semaphore_mem>>) attributes {dimension_semantics = [#tpu.dimension_semantics<core_parallel>, #tpu.dimension_semantics<subcore_parallel>], iteration_bounds = array<i64: 2, 16>, scalar_prefetch = 0 : i64, scratch_operands = 8 : i64, tpu.core_type = #tpu.core_type<sc_vector_subcore>, window_params = [{transform_indices = #map}, {transform_indices = #map1}, {transform_indices = #map1}, {transform_indices = #map}, {transform_indices = #map}]} {
    %mul3A = arith.constant 2 : i32
    %mul3A_0 = arith.muli %arg1, %mul3A : i32
    %add3A = arith.addi %mul3A_0, %arg0 : i32
    %mul3A_1 = arith.constant 64 : i32
    %mul3A_2 = arith.muli %add3A, %mul3A_1 : i32
    "tpu.region"() ({
      %run_scoped3A = tpu.sem_alloc : memref<!tpu.dma_semaphore, #tpu.memory_space<semaphore_mem>>
      %dma_start3A_77 = tpu.memref_slice %arg3[%mul3A_2] : memref<2048xi32, #tpu.memory_space<hbm>> -> memref<64xi32, #tpu.memory_space<hbm>>
      %dma_start3A_78 = tpu.memref_slice %arg3[%mul3A_2] : memref<2048xi32, #tpu.memory_space<hbm>> -> memref<64xi32, #tpu.memory_space<hbm>>
      tpu.enqueue_dma source(%dma_start3A_78 : memref<64xi32, #tpu.memory_space<hbm>>) target(%arg7 : memref<64xi32, #tpu.memory_space<vmem>>) target_semaphore(%run_scoped3A : memref<!tpu.dma_semaphore, #tpu.memory_space<semaphore_mem>>)
      %dma_wait3A_79 = tpu.memref_slice %arg3[%mul3A_2] : memref<2048xi32, #tpu.memory_space<hbm>> -> memref<64xi32, #tpu.memory_space<hbm>>
      %dma_wait3A_80 = tpu.memref_slice %arg3[%mul3A_2] : memref<2048xi32, #tpu.memory_space<hbm>> -> memref<64xi32, #tpu.memory_space<hbm>>
      tpu.wait_dma2 semaphore(%run_scoped3A : memref<!tpu.dma_semaphore, #tpu.memory_space<semaphore_mem>>) src(%dma_wait3A_80 : memref<64xi32, #tpu.memory_space<hbm>>) dst(%arg7 : memref<64xi32, #tpu.memory_space<vmem>>)
      tpu.yield
    }) : () -> ()
    "tpu.region"() ({
      %run_scoped3A = tpu.sem_alloc : memref<!tpu.dma_semaphore, #tpu.memory_space<semaphore_mem>>
      %dma_start3A_77 = tpu.memref_slice %arg4[%mul3A_2] : memref<2048xi32, #tpu.memory_space<hbm>> -> memref<64xi32, #tpu.memory_space<hbm>>
      %dma_start3A_78 = tpu.memref_slice %arg4[%mul3A_2] : memref<2048xi32, #tpu.memory_space<hbm>> -> memref<64xi32, #tpu.memory_space<hbm>>
      tpu.enqueue_dma source(%dma_start3A_78 : memref<64xi32, #tpu.memory_space<hbm>>) target(%arg8 : memref<64xi32, #tpu.memory_space<vmem>>) target_semaphore(%run_scoped3A : memref<!tpu.dma_semaphore, #tpu.memory_space<semaphore_mem>>)
      %dma_wait3A_79 = tpu.memref_slice %arg4[%mul3A_2] : memref<2048xi32, #tpu.memory_space<hbm>> -> memref<64xi32, #tpu.memory_space<hbm>>
      %dma_wait3A_80 = tpu.memref_slice %arg4[%mul3A_2] : memref<2048xi32, #tpu.memory_space<hbm>> -> memref<64xi32, #tpu.memory_space<hbm>>
      tpu.wait_dma2 semaphore(%run_scoped3A : memref<!tpu.dma_semaphore, #tpu.memory_space<semaphore_mem>>) src(%dma_wait3A_80 : memref<64xi32, #tpu.memory_space<hbm>>) dst(%arg8 : memref<64xi32, #tpu.memory_space<vmem>>)
      tpu.yield
    }) : () -> ()
    %dma_start3A = arith.constant 0 : i32
    %dma_start3A_3 = tpu.memref_slice %arg7[%dma_start3A] : memref<64xi32, #tpu.memory_space<vmem>> -> memref<32xi32, #tpu.memory_space<vmem>>
    %dma_start3A_4 = arith.constant 0 : i32
    %dma_start3A_5 = arith.constant 0 : i32
    %dma_start3A_6 = tpu.memref_slice %arg2[%dma_start3A_4, %dma_start3A_5] : memref<5120x1024xf32, #tpu.memory_space<hbm>> -> memref<5120x1024xf32, #tpu.memory_space<hbm>>
    tpu.enqueue_indirect_dma source(%dma_start3A_6 : memref<5120x1024xf32, #tpu.memory_space<hbm>>) target(%arg9 : memref<32x1024xf32, #tpu.memory_space<vmem>>) offsets(%dma_start3A_3 : memref<32xi32, #tpu.memory_space<vmem>>) semaphore(%arg11 : memref<!tpu.dma_semaphore, #tpu.memory_space<semaphore_mem>>)
    %dma_start3A_7 = arith.constant 32 : i32
    %dma_start3A_8 = tpu.memref_slice %arg7[%dma_start3A_7] : memref<64xi32, #tpu.memory_space<vmem>> -> memref<32xi32, #tpu.memory_space<vmem>>
    %dma_start3A_9 = arith.constant 0 : i32
    %dma_start3A_10 = arith.constant 0 : i32
    %dma_start3A_11 = tpu.memref_slice %arg2[%dma_start3A_9, %dma_start3A_10] : memref<5120x1024xf32, #tpu.memory_space<hbm>> -> memref<5120x1024xf32, #tpu.memory_space<hbm>>
    tpu.enqueue_indirect_dma source(%dma_start3A_11 : memref<5120x1024xf32, #tpu.memory_space<hbm>>) target(%arg10 : memref<32x1024xf32, #tpu.memory_space<vmem>>) offsets(%dma_start3A_8 : memref<32xi32, #tpu.memory_space<vmem>>) semaphore(%arg12 : memref<!tpu.dma_semaphore, #tpu.memory_space<semaphore_mem>>)
    %dma_wait3A = arith.constant 0 : i32
    %dma_wait3A_12 = tpu.memref_slice %arg7[%dma_wait3A] : memref<64xi32, #tpu.memory_space<vmem>> -> memref<32xi32, #tpu.memory_space<vmem>>
    %dma_wait3A_13 = arith.constant 0 : i32
    %dma_wait3A_14 = arith.constant 0 : i32
    %dma_wait3A_15 = tpu.memref_slice %arg2[%dma_wait3A_13, %dma_wait3A_14] : memref<5120x1024xf32, #tpu.memory_space<hbm>> -> memref<5120x1024xf32, #tpu.memory_space<hbm>>
    tpu.wait_indirect_dma semaphore(%arg11 : memref<!tpu.dma_semaphore, #tpu.memory_space<semaphore_mem>>) src(%dma_wait3A_15 : memref<5120x1024xf32, #tpu.memory_space<hbm>>) dst(%arg9 : memref<32x1024xf32, #tpu.memory_space<vmem>>)
    %dma_start3A_16 = arith.constant 0 : i32
    %dma_start3A_17 = tpu.memref_slice %arg5[%mul3A_2, %dma_start3A_16] : memref<2048x1024xf32, #tpu.memory_space<hbm>> -> memref<32x1024xf32, #tpu.memory_space<hbm>>
    %dma_start3A_18 = arith.constant 0 : i32
    %dma_start3A_19 = tpu.memref_slice %arg5[%mul3A_2, %dma_start3A_18] : memref<2048x1024xf32, #tpu.memory_space<hbm>> -> memref<32x1024xf32, #tpu.memory_space<hbm>>
    tpu.enqueue_dma source(%arg9 : memref<32x1024xf32, #tpu.memory_space<vmem>>) target(%dma_start3A_19 : memref<32x1024xf32, #tpu.memory_space<hbm>>) target_semaphore(%arg13 : memref<!tpu.dma_semaphore, #tpu.memory_space<semaphore_mem>>)
    %dma_wait3A_20 = arith.constant 32 : i32
    %dma_wait3A_21 = tpu.memref_slice %arg7[%dma_wait3A_20] : memref<64xi32, #tpu.memory_space<vmem>> -> memref<32xi32, #tpu.memory_space<vmem>>
    %dma_wait3A_22 = arith.constant 0 : i32
    %dma_wait3A_23 = arith.constant 0 : i32
    %dma_wait3A_24 = tpu.memref_slice %arg2[%dma_wait3A_22, %dma_wait3A_23] : memref<5120x1024xf32, #tpu.memory_space<hbm>> -> memref<5120x1024xf32, #tpu.memory_space<hbm>>
    tpu.wait_indirect_dma semaphore(%arg12 : memref<!tpu.dma_semaphore, #tpu.memory_space<semaphore_mem>>) src(%dma_wait3A_24 : memref<5120x1024xf32, #tpu.memory_space<hbm>>) dst(%arg10 : memref<32x1024xf32, #tpu.memory_space<vmem>>)
    %add3A_25 = arith.constant 32 : i32
    %add3A_26 = arith.addi %mul3A_2, %add3A_25 : i32
    %dma_start3A_27 = arith.constant 0 : i32
    %dma_start3A_28 = tpu.memref_slice %arg5[%add3A_26, %dma_start3A_27] : memref<2048x1024xf32, #tpu.memory_space<hbm>> -> memref<32x1024xf32, #tpu.memory_space<hbm>>
    %dma_start3A_29 = arith.constant 0 : i32
    %dma_start3A_30 = tpu.memref_slice %arg5[%add3A_26, %dma_start3A_29] : memref<2048x1024xf32, #tpu.memory_space<hbm>> -> memref<32x1024xf32, #tpu.memory_space<hbm>>
    tpu.enqueue_dma source(%arg10 : memref<32x1024xf32, #tpu.memory_space<vmem>>) target(%dma_start3A_30 : memref<32x1024xf32, #tpu.memory_space<hbm>>) target_semaphore(%arg14 : memref<!tpu.dma_semaphore, #tpu.memory_space<semaphore_mem>>)
    %dma_wait3A_31 = arith.constant 0 : i32
    %dma_wait3A_32 = tpu.memref_slice %arg5[%mul3A_2, %dma_wait3A_31] : memref<2048x1024xf32, #tpu.memory_space<hbm>> -> memref<32x1024xf32, #tpu.memory_space<hbm>>
    %dma_wait3A_33 = arith.constant 0 : i32
    %dma_wait3A_34 = tpu.memref_slice %arg5[%mul3A_2, %dma_wait3A_33] : memref<2048x1024xf32, #tpu.memory_space<hbm>> -> memref<32x1024xf32, #tpu.memory_space<hbm>>
    tpu.wait_dma2 semaphore(%arg13 : memref<!tpu.dma_semaphore, #tpu.memory_space<semaphore_mem>>) src(%arg9 : memref<32x1024xf32, #tpu.memory_space<vmem>>) dst(%dma_wait3A_34 : memref<32x1024xf32, #tpu.memory_space<hbm>>)
    %dma_start3A_35 = arith.constant 0 : i32
    %dma_start3A_36 = tpu.memref_slice %arg8[%dma_start3A_35] : memref<64xi32, #tpu.memory_space<vmem>> -> memref<32xi32, #tpu.memory_space<vmem>>
    %dma_start3A_37 = arith.constant 0 : i32
    %dma_start3A_38 = arith.constant 0 : i32
    %dma_start3A_39 = tpu.memref_slice %arg2[%dma_start3A_37, %dma_start3A_38] : memref<5120x1024xf32, #tpu.memory_space<hbm>> -> memref<5120x1024xf32, #tpu.memory_space<hbm>>
    tpu.enqueue_indirect_dma source(%dma_start3A_39 : memref<5120x1024xf32, #tpu.memory_space<hbm>>) target(%arg9 : memref<32x1024xf32, #tpu.memory_space<vmem>>) offsets(%dma_start3A_36 : memref<32xi32, #tpu.memory_space<vmem>>) semaphore(%arg11 : memref<!tpu.dma_semaphore, #tpu.memory_space<semaphore_mem>>)
    %dma_wait3A_40 = arith.constant 0 : i32
    %dma_wait3A_41 = tpu.memref_slice %arg5[%add3A_26, %dma_wait3A_40] : memref<2048x1024xf32, #tpu.memory_space<hbm>> -> memref<32x1024xf32, #tpu.memory_space<hbm>>
    %dma_wait3A_42 = arith.constant 0 : i32
    %dma_wait3A_43 = tpu.memref_slice %arg5[%add3A_26, %dma_wait3A_42] : memref<2048x1024xf32, #tpu.memory_space<hbm>> -> memref<32x1024xf32, #tpu.memory_space<hbm>>
    tpu.wait_dma2 semaphore(%arg14 : memref<!tpu.dma_semaphore, #tpu.memory_space<semaphore_mem>>) src(%arg10 : memref<32x1024xf32, #tpu.memory_space<vmem>>) dst(%dma_wait3A_43 : memref<32x1024xf32, #tpu.memory_space<hbm>>)
    %dma_start3A_44 = arith.constant 32 : i32
    %dma_start3A_45 = tpu.memref_slice %arg8[%dma_start3A_44] : memref<64xi32, #tpu.memory_space<vmem>> -> memref<32xi32, #tpu.memory_space<vmem>>
    %dma_start3A_46 = arith.constant 0 : i32
    %dma_start3A_47 = arith.constant 0 : i32
    %dma_start3A_48 = tpu.memref_slice %arg2[%dma_start3A_46, %dma_start3A_47] : memref<5120x1024xf32, #tpu.memory_space<hbm>> -> memref<5120x1024xf32, #tpu.memory_space<hbm>>
    tpu.enqueue_indirect_dma source(%dma_start3A_48 : memref<5120x1024xf32, #tpu.memory_space<hbm>>) target(%arg10 : memref<32x1024xf32, #tpu.memory_space<vmem>>) offsets(%dma_start3A_45 : memref<32xi32, #tpu.memory_space<vmem>>) semaphore(%arg12 : memref<!tpu.dma_semaphore, #tpu.memory_space<semaphore_mem>>)
    %dma_wait3A_49 = arith.constant 0 : i32
    %dma_wait3A_50 = tpu.memref_slice %arg8[%dma_wait3A_49] : memref<64xi32, #tpu.memory_space<vmem>> -> memref<32xi32, #tpu.memory_space<vmem>>
    %dma_wait3A_51 = arith.constant 0 : i32
    %dma_wait3A_52 = arith.constant 0 : i32
    %dma_wait3A_53 = tpu.memref_slice %arg2[%dma_wait3A_51, %dma_wait3A_52] : memref<5120x1024xf32, #tpu.memory_space<hbm>> -> memref<5120x1024xf32, #tpu.memory_space<hbm>>
    tpu.wait_indirect_dma semaphore(%arg11 : memref<!tpu.dma_semaphore, #tpu.memory_space<semaphore_mem>>) src(%dma_wait3A_53 : memref<5120x1024xf32, #tpu.memory_space<hbm>>) dst(%arg9 : memref<32x1024xf32, #tpu.memory_space<vmem>>)
    %dma_start3A_54 = arith.constant 0 : i32
    %dma_start3A_55 = tpu.memref_slice %arg6[%mul3A_2, %dma_start3A_54] : memref<2048x1024xf32, #tpu.memory_space<hbm>> -> memref<32x1024xf32, #tpu.memory_space<hbm>>
    %dma_start3A_56 = arith.constant 0 : i32
    %dma_start3A_57 = tpu.memref_slice %arg6[%mul3A_2, %dma_start3A_56] : memref<2048x1024xf32, #tpu.memory_space<hbm>> -> memref<32x1024xf32, #tpu.memory_space<hbm>>
    tpu.enqueue_dma source(%arg9 : memref<32x1024xf32, #tpu.memory_space<vmem>>) target(%dma_start3A_57 : memref<32x1024xf32, #tpu.memory_space<hbm>>) target_semaphore(%arg13 : memref<!tpu.dma_semaphore, #tpu.memory_space<semaphore_mem>>)
    %dma_wait3A_58 = arith.constant 32 : i32
    %dma_wait3A_59 = tpu.memref_slice %arg8[%dma_wait3A_58] : memref<64xi32, #tpu.memory_space<vmem>> -> memref<32xi32, #tpu.memory_space<vmem>>
    %dma_wait3A_60 = arith.constant 0 : i32
    %dma_wait3A_61 = arith.constant 0 : i32
    %dma_wait3A_62 = tpu.memref_slice %arg2[%dma_wait3A_60, %dma_wait3A_61] : memref<5120x1024xf32, #tpu.memory_space<hbm>> -> memref<5120x1024xf32, #tpu.memory_space<hbm>>
    tpu.wait_indirect_dma semaphore(%arg12 : memref<!tpu.dma_semaphore, #tpu.memory_space<semaphore_mem>>) src(%dma_wait3A_62 : memref<5120x1024xf32, #tpu.memory_space<hbm>>) dst(%arg10 : memref<32x1024xf32, #tpu.memory_space<vmem>>)
    %add3A_63 = arith.constant 32 : i32
    %add3A_64 = arith.addi %mul3A_2, %add3A_63 : i32
    %dma_start3A_65 = arith.constant 0 : i32
    %dma_start3A_66 = tpu.memref_slice %arg6[%add3A_64, %dma_start3A_65] : memref<2048x1024xf32, #tpu.memory_space<hbm>> -> memref<32x1024xf32, #tpu.memory_space<hbm>>
    %dma_start3A_67 = arith.constant 0 : i32
    %dma_start3A_68 = tpu.memref_slice %arg6[%add3A_64, %dma_start3A_67] : memref<2048x1024xf32, #tpu.memory_space<hbm>> -> memref<32x1024xf32, #tpu.memory_space<hbm>>
    tpu.enqueue_dma source(%arg10 : memref<32x1024xf32, #tpu.memory_space<vmem>>) target(%dma_start3A_68 : memref<32x1024xf32, #tpu.memory_space<hbm>>) target_semaphore(%arg14 : memref<!tpu.dma_semaphore, #tpu.memory_space<semaphore_mem>>)
    %dma_wait3A_69 = arith.constant 0 : i32
    %dma_wait3A_70 = tpu.memref_slice %arg6[%mul3A_2, %dma_wait3A_69] : memref<2048x1024xf32, #tpu.memory_space<hbm>> -> memref<32x1024xf32, #tpu.memory_space<hbm>>
    %dma_wait3A_71 = arith.constant 0 : i32
    %dma_wait3A_72 = tpu.memref_slice %arg6[%mul3A_2, %dma_wait3A_71] : memref<2048x1024xf32, #tpu.memory_space<hbm>> -> memref<32x1024xf32, #tpu.memory_space<hbm>>
    tpu.wait_dma2 semaphore(%arg13 : memref<!tpu.dma_semaphore, #tpu.memory_space<semaphore_mem>>) src(%arg9 : memref<32x1024xf32, #tpu.memory_space<vmem>>) dst(%dma_wait3A_72 : memref<32x1024xf32, #tpu.memory_space<hbm>>)
    %dma_wait3A_73 = arith.constant 0 : i32
    %dma_wait3A_74 = tpu.memref_slice %arg6[%add3A_64, %dma_wait3A_73] : memref<2048x1024xf32, #tpu.memory_space<hbm>> -> memref<32x1024xf32, #tpu.memory_space<hbm>>
    %dma_wait3A_75 = arith.constant 0 : i32
    %dma_wait3A_76 = tpu.memref_slice %arg6[%add3A_64, %dma_wait3A_75] : memref<2048x1024xf32, #tpu.memory_space<hbm>> -> memref<32x1024xf32, #tpu.memory_space<hbm>>
    tpu.wait_dma2 semaphore(%arg14 : memref<!tpu.dma_semaphore, #tpu.memory_space<semaphore_mem>>) src(%arg10 : memref<32x1024xf32, #tpu.memory_space<vmem>>) dst(%dma_wait3A_76 : memref<32x1024xf32, #tpu.memory_space<hbm>>)
    return
  }
}

#map = affine_map<(d0, d1) -> (0, 0)>
#map1 = affine_map<(d0, d1) -> (0)>
module attributes {stable_mosaic.version = 14 : i64} {
  func.func @k(%arg0: i32, %arg1: i32, %arg2: memref<32000x1024xf32, #tpu.memory_space<hbm>>, %arg3: memref<2048xi32, #tpu.memory_space<hbm>>, %arg4: memref<2048x1024xf32, #tpu.memory_space<hbm>>, %arg5: memref<64xi32, #tpu.memory_space<vmem>>, %arg6: memref<64x1024xf32, #tpu.memory_space<vmem>>, %arg7: memref<!tpu.dma_semaphore, #tpu.memory_space<semaphore_mem>>) attributes {dimension_semantics = [#tpu.dimension_semantics<core_parallel>, #tpu.dimension_semantics<subcore_parallel>], iteration_bounds = array<i64: 2, 16>, scalar_prefetch = 0 : i64, scratch_operands = 3 : i64, tpu.core_type = #tpu.core_type<sc_vector_subcore>, window_params = [{transform_indices = #map}, {transform_indices = #map1}, {transform_indices = #map}]} {
    %mul3A = arith.constant 2 : i32
    %mul3A_0 = arith.muli %arg1, %mul3A : i32
    %add3A = arith.addi %mul3A_0, %arg0 : i32
    %mul3A_1 = arith.constant 64 : i32
    %mul3A_2 = arith.muli %add3A, %mul3A_1 : i32
    "tpu.region"() ({
      %run_scoped3A = tpu.sem_alloc : memref<!tpu.dma_semaphore, #tpu.memory_space<semaphore_mem>>
      %dma_start3A_7 = tpu.memref_slice %arg3[%mul3A_2] : memref<2048xi32, #tpu.memory_space<hbm>> -> memref<64xi32, #tpu.memory_space<hbm>>
      %dma_start3A_8 = tpu.memref_slice %arg3[%mul3A_2] : memref<2048xi32, #tpu.memory_space<hbm>> -> memref<64xi32, #tpu.memory_space<hbm>>
      tpu.enqueue_dma source(%dma_start3A_8 : memref<64xi32, #tpu.memory_space<hbm>>) target(%arg5 : memref<64xi32, #tpu.memory_space<vmem>>) target_semaphore(%run_scoped3A : memref<!tpu.dma_semaphore, #tpu.memory_space<semaphore_mem>>)
      %dma_wait3A_9 = tpu.memref_slice %arg3[%mul3A_2] : memref<2048xi32, #tpu.memory_space<hbm>> -> memref<64xi32, #tpu.memory_space<hbm>>
      %dma_wait3A_10 = tpu.memref_slice %arg3[%mul3A_2] : memref<2048xi32, #tpu.memory_space<hbm>> -> memref<64xi32, #tpu.memory_space<hbm>>
      tpu.wait_dma2 semaphore(%run_scoped3A : memref<!tpu.dma_semaphore, #tpu.memory_space<semaphore_mem>>) src(%dma_wait3A_10 : memref<64xi32, #tpu.memory_space<hbm>>) dst(%arg5 : memref<64xi32, #tpu.memory_space<vmem>>)
      tpu.yield
    }) : () -> ()
    %dma_start3A = arith.constant 0 : i32
    %dma_start3A_3 = arith.constant 0 : i32
    %dma_start3A_4 = tpu.memref_slice %arg2[%dma_start3A, %dma_start3A_3] : memref<32000x1024xf32, #tpu.memory_space<hbm>> -> memref<32000x1024xf32, #tpu.memory_space<hbm>>
    tpu.enqueue_indirect_dma source(%dma_start3A_4 : memref<32000x1024xf32, #tpu.memory_space<hbm>>) target(%arg6 : memref<64x1024xf32, #tpu.memory_space<vmem>>) offsets(%arg5 : memref<64xi32, #tpu.memory_space<vmem>>) semaphore(%arg7 : memref<!tpu.dma_semaphore, #tpu.memory_space<semaphore_mem>>)
    %dma_wait3A = arith.constant 0 : i32
    %dma_wait3A_5 = arith.constant 0 : i32
    %dma_wait3A_6 = tpu.memref_slice %arg2[%dma_wait3A, %dma_wait3A_5] : memref<32000x1024xf32, #tpu.memory_space<hbm>> -> memref<32000x1024xf32, #tpu.memory_space<hbm>>
    tpu.wait_indirect_dma semaphore(%arg7 : memref<!tpu.dma_semaphore, #tpu.memory_space<semaphore_mem>>) src(%dma_wait3A_6 : memref<32000x1024xf32, #tpu.memory_space<hbm>>) dst(%arg6 : memref<64x1024xf32, #tpu.memory_space<vmem>>)
    "tpu.region"() ({
      %run_scoped3A = tpu.sem_alloc : memref<!tpu.dma_semaphore, #tpu.memory_space<semaphore_mem>>
      %dma_start3A_7 = arith.constant 0 : i32
      %dma_start3A_8 = tpu.memref_slice %arg4[%mul3A_2, %dma_start3A_7] : memref<2048x1024xf32, #tpu.memory_space<hbm>> -> memref<64x1024xf32, #tpu.memory_space<hbm>>
      %dma_start3A_9 = arith.constant 0 : i32
      %dma_start3A_10 = tpu.memref_slice %arg4[%mul3A_2, %dma_start3A_9] : memref<2048x1024xf32, #tpu.memory_space<hbm>> -> memref<64x1024xf32, #tpu.memory_space<hbm>>
      tpu.enqueue_dma source(%arg6 : memref<64x1024xf32, #tpu.memory_space<vmem>>) target(%dma_start3A_10 : memref<64x1024xf32, #tpu.memory_space<hbm>>) target_semaphore(%run_scoped3A : memref<!tpu.dma_semaphore, #tpu.memory_space<semaphore_mem>>)
      %dma_wait3A_11 = arith.constant 0 : i32
      %dma_wait3A_12 = tpu.memref_slice %arg4[%mul3A_2, %dma_wait3A_11] : memref<2048x1024xf32, #tpu.memory_space<hbm>> -> memref<64x1024xf32, #tpu.memory_space<hbm>>
      %dma_wait3A_13 = arith.constant 0 : i32
      %dma_wait3A_14 = tpu.memref_slice %arg4[%mul3A_2, %dma_wait3A_13] : memref<2048x1024xf32, #tpu.memory_space<hbm>> -> memref<64x1024xf32, #tpu.memory_space<hbm>>
      tpu.wait_dma2 semaphore(%run_scoped3A : memref<!tpu.dma_semaphore, #tpu.memory_space<semaphore_mem>>) src(%arg6 : memref<64x1024xf32, #tpu.memory_space<vmem>>) dst(%dma_wait3A_14 : memref<64x1024xf32, #tpu.memory_space<hbm>>)
      tpu.yield
    }) : () -> ()
    return
  }
}

#map = affine_map<(d0, d1) -> (0, 0)>
#map1 = affine_map<(d0, d1) -> (0)>
module attributes {stable_mosaic.version = 14 : i64} {
  func.func @k(%arg0: i32, %arg1: i32, %arg2: memref<2048x1024xf32, #tpu.memory_space<hbm>>, %arg3: memref<2048xi32, #tpu.memory_space<hbm>>, %arg4: memref<2048xi32, #tpu.memory_space<hbm>>, %arg5: memref<5120x1024xf32, #tpu.memory_space<hbm>>, %arg6: memref<64xi32, #tpu.memory_space<vmem>>, %arg7: memref<64xi32, #tpu.memory_space<vmem>>, %arg8: memref<64x1024xf32, #tpu.memory_space<vmem>>, %arg9: memref<!tpu.dma_semaphore, #tpu.memory_space<semaphore_mem>>, %arg10: memref<!tpu.dma_semaphore, #tpu.memory_space<semaphore_mem>>) attributes {dimension_semantics = [#tpu.dimension_semantics<core_parallel>, #tpu.dimension_semantics<subcore_parallel>], iteration_bounds = array<i64: 2, 16>, scalar_prefetch = 0 : i64, scratch_operands = 5 : i64, tpu.core_type = #tpu.core_type<sc_vector_subcore>, window_params = [{transform_indices = #map}, {transform_indices = #map1}, {transform_indices = #map1}, {transform_indices = #map}]} {
    %mul3A = arith.constant 2 : i32
    %mul3A_0 = arith.muli %arg1, %mul3A : i32
    %add3A = arith.addi %mul3A_0, %arg0 : i32
    %mul3A_1 = arith.constant 64 : i32
    %mul3A_2 = arith.muli %add3A, %mul3A_1 : i32
    "tpu.region"() ({
      %run_scoped3A = tpu.sem_alloc : memref<!tpu.dma_semaphore, #tpu.memory_space<semaphore_mem>>
      %dma_start3A_13 = arith.constant 0 : i32
      %dma_start3A_14 = tpu.memref_slice %arg2[%mul3A_2, %dma_start3A_13] : memref<2048x1024xf32, #tpu.memory_space<hbm>> -> memref<64x1024xf32, #tpu.memory_space<hbm>>
      %dma_start3A_15 = arith.constant 0 : i32
      %dma_start3A_16 = tpu.memref_slice %arg2[%mul3A_2, %dma_start3A_15] : memref<2048x1024xf32, #tpu.memory_space<hbm>> -> memref<64x1024xf32, #tpu.memory_space<hbm>>
      tpu.enqueue_dma source(%dma_start3A_16 : memref<64x1024xf32, #tpu.memory_space<hbm>>) target(%arg8 : memref<64x1024xf32, #tpu.memory_space<vmem>>) target_semaphore(%run_scoped3A : memref<!tpu.dma_semaphore, #tpu.memory_space<semaphore_mem>>)
      %dma_wait3A_17 = arith.constant 0 : i32
      %dma_wait3A_18 = tpu.memref_slice %arg2[%mul3A_2, %dma_wait3A_17] : memref<2048x1024xf32, #tpu.memory_space<hbm>> -> memref<64x1024xf32, #tpu.memory_space<hbm>>
      %dma_wait3A_19 = arith.constant 0 : i32
      %dma_wait3A_20 = tpu.memref_slice %arg2[%mul3A_2, %dma_wait3A_19] : memref<2048x1024xf32, #tpu.memory_space<hbm>> -> memref<64x1024xf32, #tpu.memory_space<hbm>>
      tpu.wait_dma2 semaphore(%run_scoped3A : memref<!tpu.dma_semaphore, #tpu.memory_space<semaphore_mem>>) src(%dma_wait3A_20 : memref<64x1024xf32, #tpu.memory_space<hbm>>) dst(%arg8 : memref<64x1024xf32, #tpu.memory_space<vmem>>)
      tpu.yield
    }) : () -> ()
    "tpu.region"() ({
      %run_scoped3A = tpu.sem_alloc : memref<!tpu.dma_semaphore, #tpu.memory_space<semaphore_mem>>
      %dma_start3A_13 = tpu.memref_slice %arg3[%mul3A_2] : memref<2048xi32, #tpu.memory_space<hbm>> -> memref<64xi32, #tpu.memory_space<hbm>>
      %dma_start3A_14 = tpu.memref_slice %arg3[%mul3A_2] : memref<2048xi32, #tpu.memory_space<hbm>> -> memref<64xi32, #tpu.memory_space<hbm>>
      tpu.enqueue_dma source(%dma_start3A_14 : memref<64xi32, #tpu.memory_space<hbm>>) target(%arg6 : memref<64xi32, #tpu.memory_space<vmem>>) target_semaphore(%run_scoped3A : memref<!tpu.dma_semaphore, #tpu.memory_space<semaphore_mem>>)
      %dma_wait3A_15 = tpu.memref_slice %arg3[%mul3A_2] : memref<2048xi32, #tpu.memory_space<hbm>> -> memref<64xi32, #tpu.memory_space<hbm>>
      %dma_wait3A_16 = tpu.memref_slice %arg3[%mul3A_2] : memref<2048xi32, #tpu.memory_space<hbm>> -> memref<64xi32, #tpu.memory_space<hbm>>
      tpu.wait_dma2 semaphore(%run_scoped3A : memref<!tpu.dma_semaphore, #tpu.memory_space<semaphore_mem>>) src(%dma_wait3A_16 : memref<64xi32, #tpu.memory_space<hbm>>) dst(%arg6 : memref<64xi32, #tpu.memory_space<vmem>>)
      tpu.yield
    }) : () -> ()
    "tpu.region"() ({
      %run_scoped3A = tpu.sem_alloc : memref<!tpu.dma_semaphore, #tpu.memory_space<semaphore_mem>>
      %dma_start3A_13 = tpu.memref_slice %arg4[%mul3A_2] : memref<2048xi32, #tpu.memory_space<hbm>> -> memref<64xi32, #tpu.memory_space<hbm>>
      %dma_start3A_14 = tpu.memref_slice %arg4[%mul3A_2] : memref<2048xi32, #tpu.memory_space<hbm>> -> memref<64xi32, #tpu.memory_space<hbm>>
      tpu.enqueue_dma source(%dma_start3A_14 : memref<64xi32, #tpu.memory_space<hbm>>) target(%arg7 : memref<64xi32, #tpu.memory_space<vmem>>) target_semaphore(%run_scoped3A : memref<!tpu.dma_semaphore, #tpu.memory_space<semaphore_mem>>)
      %dma_wait3A_15 = tpu.memref_slice %arg4[%mul3A_2] : memref<2048xi32, #tpu.memory_space<hbm>> -> memref<64xi32, #tpu.memory_space<hbm>>
      %dma_wait3A_16 = tpu.memref_slice %arg4[%mul3A_2] : memref<2048xi32, #tpu.memory_space<hbm>> -> memref<64xi32, #tpu.memory_space<hbm>>
      tpu.wait_dma2 semaphore(%run_scoped3A : memref<!tpu.dma_semaphore, #tpu.memory_space<semaphore_mem>>) src(%dma_wait3A_16 : memref<64xi32, #tpu.memory_space<hbm>>) dst(%arg7 : memref<64xi32, #tpu.memory_space<vmem>>)
      tpu.yield
    }) : () -> ()
    %dma_start3A = arith.constant 0 : i32
    %dma_start3A_3 = arith.constant 0 : i32
    %dma_start3A_4 = tpu.memref_slice %arg5[%dma_start3A, %dma_start3A_3] : memref<5120x1024xf32, #tpu.memory_space<hbm>> -> memref<5120x1024xf32, #tpu.memory_space<hbm>>
    tpu.enqueue_indirect_dma source(%arg8 : memref<64x1024xf32, #tpu.memory_space<vmem>>) target(%dma_start3A_4 : memref<5120x1024xf32, #tpu.memory_space<hbm>>) offsets(%arg6 : memref<64xi32, #tpu.memory_space<vmem>>) semaphore(%arg9 : memref<!tpu.dma_semaphore, #tpu.memory_space<semaphore_mem>>)
    %dma_start3A_5 = arith.constant 0 : i32
    %dma_start3A_6 = arith.constant 0 : i32
    %dma_start3A_7 = tpu.memref_slice %arg5[%dma_start3A_5, %dma_start3A_6] : memref<5120x1024xf32, #tpu.memory_space<hbm>> -> memref<5120x1024xf32, #tpu.memory_space<hbm>>
    tpu.enqueue_indirect_dma source(%arg8 : memref<64x1024xf32, #tpu.memory_space<vmem>>) target(%dma_start3A_7 : memref<5120x1024xf32, #tpu.memory_space<hbm>>) offsets(%arg7 : memref<64xi32, #tpu.memory_space<vmem>>) semaphore(%arg10 : memref<!tpu.dma_semaphore, #tpu.memory_space<semaphore_mem>>)
    %dma_wait3A = arith.constant 0 : i32
    %dma_wait3A_8 = arith.constant 0 : i32
    %dma_wait3A_9 = tpu.memref_slice %arg5[%dma_wait3A, %dma_wait3A_8] : memref<5120x1024xf32, #tpu.memory_space<hbm>> -> memref<5120x1024xf32, #tpu.memory_space<hbm>>
    tpu.wait_indirect_dma semaphore(%arg9 : memref<!tpu.dma_semaphore, #tpu.memory_space<semaphore_mem>>) src(%arg8 : memref<64x1024xf32, #tpu.memory_space<vmem>>) dst(%dma_wait3A_9 : memref<5120x1024xf32, #tpu.memory_space<hbm>>)
    %dma_wait3A_10 = arith.constant 0 : i32
    %dma_wait3A_11 = arith.constant 0 : i32
    %dma_wait3A_12 = tpu.memref_slice %arg5[%dma_wait3A_10, %dma_wait3A_11] : memref<5120x1024xf32, #tpu.memory_space<hbm>> -> memref<5120x1024xf32, #tpu.memory_space<hbm>>
    tpu.wait_indirect_dma semaphore(%arg10 : memref<!tpu.dma_semaphore, #tpu.memory_space<semaphore_mem>>) src(%arg8 : memref<64x1024xf32, #tpu.memory_space<vmem>>) dst(%dma_wait3A_12 : memref<5120x1024xf32, #tpu.memory_space<hbm>>)
    return
  }
}

#map = affine_map<(d0, d1) -> (0, 0)>
#map1 = affine_map<(d0, d1) -> (0)>
module attributes {stable_mosaic.version = 14 : i64} {
  func.func @k(%arg0: i32, %arg1: i32, %arg2: memref<2048x1024xf32, #tpu.memory_space<hbm>>, %arg3: memref<2048xi32, #tpu.memory_space<hbm>>, %arg4: memref<2048xi32, #tpu.memory_space<hbm>>, %arg5: memref<5120x1024xf32, #tpu.memory_space<hbm>>, %arg6: memref<64xi32, #tpu.memory_space<vmem>>, %arg7: memref<64xi32, #tpu.memory_space<vmem>>, %arg8: memref<64x1024xf32, #tpu.memory_space<vmem>>, %arg9: memref<!tpu.dma_semaphore, #tpu.memory_space<semaphore_mem>>, %arg10: memref<!tpu.dma_semaphore, #tpu.memory_space<semaphore_mem>>) attributes {dimension_semantics = [#tpu.dimension_semantics<core_parallel>, #tpu.dimension_semantics<subcore_parallel>], iteration_bounds = array<i64: 2, 16>, scalar_prefetch = 0 : i64, scratch_operands = 5 : i64, tpu.core_type = #tpu.core_type<sc_vector_subcore>, window_params = [{transform_indices = #map}, {transform_indices = #map1}, {transform_indices = #map1}, {transform_indices = #map}]} {
    %mul3A = arith.constant 2 : i32
    %mul3A_0 = arith.muli %arg1, %mul3A : i32
    %add3A = arith.addi %mul3A_0, %arg0 : i32
    %mul3A_1 = arith.constant 64 : i32
    %mul3A_2 = arith.muli %add3A, %mul3A_1 : i32
    "tpu.region"() ({
      %run_scoped3A = tpu.sem_alloc : memref<!tpu.dma_semaphore, #tpu.memory_space<semaphore_mem>>
      %dma_start3A_13 = arith.constant 0 : i32
      %dma_start3A_14 = tpu.memref_slice %arg2[%mul3A_2, %dma_start3A_13] : memref<2048x1024xf32, #tpu.memory_space<hbm>> -> memref<64x1024xf32, #tpu.memory_space<hbm>>
      %dma_start3A_15 = arith.constant 0 : i32
      %dma_start3A_16 = tpu.memref_slice %arg2[%mul3A_2, %dma_start3A_15] : memref<2048x1024xf32, #tpu.memory_space<hbm>> -> memref<64x1024xf32, #tpu.memory_space<hbm>>
      tpu.enqueue_dma source(%dma_start3A_16 : memref<64x1024xf32, #tpu.memory_space<hbm>>) target(%arg8 : memref<64x1024xf32, #tpu.memory_space<vmem>>) target_semaphore(%run_scoped3A : memref<!tpu.dma_semaphore, #tpu.memory_space<semaphore_mem>>)
      %dma_wait3A_17 = arith.constant 0 : i32
      %dma_wait3A_18 = tpu.memref_slice %arg2[%mul3A_2, %dma_wait3A_17] : memref<2048x1024xf32, #tpu.memory_space<hbm>> -> memref<64x1024xf32, #tpu.memory_space<hbm>>
      %dma_wait3A_19 = arith.constant 0 : i32
      %dma_wait3A_20 = tpu.memref_slice %arg2[%mul3A_2, %dma_wait3A_19] : memref<2048x1024xf32, #tpu.memory_space<hbm>> -> memref<64x1024xf32, #tpu.memory_space<hbm>>
      tpu.wait_dma2 semaphore(%run_scoped3A : memref<!tpu.dma_semaphore, #tpu.memory_space<semaphore_mem>>) src(%dma_wait3A_20 : memref<64x1024xf32, #tpu.memory_space<hbm>>) dst(%arg8 : memref<64x1024xf32, #tpu.memory_space<vmem>>)
      tpu.yield
    }) : () -> ()
    "tpu.region"() ({
      %run_scoped3A = tpu.sem_alloc : memref<!tpu.dma_semaphore, #tpu.memory_space<semaphore_mem>>
      %dma_start3A_13 = tpu.memref_slice %arg3[%mul3A_2] : memref<2048xi32, #tpu.memory_space<hbm>> -> memref<64xi32, #tpu.memory_space<hbm>>
      %dma_start3A_14 = tpu.memref_slice %arg3[%mul3A_2] : memref<2048xi32, #tpu.memory_space<hbm>> -> memref<64xi32, #tpu.memory_space<hbm>>
      tpu.enqueue_dma source(%dma_start3A_14 : memref<64xi32, #tpu.memory_space<hbm>>) target(%arg6 : memref<64xi32, #tpu.memory_space<vmem>>) target_semaphore(%run_scoped3A : memref<!tpu.dma_semaphore, #tpu.memory_space<semaphore_mem>>)
      %dma_wait3A_15 = tpu.memref_slice %arg3[%mul3A_2] : memref<2048xi32, #tpu.memory_space<hbm>> -> memref<64xi32, #tpu.memory_space<hbm>>
      %dma_wait3A_16 = tpu.memref_slice %arg3[%mul3A_2] : memref<2048xi32, #tpu.memory_space<hbm>> -> memref<64xi32, #tpu.memory_space<hbm>>
      tpu.wait_dma2 semaphore(%run_scoped3A : memref<!tpu.dma_semaphore, #tpu.memory_space<semaphore_mem>>) src(%dma_wait3A_16 : memref<64xi32, #tpu.memory_space<hbm>>) dst(%arg6 : memref<64xi32, #tpu.memory_space<vmem>>)
      tpu.yield
    }) : () -> ()
    "tpu.region"() ({
      %run_scoped3A = tpu.sem_alloc : memref<!tpu.dma_semaphore, #tpu.memory_space<semaphore_mem>>
      %dma_start3A_13 = tpu.memref_slice %arg4[%mul3A_2] : memref<2048xi32, #tpu.memory_space<hbm>> -> memref<64xi32, #tpu.memory_space<hbm>>
      %dma_start3A_14 = tpu.memref_slice %arg4[%mul3A_2] : memref<2048xi32, #tpu.memory_space<hbm>> -> memref<64xi32, #tpu.memory_space<hbm>>
      tpu.enqueue_dma source(%dma_start3A_14 : memref<64xi32, #tpu.memory_space<hbm>>) target(%arg7 : memref<64xi32, #tpu.memory_space<vmem>>) target_semaphore(%run_scoped3A : memref<!tpu.dma_semaphore, #tpu.memory_space<semaphore_mem>>)
      %dma_wait3A_15 = tpu.memref_slice %arg4[%mul3A_2] : memref<2048xi32, #tpu.memory_space<hbm>> -> memref<64xi32, #tpu.memory_space<hbm>>
      %dma_wait3A_16 = tpu.memref_slice %arg4[%mul3A_2] : memref<2048xi32, #tpu.memory_space<hbm>> -> memref<64xi32, #tpu.memory_space<hbm>>
      tpu.wait_dma2 semaphore(%run_scoped3A : memref<!tpu.dma_semaphore, #tpu.memory_space<semaphore_mem>>) src(%dma_wait3A_16 : memref<64xi32, #tpu.memory_space<hbm>>) dst(%arg7 : memref<64xi32, #tpu.memory_space<vmem>>)
      tpu.yield
    }) : () -> ()
    %dma_start3A = arith.constant 0 : i32
    %dma_start3A_3 = arith.constant 0 : i32
    %dma_start3A_4 = tpu.memref_slice %arg5[%dma_start3A, %dma_start3A_3] : memref<5120x1024xf32, #tpu.memory_space<hbm>> -> memref<5120x1024xf32, #tpu.memory_space<hbm>>
    tpu.enqueue_indirect_dma source(%arg8 : memref<64x1024xf32, #tpu.memory_space<vmem>>) target(%dma_start3A_4 : memref<5120x1024xf32, #tpu.memory_space<hbm>>) offsets(%arg6 : memref<64xi32, #tpu.memory_space<vmem>>) semaphore(%arg9 : memref<!tpu.dma_semaphore, #tpu.memory_space<semaphore_mem>>)
    %dma_start3A_5 = arith.constant 0 : i32
    %dma_start3A_6 = arith.constant 0 : i32
    %dma_start3A_7 = tpu.memref_slice %arg5[%dma_start3A_5, %dma_start3A_6] : memref<5120x1024xf32, #tpu.memory_space<hbm>> -> memref<5120x1024xf32, #tpu.memory_space<hbm>>
    tpu.enqueue_indirect_dma source(%arg8 : memref<64x1024xf32, #tpu.memory_space<vmem>>) target(%dma_start3A_7 : memref<5120x1024xf32, #tpu.memory_space<hbm>>) offsets(%arg7 : memref<64xi32, #tpu.memory_space<vmem>>) semaphore(%arg10 : memref<!tpu.dma_semaphore, #tpu.memory_space<semaphore_mem>>)
    %dma_wait3A = arith.constant 0 : i32
    %dma_wait3A_8 = arith.constant 0 : i32
    %dma_wait3A_9 = tpu.memref_slice %arg5[%dma_wait3A, %dma_wait3A_8] : memref<5120x1024xf32, #tpu.memory_space<hbm>> -> memref<5120x1024xf32, #tpu.memory_space<hbm>>
    tpu.wait_indirect_dma semaphore(%arg9 : memref<!tpu.dma_semaphore, #tpu.memory_space<semaphore_mem>>) src(%arg8 : memref<64x1024xf32, #tpu.memory_space<vmem>>) dst(%dma_wait3A_9 : memref<5120x1024xf32, #tpu.memory_space<hbm>>)
    %dma_wait3A_10 = arith.constant 0 : i32
    %dma_wait3A_11 = arith.constant 0 : i32
    %dma_wait3A_12 = tpu.memref_slice %arg5[%dma_wait3A_10, %dma_wait3A_11] : memref<5120x1024xf32, #tpu.memory_space<hbm>> -> memref<5120x1024xf32, #tpu.memory_space<hbm>>
    tpu.wait_indirect_dma semaphore(%arg10 : memref<!tpu.dma_semaphore, #tpu.memory_space<semaphore_mem>>) src(%arg8 : memref<64x1024xf32, #tpu.memory_space<vmem>>) dst(%dma_wait3A_12 : memref<5120x1024xf32, #tpu.memory_space<hbm>>)
    return
  }
}

#map = affine_map<(d0, d1) -> (0, 0)>
#map1 = affine_map<(d0, d1) -> (0)>
module attributes {stable_mosaic.version = 14 : i64} {
  func.func @k(%arg0: i32, %arg1: i32, %arg2: memref<5120x1024xf32, #tpu.memory_space<hbm>>, %arg3: memref<2048xi32, #tpu.memory_space<hbm>>, %arg4: memref<2048xi32, #tpu.memory_space<hbm>>, %arg5: memref<2048x1024xf32, #tpu.memory_space<hbm>>, %arg6: memref<2048x1024xf32, #tpu.memory_space<hbm>>, %arg7: memref<64xi32, #tpu.memory_space<vmem>>, %arg8: memref<64xi32, #tpu.memory_space<vmem>>, %arg9: memref<32x1024xf32, #tpu.memory_space<vmem>>, %arg10: memref<32x1024xf32, #tpu.memory_space<vmem>>, %arg11: memref<!tpu.dma_semaphore, #tpu.memory_space<semaphore_mem>>, %arg12: memref<!tpu.dma_semaphore, #tpu.memory_space<semaphore_mem>>, %arg13: memref<!tpu.dma_semaphore, #tpu.memory_space<semaphore_mem>>, %arg14: memref<!tpu.dma_semaphore, #tpu.memory_space<semaphore_mem>>) attributes {dimension_semantics = [#tpu.dimension_semantics<core_parallel>, #tpu.dimension_semantics<subcore_parallel>], iteration_bounds = array<i64: 2, 16>, scalar_prefetch = 0 : i64, scratch_operands = 8 : i64, tpu.core_type = #tpu.core_type<sc_vector_subcore>, window_params = [{transform_indices = #map}, {transform_indices = #map1}, {transform_indices = #map1}, {transform_indices = #map}, {transform_indices = #map}]} {
    %mul3A = arith.constant 2 : i32
    %mul3A_0 = arith.muli %arg1, %mul3A : i32
    %add3A = arith.addi %mul3A_0, %arg0 : i32
    %mul3A_1 = arith.constant 64 : i32
    %mul3A_2 = arith.muli %add3A, %mul3A_1 : i32
    "tpu.region"() ({
      %run_scoped3A = tpu.sem_alloc : memref<!tpu.dma_semaphore, #tpu.memory_space<semaphore_mem>>
      %dma_start3A_77 = tpu.memref_slice %arg3[%mul3A_2] : memref<2048xi32, #tpu.memory_space<hbm>> -> memref<64xi32, #tpu.memory_space<hbm>>
      %dma_start3A_78 = tpu.memref_slice %arg3[%mul3A_2] : memref<2048xi32, #tpu.memory_space<hbm>> -> memref<64xi32, #tpu.memory_space<hbm>>
      tpu.enqueue_dma source(%dma_start3A_78 : memref<64xi32, #tpu.memory_space<hbm>>) target(%arg7 : memref<64xi32, #tpu.memory_space<vmem>>) target_semaphore(%run_scoped3A : memref<!tpu.dma_semaphore, #tpu.memory_space<semaphore_mem>>)
      %dma_wait3A_79 = tpu.memref_slice %arg3[%mul3A_2] : memref<2048xi32, #tpu.memory_space<hbm>> -> memref<64xi32, #tpu.memory_space<hbm>>
      %dma_wait3A_80 = tpu.memref_slice %arg3[%mul3A_2] : memref<2048xi32, #tpu.memory_space<hbm>> -> memref<64xi32, #tpu.memory_space<hbm>>
      tpu.wait_dma2 semaphore(%run_scoped3A : memref<!tpu.dma_semaphore, #tpu.memory_space<semaphore_mem>>) src(%dma_wait3A_80 : memref<64xi32, #tpu.memory_space<hbm>>) dst(%arg7 : memref<64xi32, #tpu.memory_space<vmem>>)
      tpu.yield
    }) : () -> ()
    "tpu.region"() ({
      %run_scoped3A = tpu.sem_alloc : memref<!tpu.dma_semaphore, #tpu.memory_space<semaphore_mem>>
      %dma_start3A_77 = tpu.memref_slice %arg4[%mul3A_2] : memref<2048xi32, #tpu.memory_space<hbm>> -> memref<64xi32, #tpu.memory_space<hbm>>
      %dma_start3A_78 = tpu.memref_slice %arg4[%mul3A_2] : memref<2048xi32, #tpu.memory_space<hbm>> -> memref<64xi32, #tpu.memory_space<hbm>>
      tpu.enqueue_dma source(%dma_start3A_78 : memref<64xi32, #tpu.memory_space<hbm>>) target(%arg8 : memref<64xi32, #tpu.memory_space<vmem>>) target_semaphore(%run_scoped3A : memref<!tpu.dma_semaphore, #tpu.memory_space<semaphore_mem>>)
      %dma_wait3A_79 = tpu.memref_slice %arg4[%mul3A_2] : memref<2048xi32, #tpu.memory_space<hbm>> -> memref<64xi32, #tpu.memory_space<hbm>>
      %dma_wait3A_80 = tpu.memref_slice %arg4[%mul3A_2] : memref<2048xi32, #tpu.memory_space<hbm>> -> memref<64xi32, #tpu.memory_space<hbm>>
      tpu.wait_dma2 semaphore(%run_scoped3A : memref<!tpu.dma_semaphore, #tpu.memory_space<semaphore_mem>>) src(%dma_wait3A_80 : memref<64xi32, #tpu.memory_space<hbm>>) dst(%arg8 : memref<64xi32, #tpu.memory_space<vmem>>)
      tpu.yield
    }) : () -> ()
    %dma_start3A = arith.constant 0 : i32
    %dma_start3A_3 = tpu.memref_slice %arg7[%dma_start3A] : memref<64xi32, #tpu.memory_space<vmem>> -> memref<32xi32, #tpu.memory_space<vmem>>
    %dma_start3A_4 = arith.constant 0 : i32
    %dma_start3A_5 = arith.constant 0 : i32
    %dma_start3A_6 = tpu.memref_slice %arg2[%dma_start3A_4, %dma_start3A_5] : memref<5120x1024xf32, #tpu.memory_space<hbm>> -> memref<5120x1024xf32, #tpu.memory_space<hbm>>
    tpu.enqueue_indirect_dma source(%dma_start3A_6 : memref<5120x1024xf32, #tpu.memory_space<hbm>>) target(%arg9 : memref<32x1024xf32, #tpu.memory_space<vmem>>) offsets(%dma_start3A_3 : memref<32xi32, #tpu.memory_space<vmem>>) semaphore(%arg11 : memref<!tpu.dma_semaphore, #tpu.memory_space<semaphore_mem>>)
    %dma_start3A_7 = arith.constant 32 : i32
    %dma_start3A_8 = tpu.memref_slice %arg7[%dma_start3A_7] : memref<64xi32, #tpu.memory_space<vmem>> -> memref<32xi32, #tpu.memory_space<vmem>>
    %dma_start3A_9 = arith.constant 0 : i32
    %dma_start3A_10 = arith.constant 0 : i32
    %dma_start3A_11 = tpu.memref_slice %arg2[%dma_start3A_9, %dma_start3A_10] : memref<5120x1024xf32, #tpu.memory_space<hbm>> -> memref<5120x1024xf32, #tpu.memory_space<hbm>>
    tpu.enqueue_indirect_dma source(%dma_start3A_11 : memref<5120x1024xf32, #tpu.memory_space<hbm>>) target(%arg10 : memref<32x1024xf32, #tpu.memory_space<vmem>>) offsets(%dma_start3A_8 : memref<32xi32, #tpu.memory_space<vmem>>) semaphore(%arg12 : memref<!tpu.dma_semaphore, #tpu.memory_space<semaphore_mem>>)
    %dma_wait3A = arith.constant 0 : i32
    %dma_wait3A_12 = tpu.memref_slice %arg7[%dma_wait3A] : memref<64xi32, #tpu.memory_space<vmem>> -> memref<32xi32, #tpu.memory_space<vmem>>
    %dma_wait3A_13 = arith.constant 0 : i32
    %dma_wait3A_14 = arith.constant 0 : i32
    %dma_wait3A_15 = tpu.memref_slice %arg2[%dma_wait3A_13, %dma_wait3A_14] : memref<5120x1024xf32, #tpu.memory_space<hbm>> -> memref<5120x1024xf32, #tpu.memory_space<hbm>>
    tpu.wait_indirect_dma semaphore(%arg11 : memref<!tpu.dma_semaphore, #tpu.memory_space<semaphore_mem>>) src(%dma_wait3A_15 : memref<5120x1024xf32, #tpu.memory_space<hbm>>) dst(%arg9 : memref<32x1024xf32, #tpu.memory_space<vmem>>)
    %dma_start3A_16 = arith.constant 0 : i32
    %dma_start3A_17 = tpu.memref_slice %arg5[%mul3A_2, %dma_start3A_16] : memref<2048x1024xf32, #tpu.memory_space<hbm>> -> memref<32x1024xf32, #tpu.memory_space<hbm>>
    %dma_start3A_18 = arith.constant 0 : i32
    %dma_start3A_19 = tpu.memref_slice %arg5[%mul3A_2, %dma_start3A_18] : memref<2048x1024xf32, #tpu.memory_space<hbm>> -> memref<32x1024xf32, #tpu.memory_space<hbm>>
    tpu.enqueue_dma source(%arg9 : memref<32x1024xf32, #tpu.memory_space<vmem>>) target(%dma_start3A_19 : memref<32x1024xf32, #tpu.memory_space<hbm>>) target_semaphore(%arg13 : memref<!tpu.dma_semaphore, #tpu.memory_space<semaphore_mem>>)
    %dma_wait3A_20 = arith.constant 32 : i32
    %dma_wait3A_21 = tpu.memref_slice %arg7[%dma_wait3A_20] : memref<64xi32, #tpu.memory_space<vmem>> -> memref<32xi32, #tpu.memory_space<vmem>>
    %dma_wait3A_22 = arith.constant 0 : i32
    %dma_wait3A_23 = arith.constant 0 : i32
    %dma_wait3A_24 = tpu.memref_slice %arg2[%dma_wait3A_22, %dma_wait3A_23] : memref<5120x1024xf32, #tpu.memory_space<hbm>> -> memref<5120x1024xf32, #tpu.memory_space<hbm>>
    tpu.wait_indirect_dma semaphore(%arg12 : memref<!tpu.dma_semaphore, #tpu.memory_space<semaphore_mem>>) src(%dma_wait3A_24 : memref<5120x1024xf32, #tpu.memory_space<hbm>>) dst(%arg10 : memref<32x1024xf32, #tpu.memory_space<vmem>>)
    %add3A_25 = arith.constant 32 : i32
    %add3A_26 = arith.addi %mul3A_2, %add3A_25 : i32
    %dma_start3A_27 = arith.constant 0 : i32
    %dma_start3A_28 = tpu.memref_slice %arg5[%add3A_26, %dma_start3A_27] : memref<2048x1024xf32, #tpu.memory_space<hbm>> -> memref<32x1024xf32, #tpu.memory_space<hbm>>
    %dma_start3A_29 = arith.constant 0 : i32
    %dma_start3A_30 = tpu.memref_slice %arg5[%add3A_26, %dma_start3A_29] : memref<2048x1024xf32, #tpu.memory_space<hbm>> -> memref<32x1024xf32, #tpu.memory_space<hbm>>
    tpu.enqueue_dma source(%arg10 : memref<32x1024xf32, #tpu.memory_space<vmem>>) target(%dma_start3A_30 : memref<32x1024xf32, #tpu.memory_space<hbm>>) target_semaphore(%arg14 : memref<!tpu.dma_semaphore, #tpu.memory_space<semaphore_mem>>)
    %dma_wait3A_31 = arith.constant 0 : i32
    %dma_wait3A_32 = tpu.memref_slice %arg5[%mul3A_2, %dma_wait3A_31] : memref<2048x1024xf32, #tpu.memory_space<hbm>> -> memref<32x1024xf32, #tpu.memory_space<hbm>>
    %dma_wait3A_33 = arith.constant 0 : i32
    %dma_wait3A_34 = tpu.memref_slice %arg5[%mul3A_2, %dma_wait3A_33] : memref<2048x1024xf32, #tpu.memory_space<hbm>> -> memref<32x1024xf32, #tpu.memory_space<hbm>>
    tpu.wait_dma2 semaphore(%arg13 : memref<!tpu.dma_semaphore, #tpu.memory_space<semaphore_mem>>) src(%arg9 : memref<32x1024xf32, #tpu.memory_space<vmem>>) dst(%dma_wait3A_34 : memref<32x1024xf32, #tpu.memory_space<hbm>>)
    %dma_start3A_35 = arith.constant 0 : i32
    %dma_start3A_36 = tpu.memref_slice %arg8[%dma_start3A_35] : memref<64xi32, #tpu.memory_space<vmem>> -> memref<32xi32, #tpu.memory_space<vmem>>
    %dma_start3A_37 = arith.constant 0 : i32
    %dma_start3A_38 = arith.constant 0 : i32
    %dma_start3A_39 = tpu.memref_slice %arg2[%dma_start3A_37, %dma_start3A_38] : memref<5120x1024xf32, #tpu.memory_space<hbm>> -> memref<5120x1024xf32, #tpu.memory_space<hbm>>
    tpu.enqueue_indirect_dma source(%dma_start3A_39 : memref<5120x1024xf32, #tpu.memory_space<hbm>>) target(%arg9 : memref<32x1024xf32, #tpu.memory_space<vmem>>) offsets(%dma_start3A_36 : memref<32xi32, #tpu.memory_space<vmem>>) semaphore(%arg11 : memref<!tpu.dma_semaphore, #tpu.memory_space<semaphore_mem>>)
    %dma_wait3A_40 = arith.constant 0 : i32
    %dma_wait3A_41 = tpu.memref_slice %arg5[%add3A_26, %dma_wait3A_40] : memref<2048x1024xf32, #tpu.memory_space<hbm>> -> memref<32x1024xf32, #tpu.memory_space<hbm>>
    %dma_wait3A_42 = arith.constant 0 : i32
    %dma_wait3A_43 = tpu.memref_slice %arg5[%add3A_26, %dma_wait3A_42] : memref<2048x1024xf32, #tpu.memory_space<hbm>> -> memref<32x1024xf32, #tpu.memory_space<hbm>>
    tpu.wait_dma2 semaphore(%arg14 : memref<!tpu.dma_semaphore, #tpu.memory_space<semaphore_mem>>) src(%arg10 : memref<32x1024xf32, #tpu.memory_space<vmem>>) dst(%dma_wait3A_43 : memref<32x1024xf32, #tpu.memory_space<hbm>>)
    %dma_start3A_44 = arith.constant 32 : i32
    %dma_start3A_45 = tpu.memref_slice %arg8[%dma_start3A_44] : memref<64xi32, #tpu.memory_space<vmem>> -> memref<32xi32, #tpu.memory_space<vmem>>
    %dma_start3A_46 = arith.constant 0 : i32
    %dma_start3A_47 = arith.constant 0 : i32
    %dma_start3A_48 = tpu.memref_slice %arg2[%dma_start3A_46, %dma_start3A_47] : memref<5120x1024xf32, #tpu.memory_space<hbm>> -> memref<5120x1024xf32, #tpu.memory_space<hbm>>
    tpu.enqueue_indirect_dma source(%dma_start3A_48 : memref<5120x1024xf32, #tpu.memory_space<hbm>>) target(%arg10 : memref<32x1024xf32, #tpu.memory_space<vmem>>) offsets(%dma_start3A_45 : memref<32xi32, #tpu.memory_space<vmem>>) semaphore(%arg12 : memref<!tpu.dma_semaphore, #tpu.memory_space<semaphore_mem>>)
    %dma_wait3A_49 = arith.constant 0 : i32
    %dma_wait3A_50 = tpu.memref_slice %arg8[%dma_wait3A_49] : memref<64xi32, #tpu.memory_space<vmem>> -> memref<32xi32, #tpu.memory_space<vmem>>
    %dma_wait3A_51 = arith.constant 0 : i32
    %dma_wait3A_52 = arith.constant 0 : i32
    %dma_wait3A_53 = tpu.memref_slice %arg2[%dma_wait3A_51, %dma_wait3A_52] : memref<5120x1024xf32, #tpu.memory_space<hbm>> -> memref<5120x1024xf32, #tpu.memory_space<hbm>>
    tpu.wait_indirect_dma semaphore(%arg11 : memref<!tpu.dma_semaphore, #tpu.memory_space<semaphore_mem>>) src(%dma_wait3A_53 : memref<5120x1024xf32, #tpu.memory_space<hbm>>) dst(%arg9 : memref<32x1024xf32, #tpu.memory_space<vmem>>)
    %dma_start3A_54 = arith.constant 0 : i32
    %dma_start3A_55 = tpu.memref_slice %arg6[%mul3A_2, %dma_start3A_54] : memref<2048x1024xf32, #tpu.memory_space<hbm>> -> memref<32x1024xf32, #tpu.memory_space<hbm>>
    %dma_start3A_56 = arith.constant 0 : i32
    %dma_start3A_57 = tpu.memref_slice %arg6[%mul3A_2, %dma_start3A_56] : memref<2048x1024xf32, #tpu.memory_space<hbm>> -> memref<32x1024xf32, #tpu.memory_space<hbm>>
    tpu.enqueue_dma source(%arg9 : memref<32x1024xf32, #tpu.memory_space<vmem>>) target(%dma_start3A_57 : memref<32x1024xf32, #tpu.memory_space<hbm>>) target_semaphore(%arg13 : memref<!tpu.dma_semaphore, #tpu.memory_space<semaphore_mem>>)
    %dma_wait3A_58 = arith.constant 32 : i32
    %dma_wait3A_59 = tpu.memref_slice %arg8[%dma_wait3A_58] : memref<64xi32, #tpu.memory_space<vmem>> -> memref<32xi32, #tpu.memory_space<vmem>>
    %dma_wait3A_60 = arith.constant 0 : i32
    %dma_wait3A_61 = arith.constant 0 : i32
    %dma_wait3A_62 = tpu.memref_slice %arg2[%dma_wait3A_60, %dma_wait3A_61] : memref<5120x1024xf32, #tpu.memory_space<hbm>> -> memref<5120x1024xf32, #tpu.memory_space<hbm>>
    tpu.wait_indirect_dma semaphore(%arg12 : memref<!tpu.dma_semaphore, #tpu.memory_space<semaphore_mem>>) src(%dma_wait3A_62 : memref<5120x1024xf32, #tpu.memory_space<hbm>>) dst(%arg10 : memref<32x1024xf32, #tpu.memory_space<vmem>>)
    %add3A_63 = arith.constant 32 : i32
    %add3A_64 = arith.addi %mul3A_2, %add3A_63 : i32
    %dma_start3A_65 = arith.constant 0 : i32
    %dma_start3A_66 = tpu.memref_slice %arg6[%add3A_64, %dma_start3A_65] : memref<2048x1024xf32, #tpu.memory_space<hbm>> -> memref<32x1024xf32, #tpu.memory_space<hbm>>
    %dma_start3A_67 = arith.constant 0 : i32
    %dma_start3A_68 = tpu.memref_slice %arg6[%add3A_64, %dma_start3A_67] : memref<2048x1024xf32, #tpu.memory_space<hbm>> -> memref<32x1024xf32, #tpu.memory_space<hbm>>
    tpu.enqueue_dma source(%arg10 : memref<32x1024xf32, #tpu.memory_space<vmem>>) target(%dma_start3A_68 : memref<32x1024xf32, #tpu.memory_space<hbm>>) target_semaphore(%arg14 : memref<!tpu.dma_semaphore, #tpu.memory_space<semaphore_mem>>)
    %dma_wait3A_69 = arith.constant 0 : i32
    %dma_wait3A_70 = tpu.memref_slice %arg6[%mul3A_2, %dma_wait3A_69] : memref<2048x1024xf32, #tpu.memory_space<hbm>> -> memref<32x1024xf32, #tpu.memory_space<hbm>>
    %dma_wait3A_71 = arith.constant 0 : i32
    %dma_wait3A_72 = tpu.memref_slice %arg6[%mul3A_2, %dma_wait3A_71] : memref<2048x1024xf32, #tpu.memory_space<hbm>> -> memref<32x1024xf32, #tpu.memory_space<hbm>>
    tpu.wait_dma2 semaphore(%arg13 : memref<!tpu.dma_semaphore, #tpu.memory_space<semaphore_mem>>) src(%arg9 : memref<32x1024xf32, #tpu.memory_space<vmem>>) dst(%dma_wait3A_72 : memref<32x1024xf32, #tpu.memory_space<hbm>>)
    %dma_wait3A_73 = arith.constant 0 : i32
    %dma_wait3A_74 = tpu.memref_slice %arg6[%add3A_64, %dma_wait3A_73] : memref<2048x1024xf32, #tpu.memory_space<hbm>> -> memref<32x1024xf32, #tpu.memory_space<hbm>>
    %dma_wait3A_75 = arith.constant 0 : i32
    %dma_wait3A_76 = tpu.memref_slice %arg6[%add3A_64, %dma_wait3A_75] : memref<2048x1024xf32, #tpu.memory_space<hbm>> -> memref<32x1024xf32, #tpu.memory_space<hbm>>
    tpu.wait_dma2 semaphore(%arg14 : memref<!tpu.dma_semaphore, #tpu.memory_space<semaphore_mem>>) src(%arg10 : memref<32x1024xf32, #tpu.memory_space<vmem>>) dst(%dma_wait3A_76 : memref<32x1024xf32, #tpu.memory_space<hbm>>)
    return
  }
}

module attributes {stable_mosaic.version = 14 : i64} {
  func.func @body(%arg0: i32, %arg1: i32, %arg2: memref<256x1024xf32, #tpu.memory_space<vmem>>, %arg3: memref<256x1024xf32, #tpu.memory_space<vmem>>, %arg4: memref<1024x1024xbf16, #tpu.memory_space<vmem>>, %arg5: memref<1x1024xf32, #tpu.memory_space<vmem>>, %arg6: memref<256x1024xf32, #tpu.memory_space<vmem>>, %arg7: memref<256x1024xf32, #tpu.memory_space<vmem>>) attributes {dimension_semantics = [#tpu.dimension_semantics<arbitrary>, #tpu.dimension_semantics<arbitrary>], iteration_bounds = array<i64: 8, 3>, scalar_prefetch = 0 : i64, scratch_operands = 0 : i64, tpu.core_type = #tpu.core_type<tc>, window_params = [{transform_indices = @transform_0, window_bounds = array<i64: 256, 1024>}, {transform_indices = @transform_1, window_bounds = array<i64: 256, 1024>}, {transform_indices = @transform_2, window_bounds = array<i64: 1024, 1024>}, {transform_indices = @transform_3, window_bounds = array<i64: 1, 1024>}, {transform_indices = @transform_4, window_bounds = array<i64: 256, 1024>}, {transform_indices = @transform_5, window_bounds = array<i64: 256, 1024>}]} {
    %get3A = arith.constant 0 : index
    %get3A_0 = arith.constant 0 : index
    %get3A_1 = vector.load %arg2[%get3A, %get3A_0] : memref<256x1024xf32, #tpu.memory_space<vmem>>, vector<256x1024xf32>
    %get3A_2 = arith.constant 0 : index
    %get3A_3 = arith.constant 0 : index
    %get3A_4 = vector.load %arg3[%get3A_2, %get3A_3] : memref<256x1024xf32, #tpu.memory_space<vmem>>, vector<256x1024xf32>
    %add3A = arith.addf %get3A_1, %get3A_4 : vector<256x1024xf32>
    %swap3A = arith.constant 0 : index
    %swap3A_5 = arith.constant 0 : index
    %swap3A_6 = vector.load %arg6[%swap3A, %swap3A_5] : memref<256x1024xf32, #tpu.memory_space<vmem>>, vector<256x1024xf32>
    tpu.vector_store %arg6[%swap3A, %swap3A_5], %add3A {strides = array<i32>} : memref<256x1024xf32, #tpu.memory_space<vmem>>, vector<256x1024xf32>,
    %get3A_7 = arith.constant 0 : index
    %get3A_8 = arith.constant 0 : index
    %get3A_9 = vector.load %arg4[%get3A_7, %get3A_8] : memref<1024x1024xbf16, #tpu.memory_space<vmem>>, vector<1024x1024xbf16>
    %convert_element_type3A = arith.truncf %add3A : vector<256x1024xf32> to vector<256x1024xbf16>
    %dot_general3A = arith.constant dense<0.000000e+00> : vector<256x1024xf32>
    %dot_general3A_10 = tpu.matmul %convert_element_type3A, %get3A_9, %dot_general3A {dimension_numbers = #tpu.dot_dimension_numbers<[1], [1], [0], [0], [0, 0, 1, 0], [], []>, transpose_lhs_hint = false} : vector<256x1024xbf16>, vector<1024x1024xbf16>, vector<256x1024xf32> -> vector<256x1024xf32>
    %get3A_11 = arith.constant 0 : index
    %get3A_12 = arith.constant 0 : index
    %get3A_13 = vector.load %arg5[%get3A_11, %get3A_12] : memref<1x1024xf32, #tpu.memory_space<vmem>>, vector<1x1024xf32>
    %add3A_14 = vector.broadcast %get3A_13 : vector<1x1024xf32> to vector<256x1024xf32>
    %add3A_15 = arith.addf %dot_general3A_10, %add3A_14 : vector<256x1024xf32>
    %swap3A_16 = arith.constant 0 : index
    %swap3A_17 = arith.constant 0 : index
    %swap3A_18 = vector.load %arg7[%swap3A_16, %swap3A_17] : memref<256x1024xf32, #tpu.memory_space<vmem>>, vector<256x1024xf32>
    tpu.vector_store %arg7[%swap3A_16, %swap3A_17], %add3A_15 {strides = array<i32>} : memref<256x1024xf32, #tpu.memory_space<vmem>>, vector<256x1024xf32>,
    return
  }
  func.func @transform_0(%arg0: i32, %arg1: i32) -> (i32, i32) {
    %c0_i32 = arith.constant 0 : i32
    %c0_i32_0 = arith.constant 0 : i32
    return %arg0, %c0_i32 : i32, i32
  }
  func.func @transform_1(%arg0: i32, %arg1: i32) -> (i32, i32) {
    %c0_i32 = arith.constant 0 : i32
    %c0_i32_0 = arith.constant 0 : i32
    return %arg0, %c0_i32 : i32, i32
  }
  func.func @transform_2(%arg0: i32, %arg1: i32) -> (i32, i32) {
    %c0_i32 = arith.constant 0 : i32
    %c0_i32_0 = arith.constant 0 : i32
    return %arg1, %c0_i32 : i32, i32
  }
  func.func @transform_3(%arg0: i32, %arg1: i32) -> (i32, i32) {
    %c0_i32 = arith.constant 0 : i32
    %c0_i32_0 = arith.constant 0 : i32
    return %c0_i32, %arg1 : i32, i32
  }
  func.func @transform_4(%arg0: i32, %arg1: i32) -> (i32, i32) {
    %c0_i32 = arith.constant 0 : i32
    %c0_i32_0 = arith.constant 0 : i32
    return %arg0, %c0_i32 : i32, i32
  }
  func.func @transform_5(%arg0: i32, %arg1: i32) -> (i32, i32) {
    %c0_i32 = arith.constant 0 : i32
    return %arg0, %arg1 : i32, i32
  }
}

module attributes {stable_mosaic.version = 14 : i64} {
  func.func @body(%arg0: i32, %arg1: i32, %arg2: memref<1024x128xf32, #tpu.memory_space<vmem>>, %arg3: memref<2048x128xf32, #tpu.memory_space<vmem>>, %arg4: memref<2048x128xf32, #tpu.memory_space<vmem>>, %arg5: memref<1024x128xf32, #tpu.memory_space<vmem>>) attributes {dimension_semantics = [#tpu.dimension_semantics<arbitrary>, #tpu.dimension_semantics<arbitrary>], iteration_bounds = array<i64: 8, 2>, scalar_prefetch = 0 : i64, scratch_operands = 0 : i64, tpu.core_type = #tpu.core_type<tc>, window_params = [{transform_indices = @transform_0, window_bounds = array<i64: 1024, 128>}, {transform_indices = @transform_1, window_bounds = array<i64: 2048, 128>}, {transform_indices = @transform_2, window_bounds = array<i64: 2048, 128>}, {transform_indices = @transform_3, window_bounds = array<i64: 1024, 128>}]} {
    %get3A = arith.constant 0 : index
    %get3A_0 = arith.constant 0 : index
    %get3A_1 = vector.load %arg3[%get3A, %get3A_0] : memref<2048x128xf32, #tpu.memory_space<vmem>>, vector<2048x128xf32>
    %get3A_2 = arith.constant 0 : index
    %get3A_3 = arith.constant 0 : index
    %get3A_4 = vector.load %arg4[%get3A_2, %get3A_3] : memref<2048x128xf32, #tpu.memory_space<vmem>>, vector<2048x128xf32>
    %get3A_5 = arith.constant 0 : index
    %get3A_6 = arith.constant 0 : index
    %get3A_7 = vector.load %arg2[%get3A_5, %get3A_6] : memref<1024x128xf32, #tpu.memory_space<vmem>>, vector<1024x64xf32>
    %slice3A = vector.extract_strided_slice %get3A_1 {offsets = [0, 0], sizes = [2048, 64], strides = [1, 1]} : vector<2048x128xf32> to vector<2048x64xf32>
    %convert_element_type3A = arith.truncf %get3A_7 : vector<1024x64xf32> to vector<1024x64xbf16>
    %convert_element_type3A_8 = arith.truncf %slice3A : vector<2048x64xf32> to vector<2048x64xbf16>
    %dot_general3A = arith.constant dense<0.000000e+00> : vector<1024x2048xf32>
    %dot_general3A_9 = tpu.matmul %convert_element_type3A, %convert_element_type3A_8, %dot_general3A {dimension_numbers = #tpu.dot_dimension_numbers<[1], [1], [0], [0], [0, 0, 1, 0], [], []>, transpose_lhs_hint = false} : vector<1024x64xbf16>, vector<2048x64xbf16>, vector<1024x2048xf32> -> vector<1024x2048xf32>
    %mul3A = arith.constant 1.250000e-01 : f32
    %mul3A_10 = vector.broadcast %mul3A : f32 to vector<1024x2048xf32>
    %mul3A_11 = arith.mulf %dot_general3A_9, %mul3A_10 : vector<1024x2048xf32>
    %reduce_max3A = arith.constant dense<0xFF800000> : vector<1024xf32>
    %reduce_max3A_12 = vector.multi_reduction <maximumf>, %mul3A_11, %reduce_max3A [1] : vector<1024x2048xf32> to vector<1024xf32>
    %broadcast_in_dim3A = vector.shape_cast %reduce_max3A_12 : vector<1024xf32> to vector<1024x1xf32>
    %sub3A = vector.broadcast %broadcast_in_dim3A : vector<1024x1xf32> to vector<1024x2048xf32>
    %sub3A_13 = arith.subf %mul3A_11, %sub3A : vector<1024x2048xf32>
    %exp3A = math.exp %sub3A_13 : vector<1024x2048xf32>
    %reduce_sum3A = arith.constant dense<0.000000e+00> : vector<1024xf32>
    %reduce_sum3A_14 = vector.multi_reduction <add>, %exp3A, %reduce_sum3A [1] : vector<1024x2048xf32> to vector<1024xf32>
    %broadcast_in_dim3A_15 = vector.shape_cast %reduce_sum3A_14 : vector<1024xf32> to vector<1024x1xf32>
    %div3A = vector.broadcast %broadcast_in_dim3A_15 : vector<1024x1xf32> to vector<1024x2048xf32>
    %div3A_16 = arith.divf %exp3A, %div3A : vector<1024x2048xf32>
    %convert_element_type3A_17 = arith.truncf %div3A_16 : vector<1024x2048xf32> to vector<1024x2048xbf16>
    %slice3A_18 = vector.extract_strided_slice %get3A_4 {offsets = [0, 0], sizes = [2048, 64], strides = [1, 1]} : vector<2048x128xf32> to vector<2048x64xf32>
    %convert_element_type3A_19 = arith.truncf %slice3A_18 : vector<2048x64xf32> to vector<2048x64xbf16>
    %dot_general3A_20 = arith.constant dense<0.000000e+00> : vector<1024x64xf32>
    %dot_general3A_21 = tpu.matmul %convert_element_type3A_17, %convert_element_type3A_19, %dot_general3A_20 {dimension_numbers = #tpu.dot_dimension_numbers<[1], [0], [0], [1], [0, 0, 1, 1], [], []>, transpose_lhs_hint = false} : vector<1024x2048xbf16>, vector<2048x64xbf16>, vector<1024x64xf32> -> vector<1024x64xf32>
    %get3A_22 = arith.constant 0 : index
    %get3A_23 = arith.constant 64 : index
    %get3A_24 = vector.load %arg2[%get3A_22, %get3A_23] : memref<1024x128xf32, #tpu.memory_space<vmem>>, vector<1024x64xf32>
    %slice3A_25 = vector.extract_strided_slice %get3A_1 {offsets = [0, 64], sizes = [2048, 64], strides = [1, 1]} : vector<2048x128xf32> to vector<2048x64xf32>
    %convert_element_type3A_26 = arith.truncf %get3A_24 : vector<1024x64xf32> to vector<1024x64xbf16>
    %convert_element_type3A_27 = arith.truncf %slice3A_25 : vector<2048x64xf32> to vector<2048x64xbf16>
    %dot_general3A_28 = arith.constant dense<0.000000e+00> : vector<1024x2048xf32>
    %dot_general3A_29 = tpu.matmul %convert_element_type3A_26, %convert_element_type3A_27, %dot_general3A_28 {dimension_numbers = #tpu.dot_dimension_numbers<[1], [1], [0], [0], [0, 0, 1, 0], [], []>, transpose_lhs_hint = false} : vector<1024x64xbf16>, vector<2048x64xbf16>, vector<1024x2048xf32> -> vector<1024x2048xf32>
    %mul3A_30 = arith.constant 1.250000e-01 : f32
    %mul3A_31 = vector.broadcast %mul3A_30 : f32 to vector<1024x2048xf32>
    %mul3A_32 = arith.mulf %dot_general3A_29, %mul3A_31 : vector<1024x2048xf32>
    %reduce_max3A_33 = arith.constant dense<0xFF800000> : vector<1024xf32>
    %reduce_max3A_34 = vector.multi_reduction <maximumf>, %mul3A_32, %reduce_max3A_33 [1] : vector<1024x2048xf32> to vector<1024xf32>
    %broadcast_in_dim3A_35 = vector.shape_cast %reduce_max3A_34 : vector<1024xf32> to vector<1024x1xf32>
    %sub3A_36 = vector.broadcast %broadcast_in_dim3A_35 : vector<1024x1xf32> to vector<1024x2048xf32>
    %sub3A_37 = arith.subf %mul3A_32, %sub3A_36 : vector<1024x2048xf32>
    %exp3A_38 = math.exp %sub3A_37 : vector<1024x2048xf32>
    %reduce_sum3A_39 = arith.constant dense<0.000000e+00> : vector<1024xf32>
    %reduce_sum3A_40 = vector.multi_reduction <add>, %exp3A_38, %reduce_sum3A_39 [1] : vector<1024x2048xf32> to vector<1024xf32>
    %broadcast_in_dim3A_41 = vector.shape_cast %reduce_sum3A_40 : vector<1024xf32> to vector<1024x1xf32>
    %div3A_42 = vector.broadcast %broadcast_in_dim3A_41 : vector<1024x1xf32> to vector<1024x2048xf32>
    %div3A_43 = arith.divf %exp3A_38, %div3A_42 : vector<1024x2048xf32>
    %convert_element_type3A_44 = arith.truncf %div3A_43 : vector<1024x2048xf32> to vector<1024x2048xbf16>
    %slice3A_45 = vector.extract_strided_slice %get3A_4 {offsets = [0, 64], sizes = [2048, 64], strides = [1, 1]} : vector<2048x128xf32> to vector<2048x64xf32>
    %convert_element_type3A_46 = arith.truncf %slice3A_45 : vector<2048x64xf32> to vector<2048x64xbf16>
    %dot_general3A_47 = arith.constant dense<0.000000e+00> : vector<1024x64xf32>
    %dot_general3A_48 = tpu.matmul %convert_element_type3A_44, %convert_element_type3A_46, %dot_general3A_47 {dimension_numbers = #tpu.dot_dimension_numbers<[1], [0], [0], [1], [0, 0, 1, 1], [], []>, transpose_lhs_hint = false} : vector<1024x2048xbf16>, vector<2048x64xbf16>, vector<1024x64xf32> -> vector<1024x64xf32>
    %concatenate3A = tpu.concatenate %dot_general3A_21, %dot_general3A_48 in 1 : vector<1024x64xf32>, vector<1024x64xf32> -> vector<1024x128xf32>
    %swap3A = arith.constant 0 : index
    %swap3A_49 = arith.constant 0 : index
    %swap3A_50 = vector.load %arg5[%swap3A, %swap3A_49] : memref<1024x128xf32, #tpu.memory_space<vmem>>, vector<1024x128xf32>
    tpu.vector_store %arg5[%swap3A, %swap3A_49], %concatenate3A {strides = array<i32>} : memref<1024x128xf32, #tpu.memory_space<vmem>>, vector<1024x128xf32>,
    return
  }
  func.func @transform_0(%arg0: i32, %arg1: i32) -> (i32, i32) {
    %c0_i32 = arith.constant 0 : i32
    return %arg1, %arg0 : i32, i32
  }
  func.func @transform_1(%arg0: i32, %arg1: i32) -> (i32, i32) {
    %add3A = arith.constant 8 : i32
    %add3A_0 = arith.addi %add3A, %arg0 : i32
    %c0_i32 = arith.constant 0 : i32
    %c0_i32_1 = arith.constant 0 : i32
    return %c0_i32, %add3A_0 : i32, i32
  }
  func.func @transform_2(%arg0: i32, %arg1: i32) -> (i32, i32) {
    %add3A = arith.constant 16 : i32
    %add3A_0 = arith.addi %add3A, %arg0 : i32
    %c0_i32 = arith.constant 0 : i32
    %c0_i32_1 = arith.constant 0 : i32
    return %c0_i32, %add3A_0 : i32, i32
  }
  func.func @transform_3(%arg0: i32, %arg1: i32) -> (i32, i32) {
    %c0_i32 = arith.constant 0 : i32
    return %arg1, %arg0 : i32, i32
  }
}

module attributes {stable_mosaic.version = 14 : i64} {
  func.func @body(%arg0: i32, %arg1: memref<2048x1024xf32, #tpu.memory_space<vmem>>, %arg2: memref<1024x1024xbf16, #tpu.memory_space<vmem>>, %arg3: memref<1x1024xf32, #tpu.memory_space<vmem>>, %arg4: memref<2048x1024xf32, #tpu.memory_space<vmem>>, %arg5: memref<1x1024xf32, #tpu.memory_space<vmem>>, %arg6: memref<1x1024xf32, #tpu.memory_space<vmem>>, %arg7: memref<8x1024xf32, #tpu.memory_space<vmem>>, %arg8: memref<1x8xf32, #tpu.memory_space<vmem>>, %arg9: memref<2048x1024xf32, #tpu.memory_space<vmem>>, %arg10: memref<2048x2xf32, #tpu.memory_space<vmem>>, %arg11: memref<2048x1xi32, #tpu.memory_space<vmem>>, %arg12: memref<2048x1xi32, #tpu.memory_space<vmem>>, %arg13: memref<40x1xi32, #tpu.memory_space<vmem>>) attributes {dimension_semantics = [#tpu.dimension_semantics<arbitrary>], iteration_bounds = array<i64: 1>, scalar_prefetch = 0 : i64, scratch_operands = 0 : i64, tpu.core_type = #tpu.core_type<tc>, window_params = [{pipeline_mode = #tpu.pipeline_mode<synchronous>, transform_indices = @transform_0, window_bounds = array<i64: 2048, 1024>}, {pipeline_mode = #tpu.pipeline_mode<synchronous>, transform_indices = @transform_1, window_bounds = array<i64: 1024, 1024>}, {pipeline_mode = #tpu.pipeline_mode<synchronous>, transform_indices = @transform_2, window_bounds = array<i64: 1, 1024>}, {pipeline_mode = #tpu.pipeline_mode<synchronous>, transform_indices = @transform_3, window_bounds = array<i64: 2048, 1024>}, {pipeline_mode = #tpu.pipeline_mode<synchronous>, transform_indices = @transform_4, window_bounds = array<i64: 1, 1024>}, {pipeline_mode = #tpu.pipeline_mode<synchronous>, transform_indices = @transform_5, window_bounds = array<i64: 1, 1024>}, {pipeline_mode = #tpu.pipeline_mode<synchronous>, transform_indices = @transform_6, window_bounds = array<i64: 8, 1024>}, {pipeline_mode = #tpu.pipeline_mode<synchronous>, transform_indices = @transform_7, window_bounds = array<i64: 1, 8>}, {pipeline_mode = #tpu.pipeline_mode<synchronous>, transform_indices = @transform_8, window_bounds = array<i64: 2048, 1024>}, {pipeline_mode = #tpu.pipeline_mode<synchronous>, transform_indices = @transform_9, window_bounds = array<i64: 2048, 2>}, {pipeline_mode = #tpu.pipeline_mode<synchronous>, transform_indices = @transform_10, window_bounds = array<i64: 2048, 1>}, {pipeline_mode = #tpu.pipeline_mode<synchronous>, transform_indices = @transform_11, window_bounds = array<i64: 2048, 1>}, {pipeline_mode = #tpu.pipeline_mode<synchronous>, transform_indices = @transform_12, window_bounds = array<i64: 40, 1>}]} {
    %get3A = arith.constant 0 : index
    %get3A_0 = arith.constant 0 : index
    %get3A_1 = vector.load %arg1[%get3A, %get3A_0] : memref<2048x1024xf32, #tpu.memory_space<vmem>>, vector<2048x1024xf32>
    %get3A_2 = arith.constant 0 : index
    %get3A_3 = arith.constant 0 : index
    %get3A_4 = vector.load %arg2[%get3A_2, %get3A_3] : memref<1024x1024xbf16, #tpu.memory_space<vmem>>, vector<1024x1024xbf16>
    %convert_element_type3A = arith.truncf %get3A_1 : vector<2048x1024xf32> to vector<2048x1024xbf16>
    %dot_general3A = arith.constant dense<0.000000e+00> : vector<2048x1024xf32>
    %dot_general3A_5 = tpu.matmul %convert_element_type3A, %get3A_4, %dot_general3A {dimension_numbers = #tpu.dot_dimension_numbers<[1], [1], [0], [0], [0, 0, 1, 0], [], []>, transpose_lhs_hint = false} : vector<2048x1024xbf16>, vector<1024x1024xbf16>, vector<2048x1024xf32> -> vector<2048x1024xf32>
    %get3A_6 = arith.constant 0 : index
    %get3A_7 = arith.constant 0 : index
    %get3A_8 = vector.load %arg3[%get3A_6, %get3A_7] : memref<1x1024xf32, #tpu.memory_space<vmem>>, vector<1x1024xf32>
    %add3A = vector.broadcast %get3A_8 : vector<1x1024xf32> to vector<2048x1024xf32>
    %add3A_9 = arith.addf %dot_general3A_5, %add3A : vector<2048x1024xf32>
    %get3A_10 = arith.constant 0 : index
    %get3A_11 = arith.constant 0 : index
    %get3A_12 = vector.load %arg4[%get3A_10, %get3A_11] : memref<2048x1024xf32, #tpu.memory_space<vmem>>, vector<2048x1024xf32>
    %add3A_13 = arith.addf %get3A_12, %add3A_9 : vector<2048x1024xf32>
    %get3A_14 = arith.constant 0 : index
    %get3A_15 = arith.constant 0 : index
    %get3A_16 = vector.load %arg5[%get3A_14, %get3A_15] : memref<1x1024xf32, #tpu.memory_space<vmem>>, vector<1x1024xf32>
    %get3A_17 = arith.constant 0 : index
    %get3A_18 = arith.constant 0 : index
    %get3A_19 = vector.load %arg6[%get3A_17, %get3A_18] : memref<1x1024xf32, #tpu.memory_space<vmem>>, vector<1x1024xf32>
    %reduce_sum3A = arith.constant dense<0.000000e+00> : vector<2048xf32>
    %reduce_sum3A_20 = vector.multi_reduction <add>, %add3A_13, %reduce_sum3A [1] : vector<2048x1024xf32> to vector<2048xf32>
    %broadcast_in_dim3A = vector.shape_cast %reduce_sum3A_20 : vector<2048xf32> to vector<2048x1xf32>
    %div3A = arith.constant 1.024000e+03 : f32
    %div3A_21 = vector.broadcast %div3A : f32 to vector<2048x1xf32>
    %div3A_22 = arith.divf %broadcast_in_dim3A, %div3A_21 : vector<2048x1xf32>
    %sub3A = vector.broadcast %div3A_22 : vector<2048x1xf32> to vector<2048x1024xf32>
    %sub3A_23 = arith.subf %add3A_13, %sub3A : vector<2048x1024xf32>
    %integer_pow3A = arith.mulf %sub3A_23, %sub3A_23 : vector<2048x1024xf32>
    %reduce_sum3A_24 = arith.constant dense<0.000000e+00> : vector<2048xf32>
    %reduce_sum3A_25 = vector.multi_reduction <add>, %integer_pow3A, %reduce_sum3A_24 [1] : vector<2048x1024xf32> to vector<2048xf32>
    %broadcast_in_dim3A_26 = vector.shape_cast %reduce_sum3A_25 : vector<2048xf32> to vector<2048x1xf32>
    %div3A_27 = arith.constant 1.024000e+03 : f32
    %div3A_28 = vector.broadcast %div3A_27 : f32 to vector<2048x1xf32>
    %div3A_29 = arith.divf %broadcast_in_dim3A_26, %div3A_28 : vector<2048x1xf32>
    %sub3A_30 = vector.broadcast %div3A_22 : vector<2048x1xf32> to vector<2048x1024xf32>
    %sub3A_31 = arith.subf %add3A_13, %sub3A_30 : vector<2048x1024xf32>
    %add3A_32 = arith.constant 9.99999974E-6 : f32
    %add3A_33 = vector.broadcast %add3A_32 : f32 to vector<2048x1xf32>
    %add3A_34 = arith.addf %div3A_29, %add3A_33 : vector<2048x1xf32>
    %sqrt3A = math.sqrt %add3A_34 : vector<2048x1xf32>
    %div3A_35 = vector.broadcast %sqrt3A : vector<2048x1xf32> to vector<2048x1024xf32>
    %div3A_36 = arith.divf %sub3A_31, %div3A_35 : vector<2048x1024xf32>
    %mul3A = vector.broadcast %get3A_16 : vector<1x1024xf32> to vector<2048x1024xf32>
    %mul3A_37 = arith.mulf %div3A_36, %mul3A : vector<2048x1024xf32>
    %add3A_38 = vector.broadcast %get3A_19 : vector<1x1024xf32> to vector<2048x1024xf32>
    %add3A_39 = arith.addf %mul3A_37, %add3A_38 : vector<2048x1024xf32>
    %swap3A = arith.constant 0 : index
    %swap3A_40 = arith.constant 0 : index
    %swap3A_41 = vector.load %arg9[%swap3A, %swap3A_40] : memref<2048x1024xf32, #tpu.memory_space<vmem>>, vector<2048x1024xf32>
    tpu.vector_store %arg9[%swap3A, %swap3A_40], %add3A_39 {strides = array<i32>} : memref<2048x1024xf32, #tpu.memory_space<vmem>>, vector<2048x1024xf32>,
    %get3A_42 = arith.constant 0 : index
    %get3A_43 = arith.constant 0 : index
    %get3A_44 = vector.load %arg7[%get3A_42, %get3A_43] : memref<8x1024xf32, #tpu.memory_space<vmem>>, vector<8x1024xf32>
    %convert_element_type3A_45 = arith.truncf %add3A_39 : vector<2048x1024xf32> to vector<2048x1024xbf16>
    %convert_element_type3A_46 = arith.truncf %get3A_44 : vector<8x1024xf32> to vector<8x1024xbf16>
    %dot_general3A_47 = arith.constant dense<0.000000e+00> : vector<2048x8xf32>
    %dot_general3A_48 = tpu.matmul %convert_element_type3A_45, %convert_element_type3A_46, %dot_general3A_47 {dimension_numbers = #tpu.dot_dimension_numbers<[1], [1], [0], [0], [0, 0, 1, 0], [], []>, transpose_lhs_hint = false} : vector<2048x1024xbf16>, vector<8x1024xbf16>, vector<2048x8xf32> -> vector<2048x8xf32>
    %get3A_49 = arith.constant 0 : index
    %get3A_50 = arith.constant 0 : index
    %get3A_51 = vector.load %arg8[%get3A_49, %get3A_50] : memref<1x8xf32, #tpu.memory_space<vmem>>, vector<1x8xf32>
    %add3A_52 = vector.broadcast %get3A_51 : vector<1x8xf32> to vector<2048x8xf32>
    %add3A_53 = arith.addf %dot_general3A_48, %add3A_52 : vector<2048x8xf32>
    %reduce_max3A = arith.constant dense<0xFF800000> : vector<2048xf32>
    %reduce_max3A_54 = vector.multi_reduction <maximumf>, %add3A_53, %reduce_max3A [1] : vector<2048x8xf32> to vector<2048xf32>
    %broadcast_in_dim3A_55 = vector.shape_cast %reduce_max3A_54 : vector<2048xf32> to vector<2048x1xf32>
    %sub3A_56 = vector.broadcast %broadcast_in_dim3A_55 : vector<2048x1xf32> to vector<2048x8xf32>
    %sub3A_57 = arith.subf %add3A_53, %sub3A_56 : vector<2048x8xf32>
    %exp3A = math.exp %sub3A_57 : vector<2048x8xf32>
    %reduce_sum3A_58 = arith.constant dense<0.000000e+00> : vector<2048xf32>
    %reduce_sum3A_59 = vector.multi_reduction <add>, %exp3A, %reduce_sum3A_58 [1] : vector<2048x8xf32> to vector<2048xf32>
    %broadcast_in_dim3A_60 = vector.shape_cast %reduce_sum3A_59 : vector<2048xf32> to vector<2048x1xf32>
    %div3A_61 = vector.broadcast %broadcast_in_dim3A_60 : vector<2048x1xf32> to vector<2048x8xf32>
    %div3A_62 = arith.divf %exp3A, %div3A_61 : vector<2048x8xf32>
    %iota3A = tpu.iota {dimensions = array<i32: 1>} : vector<2048x8xi32>
    %reduce_max3A_63 = arith.constant dense<0xFF800000> : vector<2048xf32>
    %reduce_max3A_64 = vector.multi_reduction <maximumf>, %div3A_62, %reduce_max3A_63 [1] : vector<2048x8xf32> to vector<2048xf32>
    %broadcast_in_dim3A_65 = vector.shape_cast %reduce_max3A_64 : vector<2048xf32> to vector<2048x1xf32>
    %eq3A = vector.broadcast %broadcast_in_dim3A_65 : vector<2048x1xf32> to vector<2048x8xf32>
    %eq3A_66 = arith.cmpf oeq, %div3A_62, %eq3A : vector<2048x8xf32>
    %jit3A = arith.constant 8 : i32
    %broadcast_in_dim3A_67 = vector.broadcast %jit3A : i32 to vector<2048x8xi32>
    %select_n3A = arith.select %eq3A_66, %iota3A, %broadcast_in_dim3A_67 : vector<2048x8xi1>, vector<2048x8xi32>
    %reduce_min3A = arith.constant dense<2147483647> : vector<2048xi32>
    %reduce_min3A_68 = vector.multi_reduction <minsi>, %select_n3A, %reduce_min3A [1] : vector<2048x8xi32> to vector<2048xi32>
    %broadcast_in_dim3A_69 = vector.shape_cast %reduce_min3A_68 : vector<2048xi32> to vector<2048x1xi32>
    %eq3A_70 = vector.broadcast %broadcast_in_dim3A_69 : vector<2048x1xi32> to vector<2048x8xi32>
    %eq3A_71 = arith.cmpi eq, %iota3A, %eq3A_70 : vector<2048x8xi32>
    %convert_element_type3A_72 = arith.extui %eq3A_71 : vector<2048x8xi1> to vector<2048x8xi32>
    %convert_element_type3A_73 = arith.sitofp %convert_element_type3A_72 : vector<2048x8xi32> to vector<2048x8xf32>
    %eq3A_74 = vector.broadcast %broadcast_in_dim3A_69 : vector<2048x1xi32> to vector<2048x8xi32>
    %eq3A_75 = arith.cmpi eq, %iota3A, %eq3A_74 : vector<2048x8xi32>
    %jit3A_76 = arith.constant -1.000000e+00 : f32
    %broadcast_in_dim3A_77 = vector.broadcast %jit3A_76 : f32 to vector<2048x8xf32>
    %select_n3A_78 = arith.select %eq3A_75, %broadcast_in_dim3A_77, %div3A_62 : vector<2048x8xi1>, vector<2048x8xf32>
    %reduce_max3A_79 = arith.constant dense<0xFF800000> : vector<2048xf32>
    %reduce_max3A_80 = vector.multi_reduction <maximumf>, %select_n3A_78, %reduce_max3A_79 [1] : vector<2048x8xf32> to vector<2048xf32>
    %broadcast_in_dim3A_81 = vector.shape_cast %reduce_max3A_80 : vector<2048xf32> to vector<2048x1xf32>
    %eq3A_82 = vector.broadcast %broadcast_in_dim3A_81 : vector<2048x1xf32> to vector<2048x8xf32>
    %eq3A_83 = arith.cmpf oeq, %select_n3A_78, %eq3A_82 : vector<2048x8xf32>
    %jit3A_84 = arith.constant 8 : i32
    %broadcast_in_dim3A_85 = vector.broadcast %jit3A_84 : i32 to vector<2048x8xi32>
    %select_n3A_86 = arith.select %eq3A_83, %iota3A, %broadcast_in_dim3A_85 : vector<2048x8xi1>, vector<2048x8xi32>
    %reduce_min3A_87 = arith.constant dense<2147483647> : vector<2048xi32>
    %reduce_min3A_88 = vector.multi_reduction <minsi>, %select_n3A_86, %reduce_min3A_87 [1] : vector<2048x8xi32> to vector<2048xi32>
    %broadcast_in_dim3A_89 = vector.shape_cast %reduce_min3A_88 : vector<2048xi32> to vector<2048x1xi32>
    %eq3A_90 = vector.broadcast %broadcast_in_dim3A_89 : vector<2048x1xi32> to vector<2048x8xi32>
    %eq3A_91 = arith.cmpi eq, %iota3A, %eq3A_90 : vector<2048x8xi32>
    %convert_element_type3A_92 = arith.extui %eq3A_91 : vector<2048x8xi1> to vector<2048x8xi32>
    %convert_element_type3A_93 = arith.sitofp %convert_element_type3A_92 : vector<2048x8xi32> to vector<2048x8xf32>
    %add3A_94 = arith.addf %broadcast_in_dim3A_65, %broadcast_in_dim3A_81 : vector<2048x1xf32>
    %div3A_95 = arith.divf %broadcast_in_dim3A_65, %add3A_94 : vector<2048x1xf32>
    %div3A_96 = arith.divf %broadcast_in_dim3A_81, %add3A_94 : vector<2048x1xf32>
    %concatenate3A = tpu.concatenate %div3A_95, %div3A_96 in 1 : vector<2048x1xf32>, vector<2048x1xf32> -> vector<2048x2xf32>
    %swap3A_97 = arith.constant 0 : index
    %swap3A_98 = arith.constant 0 : index
    %swap3A_99 = vector.load %arg10[%swap3A_97, %swap3A_98] : memref<2048x2xf32, #tpu.memory_space<vmem>>, vector<2048x2xf32>
    tpu.vector_store %arg10[%swap3A_97, %swap3A_98], %concatenate3A {strides = array<i32>} : memref<2048x2xf32, #tpu.memory_space<vmem>>, vector<2048x2xf32>,
    %iota3A_100 = tpu.iota {dimensions = array<i32: 0>} : vector<512x512xi32>
    %iota3A_101 = tpu.iota {dimensions = array<i32: 1>} : vector<512x512xi32>
    %lt3A = arith.cmpi slt, %iota3A_101, %iota3A_100 : vector<512x512xi32>
    %convert_element_type3A_102 = arith.extui %lt3A : vector<512x512xi1> to vector<512x512xi32>
    %convert_element_type3A_103 = arith.sitofp %convert_element_type3A_102 : vector<512x512xi32> to vector<512x512xf32>
    %broadcast_in_dim3A_104 = arith.constant 0.000000e+00 : f32
    %broadcast_in_dim3A_105 = vector.broadcast %broadcast_in_dim3A_104 : f32 to vector<1x8xf32>
    %slice3A = vector.extract_strided_slice %convert_element_type3A_73 {offsets = [0, 0], sizes = [512, 8], strides = [1, 1]} : vector<2048x8xf32> to vector<512x8xf32>
    %dot_general3A_106 = arith.constant dense<0.000000e+00> : vector<512x8xf32>
    %dot_general3A_107 = tpu.matmul %convert_element_type3A_103, %slice3A, %dot_general3A_106 {dimension_numbers = #tpu.dot_dimension_numbers<[1], [0], [0], [1], [0, 0, 1, 1], [], []>, precision = #tpu.contract_precision<fp32>, transpose_lhs_hint = false} : vector<512x512xf32>, vector<512x8xf32>, vector<512x8xf32> -> vector<512x8xf32>
    %add3A_108 = vector.broadcast %broadcast_in_dim3A_105 : vector<1x8xf32> to vector<512x8xf32>
    %add3A_109 = arith.addf %dot_general3A_107, %add3A_108 : vector<512x8xf32>
    %reduce_sum3A_110 = arith.constant dense<0.000000e+00> : vector<8xf32>
    %reduce_sum3A_111 = vector.multi_reduction <add>, %slice3A, %reduce_sum3A_110 [0] : vector<512x8xf32> to vector<8xf32>
    %broadcast_in_dim3A_112 = vector.shape_cast %reduce_sum3A_111 : vector<8xf32> to vector<1x8xf32>
    %add3A_113 = arith.addf %broadcast_in_dim3A_105, %broadcast_in_dim3A_112 : vector<1x8xf32>
    %slice3A_114 = vector.extract_strided_slice %convert_element_type3A_73 {offsets = [512, 0], sizes = [512, 8], strides = [1, 1]} : vector<2048x8xf32> to vector<512x8xf32>
    %dot_general3A_115 = arith.constant dense<0.000000e+00> : vector<512x8xf32>
    %dot_general3A_116 = tpu.matmul %convert_element_type3A_103, %slice3A_114, %dot_general3A_115 {dimension_numbers = #tpu.dot_dimension_numbers<[1], [0], [0], [1], [0, 0, 1, 1], [], []>, precision = #tpu.contract_precision<fp32>, transpose_lhs_hint = false} : vector<512x512xf32>, vector<512x8xf32>, vector<512x8xf32> -> vector<512x8xf32>
    %add3A_117 = vector.broadcast %add3A_113 : vector<1x8xf32> to vector<512x8xf32>
    %add3A_118 = arith.addf %dot_general3A_116, %add3A_117 : vector<512x8xf32>
    %reduce_sum3A_119 = arith.constant dense<0.000000e+00> : vector<8xf32>
    %reduce_sum3A_120 = vector.multi_reduction <add>, %slice3A_114, %reduce_sum3A_119 [0] : vector<512x8xf32> to vector<8xf32>
    %broadcast_in_dim3A_121 = vector.shape_cast %reduce_sum3A_120 : vector<8xf32> to vector<1x8xf32>
    %add3A_122 = arith.addf %add3A_113, %broadcast_in_dim3A_121 : vector<1x8xf32>
    %slice3A_123 = vector.extract_strided_slice %convert_element_type3A_73 {offsets = [1024, 0], sizes = [512, 8], strides = [1, 1]} : vector<2048x8xf32> to vector<512x8xf32>
    %dot_general3A_124 = arith.constant dense<0.000000e+00> : vector<512x8xf32>
    %dot_general3A_125 = tpu.matmul %convert_element_type3A_103, %slice3A_123, %dot_general3A_124 {dimension_numbers = #tpu.dot_dimension_numbers<[1], [0], [0], [1], [0, 0, 1, 1], [], []>, precision = #tpu.contract_precision<fp32>, transpose_lhs_hint = false} : vector<512x512xf32>, vector<512x8xf32>, vector<512x8xf32> -> vector<512x8xf32>
    %add3A_126 = vector.broadcast %add3A_122 : vector<1x8xf32> to vector<512x8xf32>
    %add3A_127 = arith.addf %dot_general3A_125, %add3A_126 : vector<512x8xf32>
    %reduce_sum3A_128 = arith.constant dense<0.000000e+00> : vector<8xf32>
    %reduce_sum3A_129 = vector.multi_reduction <add>, %slice3A_123, %reduce_sum3A_128 [0] : vector<512x8xf32> to vector<8xf32>
    %broadcast_in_dim3A_130 = vector.shape_cast %reduce_sum3A_129 : vector<8xf32> to vector<1x8xf32>
    %add3A_131 = arith.addf %add3A_122, %broadcast_in_dim3A_130 : vector<1x8xf32>
    %slice3A_132 = vector.extract_strided_slice %convert_element_type3A_73 {offsets = [1536, 0], sizes = [512, 8], strides = [1, 1]} : vector<2048x8xf32> to vector<512x8xf32>
    %dot_general3A_133 = arith.constant dense<0.000000e+00> : vector<512x8xf32>
    %dot_general3A_134 = tpu.matmul %convert_element_type3A_103, %slice3A_132, %dot_general3A_133 {dimension_numbers = #tpu.dot_dimension_numbers<[1], [0], [0], [1], [0, 0, 1, 1], [], []>, precision = #tpu.contract_precision<fp32>, transpose_lhs_hint = false} : vector<512x512xf32>, vector<512x8xf32>, vector<512x8xf32> -> vector<512x8xf32>
    %add3A_135 = vector.broadcast %add3A_131 : vector<1x8xf32> to vector<512x8xf32>
    %add3A_136 = arith.addf %dot_general3A_134, %add3A_135 : vector<512x8xf32>
    %reduce_sum3A_137 = arith.constant dense<0.000000e+00> : vector<8xf32>
    %reduce_sum3A_138 = vector.multi_reduction <add>, %slice3A_132, %reduce_sum3A_137 [0] : vector<512x8xf32> to vector<8xf32>
    %broadcast_in_dim3A_139 = vector.shape_cast %reduce_sum3A_138 : vector<8xf32> to vector<1x8xf32>
    %add3A_140 = arith.addf %add3A_131, %broadcast_in_dim3A_139 : vector<1x8xf32>
    %concatenate3A_141 = tpu.concatenate %add3A_109, %add3A_118, %add3A_127, %add3A_136 in 0 : vector<512x8xf32>, vector<512x8xf32>, vector<512x8xf32>, vector<512x8xf32> -> vector<2048x8xf32>
    %broadcast_in_dim3A_142 = arith.constant 0.000000e+00 : f32
    %broadcast_in_dim3A_143 = vector.broadcast %broadcast_in_dim3A_142 : f32 to vector<1x8xf32>
    %slice3A_144 = vector.extract_strided_slice %convert_element_type3A_93 {offsets = [0, 0], sizes = [512, 8], strides = [1, 1]} : vector<2048x8xf32> to vector<512x8xf32>
    %dot_general3A_145 = arith.constant dense<0.000000e+00> : vector<512x8xf32>
    %dot_general3A_146 = tpu.matmul %convert_element_type3A_103, %slice3A_144, %dot_general3A_145 {dimension_numbers = #tpu.dot_dimension_numbers<[1], [0], [0], [1], [0, 0, 1, 1], [], []>, precision = #tpu.contract_precision<fp32>, transpose_lhs_hint = false} : vector<512x512xf32>, vector<512x8xf32>, vector<512x8xf32> -> vector<512x8xf32>
    %add3A_147 = vector.broadcast %broadcast_in_dim3A_143 : vector<1x8xf32> to vector<512x8xf32>
    %add3A_148 = arith.addf %dot_general3A_146, %add3A_147 : vector<512x8xf32>
    %reduce_sum3A_149 = arith.constant dense<0.000000e+00> : vector<8xf32>
    %reduce_sum3A_150 = vector.multi_reduction <add>, %slice3A_144, %reduce_sum3A_149 [0] : vector<512x8xf32> to vector<8xf32>
    %broadcast_in_dim3A_151 = vector.shape_cast %reduce_sum3A_150 : vector<8xf32> to vector<1x8xf32>
    %add3A_152 = arith.addf %broadcast_in_dim3A_143, %broadcast_in_dim3A_151 : vector<1x8xf32>
    %slice3A_153 = vector.extract_strided_slice %convert_element_type3A_93 {offsets = [512, 0], sizes = [512, 8], strides = [1, 1]} : vector<2048x8xf32> to vector<512x8xf32>
    %dot_general3A_154 = arith.constant dense<0.000000e+00> : vector<512x8xf32>
    %dot_general3A_155 = tpu.matmul %convert_element_type3A_103, %slice3A_153, %dot_general3A_154 {dimension_numbers = #tpu.dot_dimension_numbers<[1], [0], [0], [1], [0, 0, 1, 1], [], []>, precision = #tpu.contract_precision<fp32>, transpose_lhs_hint = false} : vector<512x512xf32>, vector<512x8xf32>, vector<512x8xf32> -> vector<512x8xf32>
    %add3A_156 = vector.broadcast %add3A_152 : vector<1x8xf32> to vector<512x8xf32>
    %add3A_157 = arith.addf %dot_general3A_155, %add3A_156 : vector<512x8xf32>
    %reduce_sum3A_158 = arith.constant dense<0.000000e+00> : vector<8xf32>
    %reduce_sum3A_159 = vector.multi_reduction <add>, %slice3A_153, %reduce_sum3A_158 [0] : vector<512x8xf32> to vector<8xf32>
    %broadcast_in_dim3A_160 = vector.shape_cast %reduce_sum3A_159 : vector<8xf32> to vector<1x8xf32>
    %add3A_161 = arith.addf %add3A_152, %broadcast_in_dim3A_160 : vector<1x8xf32>
    %slice3A_162 = vector.extract_strided_slice %convert_element_type3A_93 {offsets = [1024, 0], sizes = [512, 8], strides = [1, 1]} : vector<2048x8xf32> to vector<512x8xf32>
    %dot_general3A_163 = arith.constant dense<0.000000e+00> : vector<512x8xf32>
    %dot_general3A_164 = tpu.matmul %convert_element_type3A_103, %slice3A_162, %dot_general3A_163 {dimension_numbers = #tpu.dot_dimension_numbers<[1], [0], [0], [1], [0, 0, 1, 1], [], []>, precision = #tpu.contract_precision<fp32>, transpose_lhs_hint = false} : vector<512x512xf32>, vector<512x8xf32>, vector<512x8xf32> -> vector<512x8xf32>
    %add3A_165 = vector.broadcast %add3A_161 : vector<1x8xf32> to vector<512x8xf32>
    %add3A_166 = arith.addf %dot_general3A_164, %add3A_165 : vector<512x8xf32>
    %reduce_sum3A_167 = arith.constant dense<0.000000e+00> : vector<8xf32>
    %reduce_sum3A_168 = vector.multi_reduction <add>, %slice3A_162, %reduce_sum3A_167 [0] : vector<512x8xf32> to vector<8xf32>
    %broadcast_in_dim3A_169 = vector.shape_cast %reduce_sum3A_168 : vector<8xf32> to vector<1x8xf32>
    %add3A_170 = arith.addf %add3A_161, %broadcast_in_dim3A_169 : vector<1x8xf32>
    %slice3A_171 = vector.extract_strided_slice %convert_element_type3A_93 {offsets = [1536, 0], sizes = [512, 8], strides = [1, 1]} : vector<2048x8xf32> to vector<512x8xf32>
    %dot_general3A_172 = arith.constant dense<0.000000e+00> : vector<512x8xf32>
    %dot_general3A_173 = tpu.matmul %convert_element_type3A_103, %slice3A_171, %dot_general3A_172 {dimension_numbers = #tpu.dot_dimension_numbers<[1], [0], [0], [1], [0, 0, 1, 1], [], []>, precision = #tpu.contract_precision<fp32>, transpose_lhs_hint = false} : vector<512x512xf32>, vector<512x8xf32>, vector<512x8xf32> -> vector<512x8xf32>
    %add3A_174 = vector.broadcast %add3A_170 : vector<1x8xf32> to vector<512x8xf32>
    %add3A_175 = arith.addf %dot_general3A_173, %add3A_174 : vector<512x8xf32>
    %reduce_sum3A_176 = arith.constant dense<0.000000e+00> : vector<8xf32>
    %reduce_sum3A_177 = vector.multi_reduction <add>, %slice3A_171, %reduce_sum3A_176 [0] : vector<512x8xf32> to vector<8xf32>
    %broadcast_in_dim3A_178 = vector.shape_cast %reduce_sum3A_177 : vector<8xf32> to vector<1x8xf32>
    %add3A_179 = arith.addf %add3A_170, %broadcast_in_dim3A_178 : vector<1x8xf32>
    %concatenate3A_180 = tpu.concatenate %add3A_148, %add3A_157, %add3A_166, %add3A_175 in 0 : vector<512x8xf32>, vector<512x8xf32>, vector<512x8xf32>, vector<512x8xf32> -> vector<2048x8xf32>
    %add3A_181 = arith.addf %add3A_140, %add3A_179 : vector<1x8xf32>
    %add3A_182 = arith.constant 1.270000e+02 : f32
    %add3A_183 = vector.broadcast %add3A_182 : f32 to vector<1x8xf32>
    %add3A_184 = arith.addf %add3A_181, %add3A_183 : vector<1x8xf32>
    %div3A_185 = arith.constant 1.280000e+02 : f32
    %div3A_186 = vector.broadcast %div3A_185 : f32 to vector<1x8xf32>
    %div3A_187 = arith.divf %add3A_184, %div3A_186 : vector<1x8xf32>
    %floor3A = math.floor %div3A_187 : vector<1x8xf32>
    %mul3A_188 = arith.constant 1.280000e+02 : f32
    %mul3A_189 = vector.broadcast %mul3A_188 : f32 to vector<1x8xf32>
    %mul3A_190 = arith.mulf %floor3A, %mul3A_189 : vector<1x8xf32>
    %iota3A_191 = tpu.iota {dimensions = array<i32: 0>} : vector<8x8xi32>
    %iota3A_192 = tpu.iota {dimensions = array<i32: 1>} : vector<8x8xi32>
    %lt3A_193 = arith.cmpi slt, %iota3A_191, %iota3A_192 : vector<8x8xi32>
    %convert_element_type3A_194 = arith.extui %lt3A_193 : vector<8x8xi1> to vector<8x8xi32>
    %convert_element_type3A_195 = arith.sitofp %convert_element_type3A_194 : vector<8x8xi32> to vector<8x8xf32>
    %dot_general3A_196 = arith.constant dense<0.000000e+00> : vector<1x8xf32>
    %dot_general3A_197 = tpu.matmul %mul3A_190, %convert_element_type3A_195, %dot_general3A_196 {dimension_numbers = #tpu.dot_dimension_numbers<[1], [0], [0], [1], [0, 0, 1, 1], [], []>, precision = #tpu.contract_precision<fp32>, transpose_lhs_hint = false} : vector<1x8xf32>, vector<8x8xf32>, vector<1x8xf32> -> vector<1x8xf32>
    %add3A_198 = vector.broadcast %dot_general3A_197 : vector<1x8xf32> to vector<2048x8xf32>
    %add3A_199 = arith.addf %add3A_198, %concatenate3A_141 : vector<2048x8xf32>
    %mul3A_200 = arith.mulf %add3A_199, %convert_element_type3A_73 : vector<2048x8xf32>
    %reduce_sum3A_201 = arith.constant dense<0.000000e+00> : vector<2048xf32>
    %reduce_sum3A_202 = vector.multi_reduction <add>, %mul3A_200, %reduce_sum3A_201 [1] : vector<2048x8xf32> to vector<2048xf32>
    %broadcast_in_dim3A_203 = vector.shape_cast %reduce_sum3A_202 : vector<2048xf32> to vector<2048x1xf32>
    %add3A_204 = arith.addf %dot_general3A_197, %add3A_140 : vector<1x8xf32>
    %add3A_205 = vector.broadcast %add3A_204 : vector<1x8xf32> to vector<2048x8xf32>
    %add3A_206 = arith.addf %add3A_205, %concatenate3A_180 : vector<2048x8xf32>
    %mul3A_207 = arith.mulf %add3A_206, %convert_element_type3A_93 : vector<2048x8xf32>
    %reduce_sum3A_208 = arith.constant dense<0.000000e+00> : vector<2048xf32>
    %reduce_sum3A_209 = vector.multi_reduction <add>, %mul3A_207, %reduce_sum3A_208 [1] : vector<2048x8xf32> to vector<2048xf32>
    %broadcast_in_dim3A_210 = vector.shape_cast %reduce_sum3A_209 : vector<2048xf32> to vector<2048x1xf32>
    %convert_element_type3A_211 = arith.fptosi %broadcast_in_dim3A_203 : vector<2048x1xf32> to vector<2048x1xi32>
    %swap3A_212 = arith.constant 0 : index
    %swap3A_213 = arith.constant 0 : index
    %swap3A_214 = vector.load %arg11[%swap3A_212, %swap3A_213] : memref<2048x1xi32, #tpu.memory_space<vmem>>, vector<2048x1xi32>
    tpu.vector_store %arg11[%swap3A_212, %swap3A_213], %convert_element_type3A_211 {strides = array<i32>} : memref<2048x1xi32, #tpu.memory_space<vmem>>, vector<2048x1xi32>,
    %convert_element_type3A_215 = arith.fptosi %broadcast_in_dim3A_210 : vector<2048x1xf32> to vector<2048x1xi32>
    %swap3A_216 = arith.constant 0 : index
    %swap3A_217 = arith.constant 0 : index
    %swap3A_218 = vector.load %arg12[%swap3A_216, %swap3A_217] : memref<2048x1xi32, #tpu.memory_space<vmem>>, vector<2048x1xi32>
    tpu.vector_store %arg12[%swap3A_216, %swap3A_217], %convert_element_type3A_215 {strides = array<i32>} : memref<2048x1xi32, #tpu.memory_space<vmem>>, vector<2048x1xi32>,
    %iota3A_219 = tpu.iota {dimensions = array<i32: 0>} : vector<40x8xi32>
    %convert_element_type3A_220 = arith.sitofp %iota3A_219 : vector<40x8xi32> to vector<40x8xf32>
    %mul3A_221 = arith.constant 1.280000e+02 : f32
    %mul3A_222 = vector.broadcast %mul3A_221 : f32 to vector<40x8xf32>
    %mul3A_223 = arith.mulf %convert_element_type3A_220, %mul3A_222 : vector<40x8xf32>
    %ge3A = vector.broadcast %dot_general3A_197 : vector<1x8xf32> to vector<40x8xf32>
    %ge3A_224 = arith.cmpf oge, %mul3A_223, %ge3A : vector<40x8xf32>
    %convert_element_type3A_225 = arith.extui %ge3A_224 : vector<40x8xi1> to vector<40x8xi32>
    %reduce_sum3A_226 = arith.constant dense<0> : vector<40xi32>
    %reduce_sum3A_227 = vector.multi_reduction <add>, %convert_element_type3A_225, %reduce_sum3A_226 [1] : vector<40x8xi32> to vector<40xi32>
    %broadcast_in_dim3A_228 = vector.shape_cast %reduce_sum3A_227 : vector<40xi32> to vector<40x1xi32>
    %sub3A_229 = arith.constant 1 : i32
    %sub3A_230 = vector.broadcast %sub3A_229 : i32 to vector<40x1xi32>
    %sub3A_231 = arith.subi %broadcast_in_dim3A_228, %sub3A_230 : vector<40x1xi32>
    %swap3A_232 = arith.constant 0 : index
    %swap3A_233 = arith.constant 0 : index
    %swap3A_234 = vector.load %arg13[%swap3A_232, %swap3A_233] : memref<40x1xi32, #tpu.memory_space<vmem>>, vector<40x1xi32>
    tpu.vector_store %arg13[%swap3A_232, %swap3A_233], %sub3A_231 {strides = array<i32>} : memref<40x1xi32, #tpu.memory_space<vmem>>, vector<40x1xi32>,
    return
  }
  func.func @transform_0(%arg0: i32) -> (i32, i32) {
    %c0_i32 = arith.constant 0 : i32
    %c0_i32_0 = arith.constant 0 : i32
    %c0_i32_1 = arith.constant 0 : i32
    return %c0_i32, %c0_i32_0 : i32, i32
  }
  func.func @transform_1(%arg0: i32) -> (i32, i32) {
    %c0_i32 = arith.constant 0 : i32
    %c0_i32_0 = arith.constant 0 : i32
    %c0_i32_1 = arith.constant 0 : i32
    return %c0_i32, %c0_i32_0 : i32, i32
  }
  func.func @transform_2(%arg0: i32) -> (i32, i32) {
    %c0_i32 = arith.constant 0 : i32
    %c0_i32_0 = arith.constant 0 : i32
    %c0_i32_1 = arith.constant 0 : i32
    return %c0_i32, %c0_i32_0 : i32, i32
  }
  func.func @transform_3(%arg0: i32) -> (i32, i32) {
    %c0_i32 = arith.constant 0 : i32
    %c0_i32_0 = arith.constant 0 : i32
    %c0_i32_1 = arith.constant 0 : i32
    return %c0_i32, %c0_i32_0 : i32, i32
  }
  func.func @transform_4(%arg0: i32) -> (i32, i32) {
    %c0_i32 = arith.constant 0 : i32
    %c0_i32_0 = arith.constant 0 : i32
    %c0_i32_1 = arith.constant 0 : i32
    return %c0_i32, %c0_i32_0 : i32, i32
  }
  func.func @transform_5(%arg0: i32) -> (i32, i32) {
    %c0_i32 = arith.constant 0 : i32
    %c0_i32_0 = arith.constant 0 : i32
    %c0_i32_1 = arith.constant 0 : i32
    return %c0_i32, %c0_i32_0 : i32, i32
  }
  func.func @transform_6(%arg0: i32) -> (i32, i32) {
    %c0_i32 = arith.constant 0 : i32
    %c0_i32_0 = arith.constant 0 : i32
    %c0_i32_1 = arith.constant 0 : i32
    return %c0_i32, %c0_i32_0 : i32, i32
  }
  func.func @transform_7(%arg0: i32) -> (i32, i32) {
    %c0_i32 = arith.constant 0 : i32
    %c0_i32_0 = arith.constant 0 : i32
    %c0_i32_1 = arith.constant 0 : i32
    return %c0_i32, %c0_i32_0 : i32, i32
  }
  func.func @transform_8(%arg0: i32) -> (i32, i32) {
    %c0_i32 = arith.constant 0 : i32
    %c0_i32_0 = arith.constant 0 : i32
    %c0_i32_1 = arith.constant 0 : i32
    return %c0_i32, %c0_i32_0 : i32, i32
  }
  func.func @transform_9(%arg0: i32) -> (i32, i32) {
    %c0_i32 = arith.constant 0 : i32
    %c0_i32_0 = arith.constant 0 : i32
    %c0_i32_1 = arith.constant 0 : i32
    return %c0_i32, %c0_i32_0 : i32, i32
  }
  func.func @transform_10(%arg0: i32) -> (i32, i32) {
    %c0_i32 = arith.constant 0 : i32
    %c0_i32_0 = arith.constant 0 : i32
    %c0_i32_1 = arith.constant 0 : i32
    return %c0_i32, %c0_i32_0 : i32, i32
  }
  func.func @transform_11(%arg0: i32) -> (i32, i32) {
    %c0_i32 = arith.constant 0 : i32
    %c0_i32_0 = arith.constant 0 : i32
    %c0_i32_1 = arith.constant 0 : i32
    return %c0_i32, %c0_i32_0 : i32, i32
  }
  func.func @transform_12(%arg0: i32) -> (i32, i32) {
    %c0_i32 = arith.constant 0 : i32
    %c0_i32_0 = arith.constant 0 : i32
    %c0_i32_1 = arith.constant 0 : i32
    return %c0_i32, %c0_i32_0 : i32, i32
  }
}

module attributes {stable_mosaic.version = 14 : i64} {
  func.func @body(%arg0: i32, %arg1: i32, %arg2: memref<40x1xi32, #tpu.memory_space<smem>>, %arg3: memref<128x1024xf32, #tpu.memory_space<vmem>>, %arg4: memref<1x512x1024xbf16, #tpu.memory_space<vmem>>, %arg5: memref<1x1x512xf32, #tpu.memory_space<vmem>>, %arg6: memref<1x1024x512xbf16, #tpu.memory_space<vmem>>, %arg7: memref<1x1x1024xf32, #tpu.memory_space<vmem>>, %arg8: memref<128x1024xf32, #tpu.memory_space<vmem>>) attributes {dimension_semantics = [#tpu.dimension_semantics<arbitrary>, #tpu.dimension_semantics<arbitrary>], iteration_bounds = array<i64: 40, 4>, scalar_prefetch = 1 : i64, scratch_operands = 0 : i64, tpu.core_type = #tpu.core_type<tc>, window_params = [{transform_indices = @transform_0, window_bounds = array<i64: 128, 1024>}, {transform_indices = @transform_1, window_bounds = array<i64: 1, 512, 1024>}, {transform_indices = @transform_2, window_bounds = array<i64: 1, 1, 512>}, {transform_indices = @transform_3, window_bounds = array<i64: 1, 1024, 512>}, {transform_indices = @transform_4, window_bounds = array<i64: 1, 1, 1024>}, {transform_indices = @transform_5, window_bounds = array<i64: 128, 1024>}]} {
    %get3A = arith.constant 0 : index
    %get3A_0 = arith.constant 0 : index
    %get3A_1 = vector.load %arg3[%get3A, %get3A_0] : memref<128x1024xf32, #tpu.memory_space<vmem>>, vector<128x1024xf32>
    %get3A_2 = arith.constant 0 : index
    %get3A_3 = arith.constant 0 : index
    %get3A_4 = arith.constant 0 : index
    %get3A_5 = vector.load %arg4[%get3A_2, %get3A_3, %get3A_4] : memref<1x512x1024xbf16, #tpu.memory_space<vmem>>, vector<1x512x1024xbf16>
    %get3A_6 = vector.shape_cast %get3A_5 : vector<1x512x1024xbf16> to vector<512x1024xbf16>
    %convert_element_type3A = arith.truncf %get3A_1 : vector<128x1024xf32> to vector<128x1024xbf16>
    %dot_general3A = arith.constant dense<0.000000e+00> : vector<128x512xf32>
    %dot_general3A_7 = tpu.matmul %convert_element_type3A, %get3A_6, %dot_general3A {dimension_numbers = #tpu.dot_dimension_numbers<[1], [1], [0], [0], [0, 0, 1, 0], [], []>, transpose_lhs_hint = false} : vector<128x1024xbf16>, vector<512x1024xbf16>, vector<128x512xf32> -> vector<128x512xf32>
    %get3A_8 = arith.constant 0 : index
    %get3A_9 = arith.constant 0 : index
    %get3A_10 = arith.constant 0 : index
    %get3A_11 = vector.load %arg5[%get3A_8, %get3A_9, %get3A_10] : memref<1x1x512xf32, #tpu.memory_space<vmem>>, vector<1x1x512xf32>
    %get3A_12 = vector.shape_cast %get3A_11 : vector<1x1x512xf32> to vector<1x512xf32>
    %add3A = vector.broadcast %get3A_12 : vector<1x512xf32> to vector<128x512xf32>
    %add3A_13 = arith.addf %dot_general3A_7, %add3A : vector<128x512xf32>
    %max3A = arith.constant 0.000000e+00 : f32
    %max3A_14 = vector.broadcast %max3A : f32 to vector<128x512xf32>
    %max3A_15 = arith.maximumf %add3A_13, %max3A_14 : vector<128x512xf32>
    %get3A_16 = arith.constant 0 : index
    %get3A_17 = arith.constant 0 : index
    %get3A_18 = arith.constant 0 : index
    %get3A_19 = vector.load %arg6[%get3A_16, %get3A_17, %get3A_18] : memref<1x1024x512xbf16, #tpu.memory_space<vmem>>, vector<1x1024x512xbf16>
    %get3A_20 = vector.shape_cast %get3A_19 : vector<1x1024x512xbf16> to vector<1024x512xbf16>
    %convert_element_type3A_21 = arith.truncf %max3A_15 : vector<128x512xf32> to vector<128x512xbf16>
    %dot_general3A_22 = arith.constant dense<0.000000e+00> : vector<128x1024xf32>
    %dot_general3A_23 = tpu.matmul %convert_element_type3A_21, %get3A_20, %dot_general3A_22 {dimension_numbers = #tpu.dot_dimension_numbers<[1], [1], [0], [0], [0, 0, 1, 0], [], []>, transpose_lhs_hint = false} : vector<128x512xbf16>, vector<1024x512xbf16>, vector<128x1024xf32> -> vector<128x1024xf32>
    %eq3A = arith.constant 0 : i32
    %eq3A_24 = arith.cmpi eq, %arg1, %eq3A : i32
    %convert_element_type3A_25 = arith.extui %eq3A_24 : i1 to i32
    %cond3A = arith.constant 0 : i32
    %cond3A_26 = arith.cmpi ne, %convert_element_type3A_25, %cond3A : i32
    scf.if %cond3A_26 {
      %get3A_31 = arith.constant 0 : index
      %get3A_32 = arith.constant 0 : index
      %get3A_33 = arith.constant 0 : index
      %get3A_34 = vector.load %arg7[%get3A_31, %get3A_32, %get3A_33] : memref<1x1x1024xf32, #tpu.memory_space<vmem>>, vector<1x1x1024xf32>
      %get3A_35 = vector.shape_cast %get3A_34 : vector<1x1x1024xf32> to vector<1x1024xf32>
      %add3A_36 = vector.broadcast %get3A_35 : vector<1x1024xf32> to vector<128x1024xf32>
      %add3A_37 = arith.addf %dot_general3A_23, %add3A_36 : vector<128x1024xf32>
      %swap3A = arith.constant 0 : index
      %swap3A_38 = arith.constant 0 : index
      %swap3A_39 = vector.load %arg8[%swap3A, %swap3A_38] : memref<128x1024xf32, #tpu.memory_space<vmem>>, vector<128x1024xf32>
      tpu.vector_store %arg8[%swap3A, %swap3A_38], %add3A_37 {strides = array<i32>} : memref<128x1024xf32, #tpu.memory_space<vmem>>, vector<128x1024xf32>,
    } else {
    }
    %gt3A = arith.constant 0 : i32
    %gt3A_27 = arith.cmpi sgt, %arg1, %gt3A : i32
    %convert_element_type3A_28 = arith.extui %gt3A_27 : i1 to i32
    %cond3A_29 = arith.constant 0 : i32
    %cond3A_30 = arith.cmpi ne, %convert_element_type3A_28, %cond3A_29 : i32
    scf.if %cond3A_30 {
      %get3A_31 = arith.constant 0 : index
      %get3A_32 = arith.constant 0 : index
      %get3A_33 = vector.load %arg8[%get3A_31, %get3A_32] : memref<128x1024xf32, #tpu.memory_space<vmem>>, vector<128x1024xf32>
      %add3A_34 = arith.addf %get3A_33, %dot_general3A_23 : vector<128x1024xf32>
      %swap3A = arith.constant 0 : index
      %swap3A_35 = arith.constant 0 : index
      %swap3A_36 = vector.load %arg8[%swap3A, %swap3A_35] : memref<128x1024xf32, #tpu.memory_space<vmem>>, vector<128x1024xf32>
      tpu.vector_store %arg8[%swap3A, %swap3A_35], %add3A_34 {strides = array<i32>} : memref<128x1024xf32, #tpu.memory_space<vmem>>, vector<128x1024xf32>,
    } else {
    }
    return
  }
  func.func @transform_0(%arg0: i32, %arg1: i32, %arg2: memref<40x1xi32, #tpu.memory_space<smem>>) -> (i32, i32) {
    %c0_i32 = arith.constant 0 : i32
    %c0_i32_0 = arith.constant 0 : i32
    return %arg0, %c0_i32 : i32, i32
  }
  func.func @transform_1(%arg0: i32, %arg1: i32, %arg2: memref<40x1xi32, #tpu.memory_space<smem>>) -> (i32, i32, i32) {
    %get3A = arith.index_cast %arg0 : i32 to index
    %get3A_0 = arith.constant 0 : index
    %get3A_1 = memref.load %arg2[%get3A, %get3A_0] : memref<40x1xi32, #tpu.memory_space<smem>>
    %c0_i32 = arith.constant 0 : i32
    %c0_i32_2 = arith.constant 0 : i32
    return %get3A_1, %arg1, %c0_i32 : i32, i32, i32
  }
  func.func @transform_2(%arg0: i32, %arg1: i32, %arg2: memref<40x1xi32, #tpu.memory_space<smem>>) -> (i32, i32, i32) {
    %get3A = arith.index_cast %arg0 : i32 to index
    %get3A_0 = arith.constant 0 : index
    %get3A_1 = memref.load %arg2[%get3A, %get3A_0] : memref<40x1xi32, #tpu.memory_space<smem>>
    %c0_i32 = arith.constant 0 : i32
    %c0_i32_2 = arith.constant 0 : i32
    return %get3A_1, %c0_i32, %arg1 : i32, i32, i32
  }
  func.func @transform_3(%arg0: i32, %arg1: i32, %arg2: memref<40x1xi32, #tpu.memory_space<smem>>) -> (i32, i32, i32) {
    %get3A = arith.index_cast %arg0 : i32 to index
    %get3A_0 = arith.constant 0 : index
    %get3A_1 = memref.load %arg2[%get3A, %get3A_0] : memref<40x1xi32, #tpu.memory_space<smem>>
    %c0_i32 = arith.constant 0 : i32
    %c0_i32_2 = arith.constant 0 : i32
    return %get3A_1, %c0_i32, %arg1 : i32, i32, i32
  }
  func.func @transform_4(%arg0: i32, %arg1: i32, %arg2: memref<40x1xi32, #tpu.memory_space<smem>>) -> (i32, i32, i32) {
    %get3A = arith.index_cast %arg0 : i32 to index
    %get3A_0 = arith.constant 0 : index
    %get3A_1 = memref.load %arg2[%get3A, %get3A_0] : memref<40x1xi32, #tpu.memory_space<smem>>
    %c0_i32 = arith.constant 0 : i32
    %c0_i32_2 = arith.constant 0 : i32
    %c0_i32_3 = arith.constant 0 : i32
    return %get3A_1, %c0_i32, %c0_i32_2 : i32, i32, i32
  }
  func.func @transform_5(%arg0: i32, %arg1: i32, %arg2: memref<40x1xi32, #tpu.memory_space<smem>>) -> (i32, i32) {
    %c0_i32 = arith.constant 0 : i32
    %c0_i32_0 = arith.constant 0 : i32
    return %arg0, %c0_i32 : i32, i32
  }
}

module attributes {stable_mosaic.version = 14 : i64} {
  func.func @body(%arg0: i32, %arg1: i32, %arg2: memref<256x1024xf32, #tpu.memory_space<vmem>>, %arg3: memref<256x1024xf32, #tpu.memory_space<vmem>>, %arg4: memref<256x1024xf32, #tpu.memory_space<vmem>>, %arg5: memref<256x2xf32, #tpu.memory_space<vmem>>, %arg6: memref<1x1024xf32, #tpu.memory_space<vmem>>, %arg7: memref<1x1024xf32, #tpu.memory_space<vmem>>, %arg8: memref<1024x1024xbf16, #tpu.memory_space<vmem>>, %arg9: memref<1x1024xf32, #tpu.memory_space<vmem>>, %arg10: memref<256x1024xf32, #tpu.memory_space<vmem>>, %arg11: memref<256x1024xf32, #tpu.memory_space<vmem>>) attributes {dimension_semantics = [#tpu.dimension_semantics<arbitrary>, #tpu.dimension_semantics<arbitrary>], iteration_bounds = array<i64: 8, 3>, scalar_prefetch = 0 : i64, scratch_operands = 0 : i64, tpu.core_type = #tpu.core_type<tc>, window_params = [{transform_indices = @transform_0, window_bounds = array<i64: 256, 1024>}, {transform_indices = @transform_1, window_bounds = array<i64: 256, 1024>}, {transform_indices = @transform_2, window_bounds = array<i64: 256, 1024>}, {transform_indices = @transform_3, window_bounds = array<i64: 256, 2>}, {pipeline_mode = #tpu.pipeline_mode<synchronous>, transform_indices = @transform_4, window_bounds = array<i64: 1, 1024>}, {pipeline_mode = #tpu.pipeline_mode<synchronous>, transform_indices = @transform_5, window_bounds = array<i64: 1, 1024>}, {transform_indices = @transform_6, window_bounds = array<i64: 1024, 1024>}, {transform_indices = @transform_7, window_bounds = array<i64: 1, 1024>}, {transform_indices = @transform_8, window_bounds = array<i64: 256, 1024>}, {transform_indices = @transform_9, window_bounds = array<i64: 256, 1024>}]} {
    %eq3A = arith.constant 0 : i32
    %eq3A_0 = arith.cmpi eq, %arg1, %eq3A : i32
    %convert_element_type3A = arith.extui %eq3A_0 : i1 to i32
    %cond3A = arith.constant 0 : i32
    %cond3A_1 = arith.cmpi ne, %convert_element_type3A, %cond3A : i32
    scf.if %cond3A_1 {
      %get3A_15 = arith.constant 0 : index
      %get3A_16 = arith.constant 0 : index
      %get3A_17 = vector.load %arg5[%get3A_15, %get3A_16] : memref<256x2xf32, #tpu.memory_space<vmem>>, vector<256x2xf32>
      %slice3A = vector.extract_strided_slice %get3A_17 {offsets = [0, 0], sizes = [256, 1], strides = [1, 1]} : vector<256x2xf32> to vector<256x1xf32>
      %get3A_18 = arith.constant 0 : index
      %get3A_19 = arith.constant 0 : index
      %get3A_20 = vector.load %arg3[%get3A_18, %get3A_19] : memref<256x1024xf32, #tpu.memory_space<vmem>>, vector<256x1024xf32>
      %mul3A = vector.broadcast %slice3A : vector<256x1xf32> to vector<256x1024xf32>
      %mul3A_21 = arith.mulf %mul3A, %get3A_20 : vector<256x1024xf32>
      %slice3A_22 = vector.extract_strided_slice %get3A_17 {offsets = [0, 1], sizes = [256, 1], strides = [1, 1]} : vector<256x2xf32> to vector<256x1xf32>
      %get3A_23 = arith.constant 0 : index
      %get3A_24 = arith.constant 0 : index
      %get3A_25 = vector.load %arg4[%get3A_23, %get3A_24] : memref<256x1024xf32, #tpu.memory_space<vmem>>, vector<256x1024xf32>
      %mul3A_26 = vector.broadcast %slice3A_22 : vector<256x1xf32> to vector<256x1024xf32>
      %mul3A_27 = arith.mulf %mul3A_26, %get3A_25 : vector<256x1024xf32>
      %add3A_28 = arith.addf %mul3A_21, %mul3A_27 : vector<256x1024xf32>
      %get3A_29 = arith.constant 0 : index
      %get3A_30 = arith.constant 0 : index
      %get3A_31 = vector.load %arg2[%get3A_29, %get3A_30] : memref<256x1024xf32, #tpu.memory_space<vmem>>, vector<256x1024xf32>
      %add3A_32 = arith.addf %get3A_31, %add3A_28 : vector<256x1024xf32>
      %get3A_33 = arith.constant 0 : index
      %get3A_34 = arith.constant 0 : index
      %get3A_35 = vector.load %arg6[%get3A_33, %get3A_34] : memref<1x1024xf32, #tpu.memory_space<vmem>>, vector<1x1024xf32>
      %get3A_36 = arith.constant 0 : index
      %get3A_37 = arith.constant 0 : index
      %get3A_38 = vector.load %arg7[%get3A_36, %get3A_37] : memref<1x1024xf32, #tpu.memory_space<vmem>>, vector<1x1024xf32>
      %reduce_sum3A = arith.constant dense<0.000000e+00> : vector<256xf32>
      %reduce_sum3A_39 = vector.multi_reduction <add>, %add3A_32, %reduce_sum3A [1] : vector<256x1024xf32> to vector<256xf32>
      %broadcast_in_dim3A = vector.shape_cast %reduce_sum3A_39 : vector<256xf32> to vector<256x1xf32>
      %div3A = arith.constant 1.024000e+03 : f32
      %div3A_40 = vector.broadcast %div3A : f32 to vector<256x1xf32>
      %div3A_41 = arith.divf %broadcast_in_dim3A, %div3A_40 : vector<256x1xf32>
      %sub3A = vector.broadcast %div3A_41 : vector<256x1xf32> to vector<256x1024xf32>
      %sub3A_42 = arith.subf %add3A_32, %sub3A : vector<256x1024xf32>
      %integer_pow3A = arith.mulf %sub3A_42, %sub3A_42 : vector<256x1024xf32>
      %reduce_sum3A_43 = arith.constant dense<0.000000e+00> : vector<256xf32>
      %reduce_sum3A_44 = vector.multi_reduction <add>, %integer_pow3A, %reduce_sum3A_43 [1] : vector<256x1024xf32> to vector<256xf32>
      %broadcast_in_dim3A_45 = vector.shape_cast %reduce_sum3A_44 : vector<256xf32> to vector<256x1xf32>
      %div3A_46 = arith.constant 1.024000e+03 : f32
      %div3A_47 = vector.broadcast %div3A_46 : f32 to vector<256x1xf32>
      %div3A_48 = arith.divf %broadcast_in_dim3A_45, %div3A_47 : vector<256x1xf32>
      %sub3A_49 = vector.broadcast %div3A_41 : vector<256x1xf32> to vector<256x1024xf32>
      %sub3A_50 = arith.subf %add3A_32, %sub3A_49 : vector<256x1024xf32>
      %add3A_51 = arith.constant 9.99999974E-6 : f32
      %add3A_52 = vector.broadcast %add3A_51 : f32 to vector<256x1xf32>
      %add3A_53 = arith.addf %div3A_48, %add3A_52 : vector<256x1xf32>
      %sqrt3A = math.sqrt %add3A_53 : vector<256x1xf32>
      %div3A_54 = vector.broadcast %sqrt3A : vector<256x1xf32> to vector<256x1024xf32>
      %div3A_55 = arith.divf %sub3A_50, %div3A_54 : vector<256x1024xf32>
      %mul3A_56 = vector.broadcast %get3A_35 : vector<1x1024xf32> to vector<256x1024xf32>
      %mul3A_57 = arith.mulf %div3A_55, %mul3A_56 : vector<256x1024xf32>
      %add3A_58 = vector.broadcast %get3A_38 : vector<1x1024xf32> to vector<256x1024xf32>
      %add3A_59 = arith.addf %mul3A_57, %add3A_58 : vector<256x1024xf32>
      %swap3A_60 = arith.constant 0 : index
      %swap3A_61 = arith.constant 0 : index
      %swap3A_62 = vector.load %arg10[%swap3A_60, %swap3A_61] : memref<256x1024xf32, #tpu.memory_space<vmem>>, vector<256x1024xf32>
      tpu.vector_store %arg10[%swap3A_60, %swap3A_61], %add3A_59 {strides = array<i32>} : memref<256x1024xf32, #tpu.memory_space<vmem>>, vector<256x1024xf32>,
    } else {
    }
    %get3A = arith.constant 0 : index
    %get3A_2 = arith.constant 0 : index
    %get3A_3 = vector.load %arg10[%get3A, %get3A_2] : memref<256x1024xf32, #tpu.memory_space<vmem>>, vector<256x1024xf32>
    %get3A_4 = arith.constant 0 : index
    %get3A_5 = arith.constant 0 : index
    %get3A_6 = vector.load %arg8[%get3A_4, %get3A_5] : memref<1024x1024xbf16, #tpu.memory_space<vmem>>, vector<1024x1024xbf16>
    %convert_element_type3A_7 = arith.truncf %get3A_3 : vector<256x1024xf32> to vector<256x1024xbf16>
    %dot_general3A = arith.constant dense<0.000000e+00> : vector<256x1024xf32>
    %dot_general3A_8 = tpu.matmul %convert_element_type3A_7, %get3A_6, %dot_general3A {dimension_numbers = #tpu.dot_dimension_numbers<[1], [1], [0], [0], [0, 0, 1, 0], [], []>, transpose_lhs_hint = false} : vector<256x1024xbf16>, vector<1024x1024xbf16>, vector<256x1024xf32> -> vector<256x1024xf32>
    %get3A_9 = arith.constant 0 : index
    %get3A_10 = arith.constant 0 : index
    %get3A_11 = vector.load %arg9[%get3A_9, %get3A_10] : memref<1x1024xf32, #tpu.memory_space<vmem>>, vector<1x1024xf32>
    %add3A = vector.broadcast %get3A_11 : vector<1x1024xf32> to vector<256x1024xf32>
    %add3A_12 = arith.addf %dot_general3A_8, %add3A : vector<256x1024xf32>
    %swap3A = arith.constant 0 : index
    %swap3A_13 = arith.constant 0 : index
    %swap3A_14 = vector.load %arg11[%swap3A, %swap3A_13] : memref<256x1024xf32, #tpu.memory_space<vmem>>, vector<256x1024xf32>
    tpu.vector_store %arg11[%swap3A, %swap3A_13], %add3A_12 {strides = array<i32>} : memref<256x1024xf32, #tpu.memory_space<vmem>>, vector<256x1024xf32>,
    return
  }
  func.func @transform_0(%arg0: i32, %arg1: i32) -> (i32, i32) {
    %c0_i32 = arith.constant 0 : i32
    %c0_i32_0 = arith.constant 0 : i32
    return %arg0, %c0_i32 : i32, i32
  }
  func.func @transform_1(%arg0: i32, %arg1: i32) -> (i32, i32) {
    %c0_i32 = arith.constant 0 : i32
    %c0_i32_0 = arith.constant 0 : i32
    return %arg0, %c0_i32 : i32, i32
  }
  func.func @transform_2(%arg0: i32, %arg1: i32) -> (i32, i32) {
    %c0_i32 = arith.constant 0 : i32
    %c0_i32_0 = arith.constant 0 : i32
    return %arg0, %c0_i32 : i32, i32
  }
  func.func @transform_3(%arg0: i32, %arg1: i32) -> (i32, i32) {
    %c0_i32 = arith.constant 0 : i32
    %c0_i32_0 = arith.constant 0 : i32
    return %arg0, %c0_i32 : i32, i32
  }
  func.func @transform_4(%arg0: i32, %arg1: i32) -> (i32, i32) {
    %c0_i32 = arith.constant 0 : i32
    %c0_i32_0 = arith.constant 0 : i32
    %c0_i32_1 = arith.constant 0 : i32
    return %c0_i32, %c0_i32_0 : i32, i32
  }
  func.func @transform_5(%arg0: i32, %arg1: i32) -> (i32, i32) {
    %c0_i32 = arith.constant 0 : i32
    %c0_i32_0 = arith.constant 0 : i32
    %c0_i32_1 = arith.constant 0 : i32
    return %c0_i32, %c0_i32_0 : i32, i32
  }
  func.func @transform_6(%arg0: i32, %arg1: i32) -> (i32, i32) {
    %c0_i32 = arith.constant 0 : i32
    %c0_i32_0 = arith.constant 0 : i32
    return %arg1, %c0_i32 : i32, i32
  }
  func.func @transform_7(%arg0: i32, %arg1: i32) -> (i32, i32) {
    %c0_i32 = arith.constant 0 : i32
    %c0_i32_0 = arith.constant 0 : i32
    return %c0_i32, %arg1 : i32, i32
  }
  func.func @transform_8(%arg0: i32, %arg1: i32) -> (i32, i32) {
    %c0_i32 = arith.constant 0 : i32
    %c0_i32_0 = arith.constant 0 : i32
    return %arg0, %c0_i32 : i32, i32
  }
  func.func @transform_9(%arg0: i32, %arg1: i32) -> (i32, i32) {
    %c0_i32 = arith.constant 0 : i32
    return %arg0, %arg1 : i32, i32
  }
}

module attributes {stable_mosaic.version = 14 : i64} {
  func.func @body(%arg0: i32, %arg1: i32, %arg2: memref<512x1024xf32, #tpu.memory_space<vmem>>, %arg3: memref<512x1024xf32, #tpu.memory_space<vmem>>, %arg4: memref<512x1024xf32, #tpu.memory_space<vmem>>, %arg5: memref<512x2xf32, #tpu.memory_space<vmem>>, %arg6: memref<1x1024xf32, #tpu.memory_space<vmem>>, %arg7: memref<1x1024xf32, #tpu.memory_space<vmem>>, %arg8: memref<1280x1024xf32, #tpu.memory_space<vmem>>, %arg9: memref<1x1280xf32, #tpu.memory_space<vmem>>, %arg10: memref<512x1280xf32, #tpu.memory_space<vmem>>, %arg11: memref<512x1024xf32, #tpu.memory_space<vmem>>) attributes {dimension_semantics = [#tpu.dimension_semantics<arbitrary>, #tpu.dimension_semantics<arbitrary>], iteration_bounds = array<i64: 4, 25>, scalar_prefetch = 0 : i64, scratch_operands = 1 : i64, tpu.core_type = #tpu.core_type<tc>, window_params = [{transform_indices = @transform_0, window_bounds = array<i64: 512, 1024>}, {transform_indices = @transform_1, window_bounds = array<i64: 512, 1024>}, {transform_indices = @transform_2, window_bounds = array<i64: 512, 1024>}, {transform_indices = @transform_3, window_bounds = array<i64: 512, 2>}, {pipeline_mode = #tpu.pipeline_mode<synchronous>, transform_indices = @transform_4, window_bounds = array<i64: 1, 1024>}, {pipeline_mode = #tpu.pipeline_mode<synchronous>, transform_indices = @transform_5, window_bounds = array<i64: 1, 1024>}, {transform_indices = @transform_6, window_bounds = array<i64: 1280, 1024>}, {transform_indices = @transform_7, window_bounds = array<i64: 1, 1280>}, {transform_indices = @transform_8, window_bounds = array<i64: 512, 1280>}]} {
    %eq3A = arith.constant 0 : i32
    %eq3A_0 = arith.cmpi eq, %arg1, %eq3A : i32
    %convert_element_type3A = arith.extui %eq3A_0 : i1 to i32
    %cond3A = arith.constant 0 : i32
    %cond3A_1 = arith.cmpi ne, %convert_element_type3A, %cond3A : i32
    scf.if %cond3A_1 {
      %get3A_16 = arith.constant 0 : index
      %get3A_17 = arith.constant 0 : index
      %get3A_18 = vector.load %arg5[%get3A_16, %get3A_17] : memref<512x2xf32, #tpu.memory_space<vmem>>, vector<512x2xf32>
      %slice3A = vector.extract_strided_slice %get3A_18 {offsets = [0, 0], sizes = [512, 1], strides = [1, 1]} : vector<512x2xf32> to vector<512x1xf32>
      %get3A_19 = arith.constant 0 : index
      %get3A_20 = arith.constant 0 : index
      %get3A_21 = vector.load %arg3[%get3A_19, %get3A_20] : memref<512x1024xf32, #tpu.memory_space<vmem>>, vector<512x1024xf32>
      %mul3A = vector.broadcast %slice3A : vector<512x1xf32> to vector<512x1024xf32>
      %mul3A_22 = arith.mulf %mul3A, %get3A_21 : vector<512x1024xf32>
      %slice3A_23 = vector.extract_strided_slice %get3A_18 {offsets = [0, 1], sizes = [512, 1], strides = [1, 1]} : vector<512x2xf32> to vector<512x1xf32>
      %get3A_24 = arith.constant 0 : index
      %get3A_25 = arith.constant 0 : index
      %get3A_26 = vector.load %arg4[%get3A_24, %get3A_25] : memref<512x1024xf32, #tpu.memory_space<vmem>>, vector<512x1024xf32>
      %mul3A_27 = vector.broadcast %slice3A_23 : vector<512x1xf32> to vector<512x1024xf32>
      %mul3A_28 = arith.mulf %mul3A_27, %get3A_26 : vector<512x1024xf32>
      %add3A_29 = arith.addf %mul3A_22, %mul3A_28 : vector<512x1024xf32>
      %get3A_30 = arith.constant 0 : index
      %get3A_31 = arith.constant 0 : index
      %get3A_32 = vector.load %arg2[%get3A_30, %get3A_31] : memref<512x1024xf32, #tpu.memory_space<vmem>>, vector<512x1024xf32>
      %add3A_33 = arith.addf %get3A_32, %add3A_29 : vector<512x1024xf32>
      %get3A_34 = arith.constant 0 : index
      %get3A_35 = arith.constant 0 : index
      %get3A_36 = vector.load %arg6[%get3A_34, %get3A_35] : memref<1x1024xf32, #tpu.memory_space<vmem>>, vector<1x1024xf32>
      %get3A_37 = arith.constant 0 : index
      %get3A_38 = arith.constant 0 : index
      %get3A_39 = vector.load %arg7[%get3A_37, %get3A_38] : memref<1x1024xf32, #tpu.memory_space<vmem>>, vector<1x1024xf32>
      %reduce_sum3A = arith.constant dense<0.000000e+00> : vector<512xf32>
      %reduce_sum3A_40 = vector.multi_reduction <add>, %add3A_33, %reduce_sum3A [1] : vector<512x1024xf32> to vector<512xf32>
      %broadcast_in_dim3A = vector.shape_cast %reduce_sum3A_40 : vector<512xf32> to vector<512x1xf32>
      %div3A = arith.constant 1.024000e+03 : f32
      %div3A_41 = vector.broadcast %div3A : f32 to vector<512x1xf32>
      %div3A_42 = arith.divf %broadcast_in_dim3A, %div3A_41 : vector<512x1xf32>
      %sub3A = vector.broadcast %div3A_42 : vector<512x1xf32> to vector<512x1024xf32>
      %sub3A_43 = arith.subf %add3A_33, %sub3A : vector<512x1024xf32>
      %integer_pow3A = arith.mulf %sub3A_43, %sub3A_43 : vector<512x1024xf32>
      %reduce_sum3A_44 = arith.constant dense<0.000000e+00> : vector<512xf32>
      %reduce_sum3A_45 = vector.multi_reduction <add>, %integer_pow3A, %reduce_sum3A_44 [1] : vector<512x1024xf32> to vector<512xf32>
      %broadcast_in_dim3A_46 = vector.shape_cast %reduce_sum3A_45 : vector<512xf32> to vector<512x1xf32>
      %div3A_47 = arith.constant 1.024000e+03 : f32
      %div3A_48 = vector.broadcast %div3A_47 : f32 to vector<512x1xf32>
      %div3A_49 = arith.divf %broadcast_in_dim3A_46, %div3A_48 : vector<512x1xf32>
      %sub3A_50 = vector.broadcast %div3A_42 : vector<512x1xf32> to vector<512x1024xf32>
      %sub3A_51 = arith.subf %add3A_33, %sub3A_50 : vector<512x1024xf32>
      %add3A_52 = arith.constant 9.99999974E-6 : f32
      %add3A_53 = vector.broadcast %add3A_52 : f32 to vector<512x1xf32>
      %add3A_54 = arith.addf %div3A_49, %add3A_53 : vector<512x1xf32>
      %sqrt3A = math.sqrt %add3A_54 : vector<512x1xf32>
      %div3A_55 = vector.broadcast %sqrt3A : vector<512x1xf32> to vector<512x1024xf32>
      %div3A_56 = arith.divf %sub3A_51, %div3A_55 : vector<512x1024xf32>
      %mul3A_57 = vector.broadcast %get3A_36 : vector<1x1024xf32> to vector<512x1024xf32>
      %mul3A_58 = arith.mulf %div3A_56, %mul3A_57 : vector<512x1024xf32>
      %add3A_59 = vector.broadcast %get3A_39 : vector<1x1024xf32> to vector<512x1024xf32>
      %add3A_60 = arith.addf %mul3A_58, %add3A_59 : vector<512x1024xf32>
      %swap3A_61 = arith.constant 0 : index
      %swap3A_62 = arith.constant 0 : index
      %swap3A_63 = vector.load %arg11[%swap3A_61, %swap3A_62] : memref<512x1024xf32, #tpu.memory_space<vmem>>, vector<512x1024xf32>
      tpu.vector_store %arg11[%swap3A_61, %swap3A_62], %add3A_60 {strides = array<i32>} : memref<512x1024xf32, #tpu.memory_space<vmem>>, vector<512x1024xf32>,
    } else {
    }
    %get3A = arith.constant 0 : index
    %get3A_2 = arith.constant 0 : index
    %get3A_3 = vector.load %arg11[%get3A, %get3A_2] : memref<512x1024xf32, #tpu.memory_space<vmem>>, vector<512x1024xf32>
    %get3A_4 = arith.constant 0 : index
    %get3A_5 = arith.constant 0 : index
    %get3A_6 = vector.load %arg8[%get3A_4, %get3A_5] : memref<1280x1024xf32, #tpu.memory_space<vmem>>, vector<1280x1024xf32>
    %convert_element_type3A_7 = arith.truncf %get3A_3 : vector<512x1024xf32> to vector<512x1024xbf16>
    %convert_element_type3A_8 = arith.truncf %get3A_6 : vector<1280x1024xf32> to vector<1280x1024xbf16>
    %dot_general3A = arith.constant dense<0.000000e+00> : vector<512x1280xf32>
    %dot_general3A_9 = tpu.matmul %convert_element_type3A_7, %convert_element_type3A_8, %dot_general3A {dimension_numbers = #tpu.dot_dimension_numbers<[1], [1], [0], [0], [0, 0, 1, 0], [], []>, transpose_lhs_hint = false} : vector<512x1024xbf16>, vector<1280x1024xbf16>, vector<512x1280xf32> -> vector<512x1280xf32>
    %get3A_10 = arith.constant 0 : index
    %get3A_11 = arith.constant 0 : index
    %get3A_12 = vector.load %arg9[%get3A_10, %get3A_11] : memref<1x1280xf32, #tpu.memory_space<vmem>>, vector<1x1280xf32>
    %add3A = vector.broadcast %get3A_12 : vector<1x1280xf32> to vector<512x1280xf32>
    %add3A_13 = arith.addf %dot_general3A_9, %add3A : vector<512x1280xf32>
    %swap3A = arith.constant 0 : index
    %swap3A_14 = arith.constant 0 : index
    %swap3A_15 = vector.load %arg10[%swap3A, %swap3A_14] : memref<512x1280xf32, #tpu.memory_space<vmem>>, vector<512x1280xf32>
    tpu.vector_store %arg10[%swap3A, %swap3A_14], %add3A_13 {strides = array<i32>} : memref<512x1280xf32, #tpu.memory_space<vmem>>, vector<512x1280xf32>,
    return
  }
  func.func @transform_0(%arg0: i32, %arg1: i32) -> (i32, i32) {
    %c0_i32 = arith.constant 0 : i32
    %c0_i32_0 = arith.constant 0 : i32
    return %arg0, %c0_i32 : i32, i32
  }
  func.func @transform_1(%arg0: i32, %arg1: i32) -> (i32, i32) {
    %c0_i32 = arith.constant 0 : i32
    %c0_i32_0 = arith.constant 0 : i32
    return %arg0, %c0_i32 : i32, i32
  }
  func.func @transform_2(%arg0: i32, %arg1: i32) -> (i32, i32) {
    %c0_i32 = arith.constant 0 : i32
    %c0_i32_0 = arith.constant 0 : i32
    return %arg0, %c0_i32 : i32, i32
  }
  func.func @transform_3(%arg0: i32, %arg1: i32) -> (i32, i32) {
    %c0_i32 = arith.constant 0 : i32
    %c0_i32_0 = arith.constant 0 : i32
    return %arg0, %c0_i32 : i32, i32
  }
  func.func @transform_4(%arg0: i32, %arg1: i32) -> (i32, i32) {
    %c0_i32 = arith.constant 0 : i32
    %c0_i32_0 = arith.constant 0 : i32
    %c0_i32_1 = arith.constant 0 : i32
    return %c0_i32, %c0_i32_0 : i32, i32
  }
  func.func @transform_5(%arg0: i32, %arg1: i32) -> (i32, i32) {
    %c0_i32 = arith.constant 0 : i32
    %c0_i32_0 = arith.constant 0 : i32
    %c0_i32_1 = arith.constant 0 : i32
    return %c0_i32, %c0_i32_0 : i32, i32
  }
  func.func @transform_6(%arg0: i32, %arg1: i32) -> (i32, i32) {
    %c0_i32 = arith.constant 0 : i32
    %c0_i32_0 = arith.constant 0 : i32
    return %arg1, %c0_i32 : i32, i32
  }
  func.func @transform_7(%arg0: i32, %arg1: i32) -> (i32, i32) {
    %c0_i32 = arith.constant 0 : i32
    %c0_i32_0 = arith.constant 0 : i32
    return %c0_i32, %arg1 : i32, i32
  }
  func.func @transform_8(%arg0: i32, %arg1: i32) -> (i32, i32) {
    %c0_i32 = arith.constant 0 : i32
    return %arg0, %arg1 : i32, i32
  }
}

</mosaic_0001>

<sc_bundles>
// kernel: kernel.16.cloned.1.call-start
scs
__scs_entry_jumppad:
0x0: {  	(pc) =	sbr.rel $0x88, $3  }
0x1: {  	(tag) =	ssettag $0x0;
	lr =	simm.s32 $0x1  }
0x2: {  	[smem:$0x3F8E] =	sst lr;
	_ =	strace $0xD0000000  }
0x3: {  	_ = 	snop  }
0x4: {  	_ = 	snop  }
0x5: {  	_ = 	snop  }
0x6: {  	_ = 	snop  }
0x7: {  	_ = 	snop  }
__scs_overlays_trampoline_lowered:
0x8: {  	[smem:$0x3F9D] =	sst s0  }
0x9: {  	[smem:$0x3F9E] =	sst s1  }
0xa: {  	[smem:$0x3F9F] =	sst s2  }
0xb: {  	[smem:$0x3FA0] =	sst s3  }
0xc: {  	[smem:$0x3FA1] =	sst s4  }
0xd: {  	[smem:$0x3FA2] =	sst s5  }
0xe: {  	[smem:$0x3FA3] =	sst s6  }
0xf: {  	[smem:$0x3FA4] =	sst s7  }
0x10: {  	[smem:$0x3FA5] =	sst s8  }
0x11: {  	[smem:$0x3FA6] =	sst s9;
	s0 =	simm.s32 @!p0 $0x0  }
0x12: {  	s1 =	sld [smem:$0x3F8C];
	s0 =	simm.s32 @p0 $0x1  }
0x13: {  	[smem:$0x3FA7] =	sst s0;
	s0 =	simm.s32 @!p1 $0x0  }
0x14: {  	s2 =	sld [smem:$0x3F8B];
	s0 =	simm.s32 @p1 $0x1  }
0x15: {  	[smem:$0x3FA8] =	sst s0;
	s0 =	simm.s32 @!p2 $0x0  }
0x16: {  	s3 =	sld [smem:$0x3FDB];
	s0 =	simm.s32 @p2 $0x1  }
0x17: {  	s4 =	simm.s32 $0x1BF5;
	[smem:$0x3FAA] =	sst s0  }
0x18: {  	s0 =	sld [smem:$0x3F8D];
	_ =	swait.ge [sflag:s4], $0x0  }
0x19: {  	s7 =	sld [smem:$0x3F8E]  }
0x1a: {  	s8 =	sadd.s32 $0xFFFFE003, lr  }
0x1b: {  	s9 =	sadd.s32 $0xFFFFFEF7, lr;
	s5 =	simm.s32 $0xFFFFFFFF;
	p2 =	slt.u32 s8, $0xFFFFF086  }
0x1c: {  	p1 =	slt.u32 s9, $0xF7A;
	s5 =	simm.s32 @!p2 $0x0  }
0x1d: {  	s5 =	simm.s32 @p1 $0x1;
	p0 =	seq.s32 s7, s2  }
0x1e: {  	s7 =	smul.u32 @!p0 $0xF7A, s2;
	p2 =	seq.s32 @!p0 s5, $0x0  }
0x1f: {  	s9 =	smul.u32 $0xF7A, s1;
	s8 =	simm.s32 @!p0 $0x1BF5;
	p2 =	por !p2, p0  }
0x20: {  	[sflag:s8] =	ssyncset.s32 @!p0 $0xFFFFF086;
	s6 =	sadd.s32 @!p0 s3, s7;
	s7 =	simm.s32 @!p0 $0x108  }
0x21: {  	s3 =	sadd.s32 s3, s9;
	s6 =	sadd.s32 @!p0 $0x88, s6;
	s7 =	simm.s32 @p2 $0x1082  }
0x22: {  	[simem:s7], [sflag:s8] =	dma.local @!p0 [hbm:s6], $0xF7A  }
0x23: {  	s9 =	sor.u32 $0xD0000000, s2;
	s6 =	simm.s32 $0x108;
	_ =	swait.ge @!p0 [sflag:s8], $0x0  }
0x24: {  	s3 =	sadd.s32 $0x88, s3;
	s6 =	simm.s32 @!p1 $0x1082;
	[sflag:s4] =	ssyncset.s32 $0xFFFFF086  }
0x25: {  	[simem:s6], [sflag:s4] =	dma.local [hbm:s3], $0xF7A  }
0x26: {  	[smem:$0x3F8E] =	sst s1;
	(tag) =	ssettag s2;
	_ =	strace s9  }
0x27: {  	s1 =	sld [smem:$0x3F9E]  }
0x28: {  	s2 =	sld [smem:$0x3F9F]  }
0x29: {  	s4 =	sld [smem:$0x3FA1]  }
0x2a: {  	p0 =	seq.s32 s5, $0x0;
	s5 =	sld [smem:$0x3FA2]  }
0x2b: {  	s6 =	sld [smem:$0x3FA3]  }
0x2c: {  	s7 =	sld [smem:$0x3FA4]  }
0x2d: {  	s3 =	simm.s32 $0x108;
	s8 =	sld [smem:$0x3FA5]  }
0x2e: {  	s3 =	simm.s32 @!p0 $0x1082;
	s9 =	sld [smem:$0x3FA6]  }
0x2f: {  	lr =	sadd.s32 s0, s3;
	s0 =	sld [smem:$0x3F9D]  }
0x30: {  	s3 =	sld [smem:$0x3FA0]  }
0x31: {  	[smem:$0x3FA9] =	sst s10  }
0x32: {  	s10 =	sld [smem:$0x3FA7];
	_ =	sdelay $0x3  }
0x33: {  	p0 =	seq.s32 s10, $0x1;
	s10 =	sld [smem:$0x3FA9];
	_ =	sdelay $0x3  }
0x34: {  	[smem:$0x3FA9] =	sst s10  }
0x35: {  	s10 =	sld [smem:$0x3FA8];
	_ =	sdelay $0x3  }
0x36: {  	p1 =	seq.s32 s10, $0x1;
	s10 =	sld [smem:$0x3FA9];
	_ =	sdelay $0x3  }
0x37: {  	[smem:$0x3FA9] =	sst s10  }
0x38: {  	s10 =	sld [smem:$0x3FAA]  }
0x39: {  	_ = 	snop;
	(pc) =	sbr.ind lr, $3  }
0x3a: {  	_ = 	snop  }
0x3b: {  	_ = 	snop  }
0x3c: {  	p2 =	seq.s32 s10, $0x1;
	s10 =	sld [smem:$0x3FA9]  }
0x3d: {  	_ =	shalt  }
0x3e: {  	_ =	shalt  }
0x3f: {  	_ =	shalt  }
0x40: {  	_ =	shalt  }
0x41: {  	_ =	shalt  }
0x42: {  	_ =	shalt  }
0x43: {  	_ =	shalt  }
0x44: {  	_ =	shalt  }
0x45: {  	_ =	shalt  }
0x46: {  	_ =	shalt  }
0x47: {  	_ =	shalt  }
0x48: {  	_ =	shalt  }
0x49: {  	_ =	shalt  }
0x4a: {  	_ =	shalt  }
0x4b: {  	_ =	shalt  }
0x4c: {  	_ =	shalt  }
0x4d: {  	_ =	shalt  }
0x4e: {  	_ =	shalt  }
0x4f: {  	_ =	shalt  }
0x50: {  	_ =	shalt  }
0x51: {  	_ =	shalt  }
0x52: {  	_ =	shalt  }
0x53: {  	_ =	shalt  }
0x54: {  	_ =	shalt  }
0x55: {  	_ =	shalt  }
0x56: {  	_ =	shalt  }
0x57: {  	_ =	shalt  }
0x58: {  	_ =	shalt  }
0x59: {  	_ =	shalt  }
0x5a: {  	_ =	shalt  }
0x5b: {  	_ =	shalt  }
0x5c: {  	_ =	shalt  }
0x5d: {  	_ =	shalt  }
0x5e: {  	_ =	shalt  }
0x5f: {  	_ =	shalt  }
0x60: {  	_ =	shalt  }
0x61: {  	_ =	shalt  }
0x62: {  	_ =	shalt  }
0x63: {  	_ =	shalt  }
0x64: {  	_ =	shalt  }
0x65: {  	_ =	shalt  }
0x66: {  	_ =	shalt  }
0x67: {  	_ =	shalt  }
0x68: {  	_ =	shalt  }
0x69: {  	_ =	shalt  }
0x6a: {  	_ =	shalt  }
0x6b: {  	_ =	shalt  }
0x6c: {  	_ =	shalt  }
0x6d: {  	_ =	shalt  }
0x6e: {  	_ =	shalt  }
0x6f: {  	_ =	shalt  }
0x70: {  	_ =	shalt  }
0x71: {  	_ =	shalt  }
0x72: {  	_ =	shalt  }
0x73: {  	_ =	shalt  }
0x74: {  	_ =	shalt  }
0x75: {  	_ =	shalt  }
0x76: {  	_ =	shalt  }
0x77: {  	_ =	shalt  }
0x78: {  	_ =	shalt  }
0x79: {  	_ =	shalt  }
0x7a: {  	_ =	shalt  }
0x7b: {  	_ =	shalt  }
0x7c: {  	_ =	shalt  }
0x7d: {  	_ =	shalt  }
0x7e: {  	_ =	shalt  }
0x7f: {  	_ =	shalt  }
0x80: {  	_ =	shalt  }
0x81: {  	_ =	shalt  }
0x82: {  	_ =	shalt  }
0x83: {  	_ =	shalt  }
0x84: {  	_ =	shalt  }
0x85: {  	_ =	shalt  }
0x86: {  	_ =	shalt  }
0x87: {  	_ =	shalt  }
.Lfunc_end0:
.L_simem_size_0:
called_computation_lowered:
.L_overlay_start_0:
0x88: {  	s2 =	sld [smem:$0x3FD9]  }
0x89: {  	s3 =	sld [smem:$0x3FFE];
	_ =	sdelay $0x1  }
0x8a: {  	s1 =	srdreg.scid  }
0x8b: {  	s0 =	sand.u32 $0x1, s1  }
0x8c: {  	s17 =	sshll.u32 s0, $0xA;
	s2 =	sadd.s32 s3, s2  }
0x8d: {  	s2 =	sadd.s32 s2, s17  }
0x8e: {  	[smem:$0x3FB5] =	sst s2  }
0x8f: {  	_ = 	snop  }
0x90: {  	s2 =	sld [smem:$0x3FC9]  }
0x91: {  	s18 =	sld [smem:$0x3FC8];
	(tm) =	ssettm $0x1  }
0x92: {  	s4 =	sld [smem:$0x3FFB];
	_ =	sdelay $0x3  }
0x93: {  	_ =	strace s4  }
0x94: {  	s4 =	sld [smem:$0x3FFC];
	_ =	sdelay $0x3  }
0x95: {  	_ =	strace s4  }
0x96: {  	s4 =	sld [smem:$0x3FFD];
	_ =	sdelay $0x3  }
0x97: {  	_ =	strace s4  }
0x98: {  	_ =	strace $0x8FFFFFFF  }
0x99: {  	s19 =	sld [smem:$0x3FDB];
	_ =	sdelay $0x1  }
0x9a: {  	s5 =	simm.s32 $_scs_section_size  }
0x9b: {  	s6 =	simm.s32 $_size__tile_overlayer_lowered;
	s7 =	simm.s32 $_tile_overlayer_lowered  }
0x9c: {  	s22 =	simm.s32 $0x1BFF;
	s21 =	sshll.u32 s7, $0x1;
	s4 =	sadd.s32 s5, s19  }
0x9d: {  	s8 =	simm.s32 $0x0;
	s20 =	sshll.u32 s6, $0x1;
	s6 =	sadd.s32 s21, s4  }
0x9e: {  	[timem:s8], [sflag:s22] =	dma.local [hbm:s6], s20  }
0x9f: {  	_ =	swait.ge [sflag:s22], s20  }
0xa0: {  	s5 =	ssub.s32 $0x0, s20;
	[sflag:s22] =	ssyncset.done $0x0  }
0xa1: {  	[sflag:s22] =	ssyncadd.s32 s5;
	_ =	sdelay $0x1  }
0xa2: {  	s23 =	simm.s32 $0x1B8B  }
0xa3: {  	_ =	swait.ge [sflag:s23], $0x1  }
0xa4: {  	[sflag:s23] =	ssyncset.done $0x0  }
0xa5: {  	s25 =	simm.s32 $0x1B8E;
	s24 =	sld [smem:$0x3FFE];
	[sflag:s23] =	ssyncadd.s32 $0xFFFFFFFF  }
0xa6: {  	s26 =	simm.s32 $execute0_lowered;
	[smem:$0x3FD2] =	sst s25  }
0xa7: {  	s6 =	sshll.u32 s26, $0x1;
	_ =	strace $0x80000046;
	[dreg:$0x1] =	wrdreg $0xFFFFFFFF  }
0xa8: {  	s28 =	simm.s32 $_size_execute0_lowered;
	s4 =	sadd.s32 s4, s6;
	[dreg:$0x0] =	wrdreg $0x0  }
0xa9: {  	s6 =	sshll.u32 s28, $0x1;
	[dreg:$0x2] =	wrdreg s4  }
0xaa: {  	[dreg:$0x3] =	wrdreg s6  }
0xab: {  	[dreg:$0x4] =	wrdreg $0xC0  }
0xac: {  	_ =	task [dreg:s8], $0x5FFFF  }
0xad: {  	[dreg:$0x1] =	wrdreg $0xFFFFFFFF  }
0xae: {  	[dreg:$0x0] =	wrdreg $0x60  }
0xaf: {  	[dreg:$0x2] =	wrdreg s18  }
0xb0: {  	[dreg:$0x3] =	wrdreg s2  }
0xb1: {  	[dreg:$0x4] =	wrdreg s24  }
0xb2: {  	[dreg:$0x5] =	wrdreg $0x9  }
0xb3: {  	_ =	task.clear_ibuf [dreg:s8], $0x6FFFF;
	_ =	strace $0x90000046  }
0xb4: {  	s29 =	simm.s32 $0x9;
	_ =	strace $0x80000048  }
0xb5: {  	_ =	swait.ge [sflag:s29], $0x1  }
0xb6: {  	[sflag:s29] =	ssyncadd.s32 $0xFFFFFFFF  }
0xb7: {  	_ =	strace $0x90000048  }
0xb8: {  	_ =	sfence  }
0xb9: {  	s30 =	sld [smem:$0x0];
	_ =	sdelay $0x2  }
0xba: {  	s31 =	sshll.u32 s1, $0xD;
	s1 =	sshrl.u32 s1, $0x2  }
0xbb: {  	s3 =	sand.u32 $0x4000, s31;
	s1 =	sadd.s32 s1, s30  }
0xbc: {  	s0 =	sor.u32 s3, s0;
	s1 =	sshll.u32 s1, $0x11  }
0xbd: {  	s0 =	sor.u32 s1, s0  }
0xbe: {  	s0 =	sadd.s32 $0x8F2B, s0  }
0xbf: {  	[sflag:s0] =	ssyncadd.remote.s32 $0x1  }
0xc0: {  	_ =	sfence.sel $0xFFFF  }
0xc1: {  	[dreg:$0x0] =	wrdreg $0xFFFFFFFF;
	(pc) =	sbr.abs _section_cstart, $3  }
0xc2: {  	[dreg:$0x1] =	wrdreg $0xFFFFFFFF  }
0xc3: {  	_ =	task.clear_ibuf [dreg:s8], $0x2FFFF;
	_ =	strace $0x9FFFFFFF  }
0xc4: {  	(tm) =	ssettm $0x7FFFFFFF  }
0xc5: {  	_ =	shalt  }
tec
execute0_lowered:
.L_overlay_start_1:
0x0: {  	(tag) =	ssettag $0x1  }
0x1: {  	s1 =	rddreg [dreg:$0x0]  }
0x2: {  	s2 =	srdreg.scid;
	s4 =	rddreg [dreg:$0x1]  }
0x3: {  	s0 =	stileid.u32;
	s5 =	rddreg [dreg:$0x2];
	s3 =	simm.s32 $0x0  }
0x4: {  	s17 =	simm.s32 $0x880;
	s18 =	simm.s32 $0x1080;
	s19 =	simm.s32 $0x1880  }
0x5: {  	s21 =	simm.s32 $0x2080;
	s22 =	simm.s32 $0x2880;
	s23 =	simm.s32 $0x3080  }
0x6: {  	s24 =	simm.s32 $0x3880;
	s8 =	simm.s32 $0x4080;
	[smem:$0x7FF] =	sst s3  }
0x7: {  	s25 =	simm.s32 $0x4880;
	_ =	strace $0x80000047;
	[dreg:$0x6] =	wrdreg s17  }
0x8: {  	s26 =	simm.s32 $0x5080;
	s9 =	simm.s32 $0x80;
	[dreg:$0x7] =	wrdreg s18  }
0x9: {  	s11 =	simm.s32 $0x6080;
	s12 =	simm.s32 $0x6880;
	[dreg:$0x8] =	wrdreg s19  }
0xa: {  	s13 =	simm.s32 $0x7080;
	s14 =	simm.s32 $0x7880;
	[dreg:$0x9] =	wrdreg s21  }
0xb: {  	s15 =	simm.s32 $0x8080;
	s28 =	simm.s32 $0xE080;
	[dreg:$0xa] =	wrdreg s22  }
0xc: {  	s29 =	simm.s32 $0xE880;
	s30 =	simm.s32 $0xF080;
	[dreg:$0xb] =	wrdreg s23  }
0xd: {  	s31 =	simm.s32 $0xF880;
	s2 =	sand.u32 $0x1, s2;
	[dreg:$0xc] =	wrdreg s24  }
0xe: {  	s6 =	sshll.u32 s0, $0x7;
	s7 =	sshll.u32 s2, $0x6;
	[dreg:$0xd] =	wrdreg s8  }
0xf: {  	s2 =	ssub.s32 $0x2, s2;
	s8 =	simm.s32 $0x2;
	[dreg:$0xe] =	wrdreg s25  }
0x10: {  	[dreg:$0xf] =	wrdreg s26;
	s17 =	simm.s32 $0x9080;
	s18 =	simm.s32 $0x9880  }
0x11: {  	s19 =	simm.s32 $0xA080;
	s21 =	simm.s32 $0xB080;
	s22 =	simm.s32 $0xB880  }
0x12: {  	s23 =	simm.s32 $0xC080;
	s24 =	simm.s32 $0xC880;
	s25 =	simm.s32 $0xD080  }
0x13: {  	s26 =	simm.s32 $0xD880;
	s6 =	sor.u32 s7, s6;
	s20 =	sshrl.u32 s2, $0x1  }
0x14: {  	s7 =	sshll.u32 s6, $0x7;
	s6 =	sshrl.u32 s6, $0x3;
	s2 =	ssub.s32 s2, s20  }
0x15: {  	s20 =	simm.s32 $0xA880;
	s5 =	sadd.s32 s7, s5;
	s4 =	sadd.s32 s4, s6  }
0x16: {  	v2 =	vlaneseq.u32;
	s6 =	sadd.s32 $0x300, s1;
	s7 =	smax.u32 s2, $0x1;
	s2 =	simm.s32 $0x1  }
0x17: {  	vm0 =	vmmov $0xffff;
	v1 =	vshrl.u32 v2, $0x3;
	[dreg:$0x4] =	wrdreg s4;
	s16 =	sadd.s32 $0x7A00, s5;
	s4 =	sadd.s32 $0x100, s1  }
0x18: {  	v0 =	vand.u32 $0x7, v2;
	v2 =	vor.u32 $0x8, v2;
	v1 =	vmul.u32 $0x8, v1;
	s5 =	sadd.s32 $0x200, s1;
	[dreg:$0x5] =	wrdreg s16;
	s16 =	simm.s32 $0x8880  }
.LBB2_1:
0x19: {  	s0 =	rddreg [dreg:$0x4]  }
0x1a: {  	[tilespmem:s3], [sflag:$0x2] =	stream.linear.gather [hbm4b:s0+s3], $0x40, $0x38;
	[tilespmem:$0x10080] =	vst v63  }
0x1b: {  	_ =	swait.ge [sflag:s8], $0x40  }
0x1c: {  	[sflag:s8] =	ssyncset.done $0x0  }
0x1d: {  	[sflag:s8] =	ssyncadd.s32 $0xFFFFFFC0  }
0x1e: {  	v3 =	vld [tilespmem:$0x0];
	_ =	sdelay $0x4  }
0x1f: {  	v4 =	vshll.u32 v3, $0x3  }
0x20: {  	v3 =	vand.u32 $0x7, v3;
	v4 =	vand.u32 $0xFFFFFFC0, v4  }
0x21: {  	v3 =	vor.u32 v3, v4  }
0x22: {  	v4 =	vperm.xlane v3, v0;
	_ =	sdelay $0x1  }
0x23: {  	v4 =	vadd.s32 v1, v4;
	_ =	sdelay $0x4  }
0x24: {  	[tilespmem:s9], [sflag:$0x1] =	stream.indirect_vreg.gather [hbm4b:s1+s3], $0x80, v4, vm0, $0xb8;
	[tilespmem:$0x10080] =	vst v63  }
0x25: {  	s0 =	rddreg [dreg:$0x6];
	v3 =	vperm.xlane v3, v2  }
0x26: {  	[tilespmem:s0], [sflag:$0x1] =	stream.indirect_vreg.gather [hbm4b:s4+s3], $0x80, v4, vm0, $0xb8;
	[tilespmem:$0x10080] =	vst v63  }
0x27: {  	s10 =	rddreg [dreg:$0x7];
	v3 =	vadd.s32 v1, v3  }
0x28: {  	[tilespmem:s10], [sflag:$0x1] =	stream.indirect_vreg.gather [hbm4b:s5+s3], $0x80, v4, vm0, $0xb8;
	[tilespmem:$0x10080] =	vst v63  }
0x29: {  	s0 =	rddreg [dreg:$0x8]  }
0x2a: {  	[tilespmem:s0], [sflag:$0x1] =	stream.indirect_vreg.gather [hbm4b:s6+s3], $0x80, v4, vm0, $0xb8;
	[tilespmem:$0x10080] =	vst v63  }
0x2b: {  	s10 =	rddreg [dreg:$0x9]  }
0x2c: {  	[tilespmem:s10], [sflag:$0x1] =	stream.indirect_vreg.gather [hbm4b:s1+s3], $0x80, v3, vm0, $0xb8;
	[tilespmem:$0x10080] =	vst v63  }
0x2d: {  	s0 =	rddreg [dreg:$0xa]  }
0x2e: {  	[tilespmem:s0], [sflag:$0x1] =	stream.indirect_vreg.gather [hbm4b:s4+s3], $0x80, v3, vm0, $0xb8;
	[tilespmem:$0x10080] =	vst v63  }
0x2f: {  	s10 =	rddreg [dreg:$0xb]  }
0x30: {  	[tilespmem:s10], [sflag:$0x1] =	stream.indirect_vreg.gather [hbm4b:s5+s3], $0x80, v3, vm0, $0xb8;
	[tilespmem:$0x10080] =	vst v63  }
0x31: {  	s0 =	rddreg [dreg:$0xc]  }
0x32: {  	[tilespmem:s0], [sflag:$0x1] =	stream.indirect_vreg.gather [hbm4b:s6+s3], $0x80, v3, vm0, $0xb8;
	[tilespmem:$0x10080] =	vst v63  }
0x33: {  	v3 =	vld [tilespmem:$0x10];
	_ =	sdelay $0x4  }
0x34: {  	v61 =	vshll.u32 v3, $0x3  }
0x35: {  	v3 =	vand.u32 $0x7, v3;
	v4 =	vand.u32 $0xFFFFFFC0, v61  }
0x36: {  	v3 =	vor.u32 v3, v4  }
0x37: {  	v4 =	vperm.xlane v3, v0;
	_ =	sdelay $0x1  }
0x38: {  	v4 =	vadd.s32 v1, v4;
	_ =	sdelay $0x3  }
0x39: {  	s0 =	rddreg [dreg:$0xd]  }
0x3a: {  	[tilespmem:s0], [sflag:$0x1] =	stream.indirect_vreg.gather [hbm4b:s1+s3], $0x80, v4, vm0, $0xb8;
	[tilespmem:$0x10080] =	vst v63  }
0x3b: {  	s10 =	rddreg [dreg:$0xe];
	v3 =	vperm.xlane v3, v2  }
0x3c: {  	[tilespmem:s10], [sflag:$0x1] =	stream.indirect_vreg.gather [hbm4b:s4+s3], $0x80, v4, vm0, $0xb8;
	[tilespmem:$0x10080] =	vst v63  }
0x3d: {  	v3 =	vadd.s32 v1, v3;
	s0 =	rddreg [dreg:$0xf]  }
0x3e: {  	[tilespmem:s0], [sflag:$0x1] =	stream.indirect_vreg.gather [hbm4b:s5+s3], $0x80, v4, vm0, $0xb8;
	[tilespmem:$0x10080] =	vst v63  }
0x3f: {  	s10 =	simm.s32 $0x5880  }
0x40: {  	[tilespmem:s10], [sflag:$0x1] =	stream.indirect_vreg.gather [hbm4b:s6+s3], $0x80, v4, vm0, $0xb8;
	[tilespmem:$0x10080] =	vst v63  }
0x41: {  	_ = 	snop  }
0x42: {  	[tilespmem:s11], [sflag:$0x1] =	stream.indirect_vreg.gather [hbm4b:s1+s3], $0x80, v3, vm0, $0xb8;
	[tilespmem:$0x10080] =	vst v63  }
0x43: {  	_ = 	snop  }
0x44: {  	[tilespmem:s12], [sflag:$0x1] =	stream.indirect_vreg.gather [hbm4b:s4+s3], $0x80, v3, vm0, $0xb8;
	[tilespmem:$0x10080] =	vst v63  }
0x45: {  	_ = 	snop  }
0x46: {  	[tilespmem:s13], [sflag:$0x1] =	stream.indirect_vreg.gather [hbm4b:s5+s3], $0x80, v3, vm0, $0xb8;
	[tilespmem:$0x10080] =	vst v63  }
0x47: {  	_ = 	snop  }
0x48: {  	[tilespmem:s14], [sflag:$0x1] =	stream.indirect_vreg.gather [hbm4b:s6+s3], $0x80, v3, vm0, $0xb8;
	[tilespmem:$0x10080] =	vst v63  }
0x49: {  	v3 =	vld [tilespmem:$0x20];
	_ =	sdelay $0x4  }
0x4a: {  	v62 =	vshll.u32 v3, $0x3  }
0x4b: {  	v3 =	vand.u32 $0x7, v3;
	v4 =	vand.u32 $0xFFFFFFC0, v62  }
0x4c: {  	v3 =	vor.u32 v3, v4  }
0x4d: {  	v4 =	vperm.xlane v3, v0;
	_ =	sdelay $0x1  }
0x4e: {  	v4 =	vadd.s32 v1, v4;
	_ =	sdelay $0x4  }
0x4f: {  	[tilespmem:s15], [sflag:$0x1] =	stream.indirect_vreg.gather [hbm4b:s1+s3], $0x80, v4, vm0, $0xb8;
	[tilespmem:$0x10080] =	vst v63  }
0x50: {  	v3 =	vperm.xlane v3, v2  }
0x51: {  	[tilespmem:s16], [sflag:$0x1] =	stream.indirect_vreg.gather [hbm4b:s4+s3], $0x80, v4, vm0, $0xb8;
	[tilespmem:$0x10080] =	vst v63  }
0x52: {  	v3 =	vadd.s32 v1, v3  }
0x53: {  	[tilespmem:s17], [sflag:$0x1] =	stream.indirect_vreg.gather [hbm4b:s5+s3], $0x80, v4, vm0, $0xb8;
	[tilespmem:$0x10080] =	vst v63  }
0x54: {  	_ = 	snop  }
0x55: {  	[tilespmem:s18], [sflag:$0x1] =	stream.indirect_vreg.gather [hbm4b:s6+s3], $0x80, v4, vm0, $0xb8;
	[tilespmem:$0x10080] =	vst v63  }
0x56: {  	_ = 	snop  }
0x57: {  	[tilespmem:s19], [sflag:$0x1] =	stream.indirect_vreg.gather [hbm4b:s1+s3], $0x80, v3, vm0, $0xb8;
	[tilespmem:$0x10080] =	vst v63  }
0x58: {  	_ = 	snop  }
0x59: {  	[tilespmem:s20], [sflag:$0x1] =	stream.indirect_vreg.gather [hbm4b:s4+s3], $0x80, v3, vm0, $0xb8;
	[tilespmem:$0x10080] =	vst v63  }
0x5a: {  	_ = 	snop  }
0x5b: {  	[tilespmem:s21], [sflag:$0x1] =	stream.indirect_vreg.gather [hbm4b:s5+s3], $0x80, v3, vm0, $0xb8;
	[tilespmem:$0x10080] =	vst v63  }
0x5c: {  	_ = 	snop  }
0x5d: {  	[tilespmem:s22], [sflag:$0x1] =	stream.indirect_vreg.gather [hbm4b:s6+s3], $0x80, v3, vm0, $0xb8;
	[tilespmem:$0x10080] =	vst v63  }
0x5e: {  	v3 =	vld [tilespmem:$0x30];
	_ =	sdelay $0x4  }
0x5f: {  	v63 =	vshll.u32 v3, $0x3  }
0x60: {  	v3 =	vand.u32 $0x7, v3;
	v4 =	vand.u32 $0xFFFFFFC0, v63  }
0x61: {  	v3 =	vor.u32 v3, v4  }
0x62: {  	v4 =	vperm.xlane v3, v0;
	_ =	sdelay $0x1  }
0x63: {  	v4 =	vadd.s32 v1, v4;
	_ =	sdelay $0x4  }
0x64: {  	[tilespmem:s23], [sflag:$0x1] =	stream.indirect_vreg.gather [hbm4b:s1+s3], $0x80, v4, vm0, $0xb8;
	[tilespmem:$0x10080] =	vst v63  }
0x65: {  	v3 =	vperm.xlane v3, v2  }
0x66: {  	[tilespmem:s24], [sflag:$0x1] =	stream.indirect_vreg.gather [hbm4b:s4+s3], $0x80, v4, vm0, $0xb8;
	[tilespmem:$0x10080] =	vst v63  }
0x67: {  	v3 =	vadd.s32 v1, v3  }
0x68: {  	[tilespmem:s25], [sflag:$0x1] =	stream.indirect_vreg.gather [hbm4b:s5+s3], $0x80, v4, vm0, $0xb8;
	[tilespmem:$0x10080] =	vst v63  }
0x69: {  	_ = 	snop  }
0x6a: {  	[tilespmem:s26], [sflag:$0x1] =	stream.indirect_vreg.gather [hbm4b:s6+s3], $0x80, v4, vm0, $0xb8;
	[tilespmem:$0x10080] =	vst v63  }
0x6b: {  	_ = 	snop  }
0x6c: {  	[tilespmem:s28], [sflag:$0x1] =	stream.indirect_vreg.gather [hbm4b:s1+s3], $0x80, v3, vm0, $0xb8;
	[tilespmem:$0x10080] =	vst v63  }
0x6d: {  	_ = 	snop  }
0x6e: {  	[tilespmem:s29], [sflag:$0x1] =	stream.indirect_vreg.gather [hbm4b:s4+s3], $0x80, v3, vm0, $0xb8;
	[tilespmem:$0x10080] =	vst v63  }
0x6f: {  	_ = 	snop  }
0x70: {  	[tilespmem:s30], [sflag:$0x1] =	stream.indirect_vreg.gather [hbm4b:s5+s3], $0x80, v3, vm0, $0xb8;
	[tilespmem:$0x10080] =	vst v63  }
0x71: {  	_ = 	snop  }
0x72: {  	[tilespmem:s31], [sflag:$0x1] =	stream.indirect_vreg.gather [hbm4b:s6+s3], $0x80, v3, vm0, $0xb8;
	[tilespmem:$0x10080] =	vst v63  }
0x73: {  	_ =	swait.ge [sflag:s2], $0x10000  }
0x74: {  	p0 =	sne.s32 s7, $0x1;
	[sflag:s2] =	ssyncset.done $0x0  }
.Ltmp0:
0x75: {  	s10 =	rddreg [dreg:$0x5];
	[sflag:s2] =	ssyncadd.s32 $0xFFFF0000;
	(pc) =	sbr.rel @p0 .LBB2_1-.Ltmp0, $4  }
0x76: {  	[hbm4b:s10+s3] =	stream.linear.scatter [tilespmem:s9], [sflag:$0x2], $0x10000, $0x38;
	[tilespmem:$0x10080] =	vst v63  }
0x77: {  	_ =	swait.ge [sflag:s8], $0x10000  }
0x78: {  	[sflag:s8] =	ssyncset.done $0x0  }
0x79: {  	s7 =	sadd.s32 $0xFFFFFFFF, s7;
	[sflag:s8] =	ssyncadd.s32 $0xFFFF0000  }
0x7a: {  	_ =	sfence.sel $0x180000  }
0x7b: {  	[bflag:$0x0] =	sbarrier.arrive $0xFFFF  }
0x7c: {  	_ =	strace $0x90000047  }
0x7d: {  	s0 =	stileid.u32;
	[bflag:$0x2] =	sbarrier.arrive $0xFFFF  }
0x7e: {  	p0 =	sne.s32 s0, $0x0;
	s0 =	rddreg [dreg:$0x3]  }
0x7f: {  	s0 =	sadd.s32 @!p0 $0x100000, s0  }
0x80: {  	[sflag:s0] =	ssyncadd.tile.s32 @!p0 $0x1;
	_ =	shalt  }
.Lfunc_end2:
_tile_overlayer_lowered:
.L_overlay_start_2:
0x81: {  	(tag) =	ssettag $0x2  }
0x82: {  	s0 =	rddreg [dreg:$0x0];
	s2 =	stileid.u32  }
0x83: {  	s1 =	rddreg [dreg:$0x1];
	p0 =	sne.s32 s2, $0x0  }
0x84: {  	s3 =	rddreg [dreg:$0x2];
	[bflag:$0x3] =	sbarrier.arrive $0xFFFF;
	s2 =	simm.s32 @!p0 $0x1C02  }
0x85: {  	[timem:s3], [sflag:s2] =	dma.local @!p0 [hbm:s0], s1  }
0x86: {  	s0 =	simm.s32 @!p0 $0x2  }
0x87: {  	_ =	swait.ge @!p0 [sflag:s0], s1  }
0x88: {  	s1 =	ssub.s32 @!p0 $0x0, s1;
	[sflag:s0] =	ssyncset.done @!p0 $0x0  }
0x89: {  	[sflag:s0] =	ssyncadd.s32 @!p0 s1  }
0x8a: {  	[bflag:$0x3] =	sbarrier.arrive $0xFFFF  }
0x8b: {  	_ =	shalt  }

// kernel: kernel.19.cloned.1.call-start
scs
__scs_entry_jumppad:
0x0: {  	(pc) =	sbr.rel $0x88, $3  }
0x1: {  	(tag) =	ssettag $0x0;
	lr =	simm.s32 $0x1  }
0x2: {  	[smem:$0x3F8E] =	sst lr;
	_ =	strace $0xD0000000  }
0x3: {  	_ = 	snop  }
0x4: {  	_ = 	snop  }
0x5: {  	_ = 	snop  }
0x6: {  	_ = 	snop  }
0x7: {  	_ = 	snop  }
__scs_overlays_trampoline_lowered:
0x8: {  	[smem:$0x3F9D] =	sst s0  }
0x9: {  	[smem:$0x3F9E] =	sst s1  }
0xa: {  	[smem:$0x3F9F] =	sst s2  }
0xb: {  	[smem:$0x3FA0] =	sst s3  }
0xc: {  	[smem:$0x3FA1] =	sst s4  }
0xd: {  	[smem:$0x3FA2] =	sst s5  }
0xe: {  	[smem:$0x3FA3] =	sst s6  }
0xf: {  	[smem:$0x3FA4] =	sst s7  }
0x10: {  	[smem:$0x3FA5] =	sst s8  }
0x11: {  	[smem:$0x3FA6] =	sst s9;
	s0 =	simm.s32 @!p0 $0x0  }
0x12: {  	s1 =	sld [smem:$0x3F8C];
	s0 =	simm.s32 @p0 $0x1  }
0x13: {  	[smem:$0x3FA7] =	sst s0;
	s0 =	simm.s32 @!p1 $0x0  }
0x14: {  	s2 =	sld [smem:$0x3F8B];
	s0 =	simm.s32 @p1 $0x1  }
0x15: {  	[smem:$0x3FA8] =	sst s0;
	s0 =	simm.s32 @!p2 $0x0  }
0x16: {  	s3 =	sld [smem:$0x3FDB];
	s0 =	simm.s32 @p2 $0x1  }
0x17: {  	s4 =	simm.s32 $0x1BF5;
	[smem:$0x3FAA] =	sst s0  }
0x18: {  	s0 =	sld [smem:$0x3F8D];
	_ =	swait.ge [sflag:s4], $0x0  }
0x19: {  	s7 =	sld [smem:$0x3F8E]  }
0x1a: {  	s8 =	sadd.s32 $0xFFFFE003, lr  }
0x1b: {  	s9 =	sadd.s32 $0xFFFFFEF7, lr;
	s5 =	simm.s32 $0xFFFFFFFF;
	p2 =	slt.u32 s8, $0xFFFFF086  }
0x1c: {  	p1 =	slt.u32 s9, $0xF7A;
	s5 =	simm.s32 @!p2 $0x0  }
0x1d: {  	s5 =	simm.s32 @p1 $0x1;
	p0 =	seq.s32 s7, s2  }
0x1e: {  	s7 =	smul.u32 @!p0 $0xF7A, s2;
	p2 =	seq.s32 @!p0 s5, $0x0  }
0x1f: {  	s9 =	smul.u32 $0xF7A, s1;
	s8 =	simm.s32 @!p0 $0x1BF5;
	p2 =	por !p2, p0  }
0x20: {  	[sflag:s8] =	ssyncset.s32 @!p0 $0xFFFFF086;
	s6 =	sadd.s32 @!p0 s3, s7;
	s7 =	simm.s32 @!p0 $0x108  }
0x21: {  	s3 =	sadd.s32 s3, s9;
	s6 =	sadd.s32 @!p0 $0x88, s6;
	s7 =	simm.s32 @p2 $0x1082  }
0x22: {  	[simem:s7], [sflag:s8] =	dma.local @!p0 [hbm:s6], $0xF7A  }
0x23: {  	s9 =	sor.u32 $0xD0000000, s2;
	s6 =	simm.s32 $0x108;
	_ =	swait.ge @!p0 [sflag:s8], $0x0  }
0x24: {  	s3 =	sadd.s32 $0x88, s3;
	s6 =	simm.s32 @!p1 $0x1082;
	[sflag:s4] =	ssyncset.s32 $0xFFFFF086  }
0x25: {  	[simem:s6], [sflag:s4] =	dma.local [hbm:s3], $0xF7A  }
0x26: {  	[smem:$0x3F8E] =	sst s1;
	(tag) =	ssettag s2;
	_ =	strace s9  }
0x27: {  	s1 =	sld [smem:$0x3F9E]  }
0x28: {  	s2 =	sld [smem:$0x3F9F]  }
0x29: {  	s4 =	sld [smem:$0x3FA1]  }
0x2a: {  	p0 =	seq.s32 s5, $0x0;
	s5 =	sld [smem:$0x3FA2]  }
0x2b: {  	s6 =	sld [smem:$0x3FA3]  }
0x2c: {  	s7 =	sld [smem:$0x3FA4]  }
0x2d: {  	s3 =	simm.s32 $0x108;
	s8 =	sld [smem:$0x3FA5]  }
0x2e: {  	s3 =	simm.s32 @!p0 $0x1082;
	s9 =	sld [smem:$0x3FA6]  }
0x2f: {  	lr =	sadd.s32 s0, s3;
	s0 =	sld [smem:$0x3F9D]  }
0x30: {  	s3 =	sld [smem:$0x3FA0]  }
0x31: {  	[smem:$0x3FA9] =	sst s10  }
0x32: {  	s10 =	sld [smem:$0x3FA7];
	_ =	sdelay $0x3  }
0x33: {  	p0 =	seq.s32 s10, $0x1;
	s10 =	sld [smem:$0x3FA9];
	_ =	sdelay $0x3  }
0x34: {  	[smem:$0x3FA9] =	sst s10  }
0x35: {  	s10 =	sld [smem:$0x3FA8];
	_ =	sdelay $0x3  }
0x36: {  	p1 =	seq.s32 s10, $0x1;
	s10 =	sld [smem:$0x3FA9];
	_ =	sdelay $0x3  }
0x37: {  	[smem:$0x3FA9] =	sst s10  }
0x38: {  	s10 =	sld [smem:$0x3FAA]  }
0x39: {  	_ = 	snop;
	(pc) =	sbr.ind lr, $3  }
0x3a: {  	_ = 	snop  }
0x3b: {  	_ = 	snop  }
0x3c: {  	p2 =	seq.s32 s10, $0x1;
	s10 =	sld [smem:$0x3FA9]  }
0x3d: {  	_ =	shalt  }
0x3e: {  	_ =	shalt  }
0x3f: {  	_ =	shalt  }
0x40: {  	_ =	shalt  }
0x41: {  	_ =	shalt  }
0x42: {  	_ =	shalt  }
0x43: {  	_ =	shalt  }
0x44: {  	_ =	shalt  }
0x45: {  	_ =	shalt  }
0x46: {  	_ =	shalt  }
0x47: {  	_ =	shalt  }
0x48: {  	_ =	shalt  }
0x49: {  	_ =	shalt  }
0x4a: {  	_ =	shalt  }
0x4b: {  	_ =	shalt  }
0x4c: {  	_ =	shalt  }
0x4d: {  	_ =	shalt  }
0x4e: {  	_ =	shalt  }
0x4f: {  	_ =	shalt  }
0x50: {  	_ =	shalt  }
0x51: {  	_ =	shalt  }
0x52: {  	_ =	shalt  }
0x53: {  	_ =	shalt  }
0x54: {  	_ =	shalt  }
0x55: {  	_ =	shalt  }
0x56: {  	_ =	shalt  }
0x57: {  	_ =	shalt  }
0x58: {  	_ =	shalt  }
0x59: {  	_ =	shalt  }
0x5a: {  	_ =	shalt  }
0x5b: {  	_ =	shalt  }
0x5c: {  	_ =	shalt  }
0x5d: {  	_ =	shalt  }
0x5e: {  	_ =	shalt  }
0x5f: {  	_ =	shalt  }
0x60: {  	_ =	shalt  }
0x61: {  	_ =	shalt  }
0x62: {  	_ =	shalt  }
0x63: {  	_ =	shalt  }
0x64: {  	_ =	shalt  }
0x65: {  	_ =	shalt  }
0x66: {  	_ =	shalt  }
0x67: {  	_ =	shalt  }
0x68: {  	_ =	shalt  }
0x69: {  	_ =	shalt  }
0x6a: {  	_ =	shalt  }
0x6b: {  	_ =	shalt  }
0x6c: {  	_ =	shalt  }
0x6d: {  	_ =	shalt  }
0x6e: {  	_ =	shalt  }
0x6f: {  	_ =	shalt  }
0x70: {  	_ =	shalt  }
0x71: {  	_ =	shalt  }
0x72: {  	_ =	shalt  }
0x73: {  	_ =	shalt  }
0x74: {  	_ =	shalt  }
0x75: {  	_ =	shalt  }
0x76: {  	_ =	shalt  }
0x77: {  	_ =	shalt  }
0x78: {  	_ =	shalt  }
0x79: {  	_ =	shalt  }
0x7a: {  	_ =	shalt  }
0x7b: {  	_ =	shalt  }
0x7c: {  	_ =	shalt  }
0x7d: {  	_ =	shalt  }
0x7e: {  	_ =	shalt  }
0x7f: {  	_ =	shalt  }
0x80: {  	_ =	shalt  }
0x81: {  	_ =	shalt  }
0x82: {  	_ =	shalt  }
0x83: {  	_ =	shalt  }
0x84: {  	_ =	shalt  }
0x85: {  	_ =	shalt  }
0x86: {  	_ =	shalt  }
0x87: {  	_ =	shalt  }
.Lfunc_end0:
.L_simem_size_0:
called_computation.1_lowered:
.L_overlay_start_0:
0x88: {  	s2 =	sld [smem:$0x3FD9]  }
0x89: {  	s3 =	sld [smem:$0x3FFE];
	_ =	sdelay $0x1  }
0x8a: {  	s1 =	srdreg.scid  }
0x8b: {  	s0 =	sand.u32 $0x1, s1  }
0x8c: {  	s16 =	sshll.u32 s0, $0xA;
	s2 =	sadd.s32 s3, s2  }
0x8d: {  	s2 =	sadd.s32 s2, s16  }
0x8e: {  	[smem:$0x3FB5] =	sst s2  }
0x8f: {  	_ = 	snop  }
0x90: {  	(tm) =	ssettm $0x1  }
0x91: {  	s17 =	sld [smem:$0x3FFB];
	_ =	sdelay $0x3  }
0x92: {  	_ =	strace s17  }
0x93: {  	s2 =	sld [smem:$0x3FFC];
	_ =	sdelay $0x3  }
0x94: {  	_ =	strace s2  }
0x95: {  	s2 =	sld [smem:$0x3FFD];
	_ =	sdelay $0x3  }
0x96: {  	_ =	strace s2  }
0x97: {  	_ =	strace $0x8FFFFFFF  }
0x98: {  	s18 =	sld [smem:$0x3FDB];
	_ =	sdelay $0x1  }
0x99: {  	s19 =	simm.s32 $_scs_section_size  }
0x9a: {  	s4 =	simm.s32 $_size__tile_overlayer_lowered;
	s5 =	simm.s32 $_tile_overlayer_lowered  }
0x9b: {  	s22 =	simm.s32 $0x1BFF;
	s21 =	sshll.u32 s5, $0x1;
	s2 =	sadd.s32 s19, s18  }
0x9c: {  	s6 =	simm.s32 $0x0;
	s20 =	sshll.u32 s4, $0x1;
	s4 =	sadd.s32 s21, s2  }
0x9d: {  	[timem:s6], [sflag:s22] =	dma.local [hbm:s4], s20  }
0x9e: {  	_ =	swait.ge [sflag:s22], s20  }
0x9f: {  	s3 =	ssub.s32 $0x0, s20;
	[sflag:s22] =	ssyncset.done $0x0  }
0xa0: {  	[sflag:s22] =	ssyncadd.s32 s3;
	_ =	sdelay $0x1  }
0xa1: {  	s23 =	simm.s32 $0x1B8B  }
0xa2: {  	_ =	swait.ge [sflag:s23], $0x1  }
0xa3: {  	[sflag:s23] =	ssyncset.done $0x0  }
0xa4: {  	s25 =	simm.s32 $0x1B8E;
	s24 =	sld [smem:$0x3FFE];
	[sflag:s23] =	ssyncadd.s32 $0xFFFFFFFF  }
0xa5: {  	s26 =	simm.s32 $execute0_lowered;
	[smem:$0x3FD2] =	sst s25  }
0xa6: {  	s4 =	sshll.u32 s26, $0x1;
	_ =	strace $0x80000049;
	[dreg:$0x1] =	wrdreg $0xFFFFFFFF  }
0xa7: {  	s28 =	simm.s32 $_size_execute0_lowered;
	s2 =	sadd.s32 s2, s4;
	[dreg:$0x0] =	wrdreg $0x0  }
0xa8: {  	s4 =	sshll.u32 s28, $0x1;
	[dreg:$0x2] =	wrdreg s2  }
0xa9: {  	[dreg:$0x3] =	wrdreg s4  }
0xaa: {  	[dreg:$0x4] =	wrdreg $0xC0  }
0xab: {  	_ =	task [dreg:s6], $0x5FFFF  }
0xac: {  	[dreg:$0x1] =	wrdreg $0xFFFFFFFF  }
0xad: {  	[dreg:$0x0] =	wrdreg $0x60  }
0xae: {  	[dreg:$0x2] =	wrdreg s24  }
0xaf: {  	[dreg:$0x3] =	wrdreg $0x9  }
0xb0: {  	_ =	task.clear_ibuf [dreg:s6], $0x4FFFF;
	_ =	strace $0x90000049  }
0xb1: {  	s29 =	simm.s32 $0x9;
	_ =	strace $0x8000004B  }
0xb2: {  	_ =	swait.ge [sflag:s29], $0x1  }
0xb3: {  	[sflag:s29] =	ssyncadd.s32 $0xFFFFFFFF  }
0xb4: {  	_ =	strace $0x9000004B  }
0xb5: {  	_ =	sfence  }
0xb6: {  	s30 =	sld [smem:$0x0];
	_ =	sdelay $0x2  }
0xb7: {  	s31 =	sshll.u32 s1, $0xD;
	s1 =	sshrl.u32 s1, $0x2  }
0xb8: {  	s3 =	sand.u32 $0x4000, s31;
	s1 =	sadd.s32 s1, s30  }
0xb9: {  	s0 =	sor.u32 s3, s0;
	s1 =	sshll.u32 s1, $0x11  }
0xba: {  	s0 =	sor.u32 s1, s0  }
0xbb: {  	s0 =	sadd.s32 $0x8F2B, s0  }
0xbc: {  	[sflag:s0] =	ssyncadd.remote.s32 $0x1  }
0xbd: {  	_ =	sfence.sel $0xFFFF  }
0xbe: {  	[dreg:$0x0] =	wrdreg $0xFFFFFFFF;
	(pc) =	sbr.abs _section_cstart, $3  }
0xbf: {  	[dreg:$0x1] =	wrdreg $0xFFFFFFFF  }
0xc0: {  	_ =	task.clear_ibuf [dreg:s6], $0x2FFFF;
	_ =	strace $0x9FFFFFFF  }
0xc1: {  	(tm) =	ssettm $0x7FFFFFFF  }
tec
execute0_lowered:
.L_overlay_start_1:
0x0: {  	(tag) =	ssettag $0x1  }
0x1: {  	s0 =	srdreg.scid  }
0x2: {  	s2 =	stileid.u32;
	s1 =	rddreg [dreg:$0x0]  }
0x3: {  	s26 =	simm.s32 $0x80;
	s9 =	simm.s32 $0x3;
	s18 =	simm.s32 $0x100  }
0x4: {  	s22 =	simm.s32 $0x1900;
	s23 =	simm.s32 $0x2100;
	s28 =	simm.s32 $0x4100  }
0x5: {  	s29 =	simm.s32 $0x4900;
	s30 =	simm.s32 $0x5100;
	s31 =	simm.s32 $0x5900  }
0x6: {  	s10 =	simm.s32 $0x7100;
	s11 =	simm.s32 $0x7900;
	s12 =	simm.s32 $0x8100  }
0x7: {  	s13 =	simm.s32 $0x8900;
	s14 =	simm.s32 $0x9100;
	s15 =	simm.s32 $0x9900  }
0x8: {  	s16 =	simm.s32 $0xA100;
	s17 =	simm.s32 $0xA900;
	s8 =	simm.s32 $0xB100  }
0x9: {  	s0 =	sand.u32 $0x1, s0;
	s3 =	sshll.u32 s2, $0x7;
	s2 =	simm.s32 $0x0  }
0xa: {  	s19 =	simm.s32 $0xB900;
	s4 =	sshll.u32 s0, $0x6;
	[smem:$0x7FF] =	sst s2  }
0xb: {  	s0 =	ssub.s32 $0x2, s0;
	s3 =	sor.u32 s4, s3;
	_ =	strace $0x8000004A  }
0xc: {  	s6 =	sshrl.u32 s0, $0x1;
	[dreg:$0x5] =	wrdreg s26;
	s4 =	sshll.u32 s3, $0x7  }
0xd: {  	s26 =	simm.s32 $0x3900;
	s3 =	sshrl.u32 s3, $0x3;
	s4 =	sadd.s32 s4, s1  }
0xe: {  	s0 =	ssub.s32 s0, s6;
	s5 =	sadd.s32 s3, s1;
	s4 =	sadd.s32 $0x7A00, s4  }
0xf: {  	s6 =	sadd.s32 $0x91300, s1;
	s24 =	sadd.s32 $0x90C00, s5;
	[dreg:$0x2] =	wrdreg s4  }
0x10: {  	v2 =	vlaneseq.u32;
	s3 =	sadd.s32 $0x91000, s1;
	s25 =	sadd.s32 $0x90E00, s5;
	[dreg:$0x3] =	wrdreg s24  }
0x11: {  	vm0 =	vmmov $0xffff;
	v1 =	vshrl.u32 v2, $0x3;
	s7 =	smax.u32 s0, $0x1;
	s5 =	sadd.s32 $0x91200, s1;
	[dreg:$0x4] =	wrdreg s25  }
0x12: {  	v0 =	vand.u32 $0x7, v2;
	v2 =	vor.u32 $0x8, v2;
	v1 =	vmul.u32 $0x8, v1;
	s4 =	sadd.s32 $0x91100, s1;
	s24 =	simm.s32 $0x2900;
	s25 =	simm.s32 $0x3100  }
.LBB2_1:
0x13: {  	s20 =	rddreg [dreg:$0x2]  }
0x14: {  	[tilespmem:s18], [sflag:$0x3] =	stream.linear.gather [hbm4b:s20+s2], $0x10000, $0x38;
	[tilespmem:$0x10100] =	vst v63  }
0x15: {  	_ =	swait.ge [sflag:s9], $0x10000  }
0x16: {  	[sflag:s9] =	ssyncset.done $0x0  }
0x17: {  	s0 =	rddreg [dreg:$0x3];
	[sflag:s9] =	ssyncadd.s32 $0xFFFF0000  }
0x18: {  	[tilespmem:s2], [sflag:$0x3] =	stream.linear.gather [hbm4b:s0+s2], $0x40, $0x38;
	[tilespmem:$0x10100] =	vst v63  }
0x19: {  	_ =	swait.ge [sflag:s9], $0x40  }
0x1a: {  	s1 =	rddreg [dreg:$0x4];
	[sflag:s9] =	ssyncset.done $0x0  }
0x1b: {  	s21 =	rddreg [dreg:$0x5];
	[sflag:s9] =	ssyncadd.s32 $0xFFFFFFC0  }
0x1c: {  	[tilespmem:s21], [sflag:$0x3] =	stream.linear.gather [hbm4b:s1+s2], $0x40, $0x38;
	[tilespmem:$0x10100] =	vst v63  }
0x1d: {  	_ =	swait.ge [sflag:s9], $0x40  }
0x1e: {  	[sflag:s9] =	ssyncset.done $0x0  }
0x1f: {  	[sflag:s9] =	ssyncadd.s32 $0xFFFFFFC0  }
0x20: {  	v3 =	vld [tilespmem:$0x0];
	_ =	sdelay $0x4  }
0x21: {  	v4 =	vshll.u32 v3, $0x3  }
0x22: {  	v3 =	vand.u32 $0x7, v3;
	v4 =	vand.u32 $0xFFFFFFC0, v4  }
0x23: {  	v3 =	vor.u32 v3, v4  }
0x24: {  	v4 =	vperm.xlane v3, v0;
	_ =	sdelay $0x1  }
0x25: {  	v4 =	vadd.s32 v1, v4;
	_ =	sdelay $0x4  }
0x26: {  	[hbm4b:s3+s2] =	stream.indirect_vreg.scatter [tilespmem:s18], [sflag:$0x1], $0x80, v4, vm0, $0xb8;
	[tilespmem:$0x10100] =	vst v63  }
0x27: {  	s20 =	simm.s32 $0x900;
	v3 =	vperm.xlane v3, v2  }
0x28: {  	[hbm4b:s4+s2] =	stream.indirect_vreg.scatter [tilespmem:s20], [sflag:$0x1], $0x80, v4, vm0, $0xb8;
	[tilespmem:$0x10100] =	vst v63  }
0x29: {  	s21 =	simm.s32 $0x1100;
	v3 =	vadd.s32 v1, v3  }
0x2a: {  	[hbm4b:s5+s2] =	stream.indirect_vreg.scatter [tilespmem:s21], [sflag:$0x1], $0x80, v4, vm0, $0xb8;
	[tilespmem:$0x10100] =	vst v63  }
0x2b: {  	_ = 	snop  }
0x2c: {  	[hbm4b:s6+s2] =	stream.indirect_vreg.scatter [tilespmem:s22], [sflag:$0x1], $0x80, v4, vm0, $0xb8;
	[tilespmem:$0x10100] =	vst v63  }
0x2d: {  	_ = 	snop  }
0x2e: {  	[hbm4b:s3+s2] =	stream.indirect_vreg.scatter [tilespmem:s23], [sflag:$0x1], $0x80, v3, vm0, $0xb8;
	[tilespmem:$0x10100] =	vst v63  }
0x2f: {  	_ = 	snop  }
0x30: {  	[hbm4b:s4+s2] =	stream.indirect_vreg.scatter [tilespmem:s24], [sflag:$0x1], $0x80, v3, vm0, $0xb8;
	[tilespmem:$0x10100] =	vst v63  }
0x31: {  	_ = 	snop  }
0x32: {  	[hbm4b:s5+s2] =	stream.indirect_vreg.scatter [tilespmem:s25], [sflag:$0x1], $0x80, v3, vm0, $0xb8;
	[tilespmem:$0x10100] =	vst v63  }
0x33: {  	_ = 	snop  }
0x34: {  	[hbm4b:s6+s2] =	stream.indirect_vreg.scatter [tilespmem:s26], [sflag:$0x1], $0x80, v3, vm0, $0xb8;
	[tilespmem:$0x10100] =	vst v63  }
0x35: {  	v3 =	vld [tilespmem:$0x10];
	_ =	sdelay $0x4  }
0x36: {  	v57 =	vshll.u32 v3, $0x3  }
0x37: {  	v3 =	vand.u32 $0x7, v3;
	v4 =	vand.u32 $0xFFFFFFC0, v57  }
0x38: {  	v3 =	vor.u32 v3, v4  }
0x39: {  	v4 =	vperm.xlane v3, v0;
	_ =	sdelay $0x1  }
0x3a: {  	v4 =	vadd.s32 v1, v4;
	_ =	sdelay $0x4  }
0x3b: {  	[hbm4b:s3+s2] =	stream.indirect_vreg.scatter [tilespmem:s28], [sflag:$0x1], $0x80, v4, vm0, $0xb8;
	[tilespmem:$0x10100] =	vst v63  }
0x3c: {  	v3 =	vperm.xlane v3, v2  }
0x3d: {  	[hbm4b:s4+s2] =	stream.indirect_vreg.scatter [tilespmem:s29], [sflag:$0x1], $0x80, v4, vm0, $0xb8;
	[tilespmem:$0x10100] =	vst v63  }
0x3e: {  	v3 =	vadd.s32 v1, v3  }
0x3f: {  	[hbm4b:s5+s2] =	stream.indirect_vreg.scatter [tilespmem:s30], [sflag:$0x1], $0x80, v4, vm0, $0xb8;
	[tilespmem:$0x10100] =	vst v63  }
0x40: {  	_ = 	snop  }
0x41: {  	[hbm4b:s6+s2] =	stream.indirect_vreg.scatter [tilespmem:s31], [sflag:$0x1], $0x80, v4, vm0, $0xb8;
	[tilespmem:$0x10100] =	vst v63  }
0x42: {  	s1 =	simm.s32 $0x6100  }
0x43: {  	[hbm4b:s3+s2] =	stream.indirect_vreg.scatter [tilespmem:s1], [sflag:$0x1], $0x80, v3, vm0, $0xb8;
	[tilespmem:$0x10100] =	vst v63  }
0x44: {  	s0 =	simm.s32 $0x6900  }
0x45: {  	[hbm4b:s4+s2] =	stream.indirect_vreg.scatter [tilespmem:s0], [sflag:$0x1], $0x80, v3, vm0, $0xb8;
	[tilespmem:$0x10100] =	vst v63  }
0x46: {  	_ = 	snop  }
0x47: {  	[hbm4b:s5+s2] =	stream.indirect_vreg.scatter [tilespmem:s10], [sflag:$0x1], $0x80, v3, vm0, $0xb8;
	[tilespmem:$0x10100] =	vst v63  }
0x48: {  	_ = 	snop  }
0x49: {  	[hbm4b:s6+s2] =	stream.indirect_vreg.scatter [tilespmem:s11], [sflag:$0x1], $0x80, v3, vm0, $0xb8;
	[tilespmem:$0x10100] =	vst v63  }
0x4a: {  	v3 =	vld [tilespmem:$0x20];
	_ =	sdelay $0x4  }
0x4b: {  	v58 =	vshll.u32 v3, $0x3  }
0x4c: {  	v3 =	vand.u32 $0x7, v3;
	v4 =	vand.u32 $0xFFFFFFC0, v58  }
0x4d: {  	v3 =	vor.u32 v3, v4  }
0x4e: {  	v4 =	vperm.xlane v3, v0;
	_ =	sdelay $0x1  }
0x4f: {  	v4 =	vadd.s32 v1, v4;
	_ =	sdelay $0x4  }
0x50: {  	[hbm4b:s3+s2] =	stream.indirect_vreg.scatter [tilespmem:s12], [sflag:$0x1], $0x80, v4, vm0, $0xb8;
	[tilespmem:$0x10100] =	vst v63  }
0x51: {  	v3 =	vperm.xlane v3, v2  }
0x52: {  	[hbm4b:s4+s2] =	stream.indirect_vreg.scatter [tilespmem:s13], [sflag:$0x1], $0x80, v4, vm0, $0xb8;
	[tilespmem:$0x10100] =	vst v63  }
0x53: {  	v3 =	vadd.s32 v1, v3  }
0x54: {  	[hbm4b:s5+s2] =	stream.indirect_vreg.scatter [tilespmem:s14], [sflag:$0x1], $0x80, v4, vm0, $0xb8;
	[tilespmem:$0x10100] =	vst v63  }
0x55: {  	_ = 	snop  }
0x56: {  	[hbm4b:s6+s2] =	stream.indirect_vreg.scatter [tilespmem:s15], [sflag:$0x1], $0x80, v4, vm0, $0xb8;
	[tilespmem:$0x10100] =	vst v63  }
0x57: {  	_ = 	snop  }
0x58: {  	[hbm4b:s3+s2] =	stream.indirect_vreg.scatter [tilespmem:s16], [sflag:$0x1], $0x80, v3, vm0, $0xb8;
	[tilespmem:$0x10100] =	vst v63  }
0x59: {  	_ = 	snop  }
0x5a: {  	[hbm4b:s4+s2] =	stream.indirect_vreg.scatter [tilespmem:s17], [sflag:$0x1], $0x80, v3, vm0, $0xb8;
	[tilespmem:$0x10100] =	vst v63  }
0x5b: {  	_ = 	snop  }
0x5c: {  	[hbm4b:s5+s2] =	stream.indirect_vreg.scatter [tilespmem:s8], [sflag:$0x1], $0x80, v3, vm0, $0xb8;
	[tilespmem:$0x10100] =	vst v63  }
0x5d: {  	_ = 	snop  }
0x5e: {  	[hbm4b:s6+s2] =	stream.indirect_vreg.scatter [tilespmem:s19], [sflag:$0x1], $0x80, v3, vm0, $0xb8;
	[tilespmem:$0x10100] =	vst v63  }
0x5f: {  	v3 =	vld [tilespmem:$0x30];
	_ =	sdelay $0x4  }
0x60: {  	v59 =	vshll.u32 v3, $0x3  }
0x61: {  	v3 =	vand.u32 $0x7, v3;
	v4 =	vand.u32 $0xFFFFFFC0, v59  }
0x62: {  	v3 =	vor.u32 v3, v4  }
0x63: {  	v4 =	vperm.xlane v3, v0;
	_ =	sdelay $0x1  }
0x64: {  	v4 =	vadd.s32 v1, v4;
	_ =	sdelay $0x3  }
0x65: {  	s0 =	simm.s32 $0xC100  }
0x66: {  	[hbm4b:s3+s2] =	stream.indirect_vreg.scatter [tilespmem:s0], [sflag:$0x1], $0x80, v4, vm0, $0xb8;
	[tilespmem:$0x10100] =	vst v63  }
0x67: {  	v3 =	vperm.xlane v3, v2;
	s0 =	simm.s32 $0xC900  }
0x68: {  	[hbm4b:s4+s2] =	stream.indirect_vreg.scatter [tilespmem:s0], [sflag:$0x1], $0x80, v4, vm0, $0xb8;
	[tilespmem:$0x10100] =	vst v63  }
0x69: {  	v3 =	vadd.s32 v1, v3;
	s0 =	simm.s32 $0xD100  }
0x6a: {  	[hbm4b:s5+s2] =	stream.indirect_vreg.scatter [tilespmem:s0], [sflag:$0x1], $0x80, v4, vm0, $0xb8;
	[tilespmem:$0x10100] =	vst v63  }
0x6b: {  	s0 =	simm.s32 $0xD900  }
0x6c: {  	[hbm4b:s6+s2] =	stream.indirect_vreg.scatter [tilespmem:s0], [sflag:$0x1], $0x80, v4, vm0, $0xb8;
	[tilespmem:$0x10100] =	vst v63  }
0x6d: {  	s0 =	simm.s32 $0xE100  }
0x6e: {  	[hbm4b:s3+s2] =	stream.indirect_vreg.scatter [tilespmem:s0], [sflag:$0x1], $0x80, v3, vm0, $0xb8;
	[tilespmem:$0x10100] =	vst v63  }
0x6f: {  	s0 =	simm.s32 $0xE900  }
0x70: {  	[hbm4b:s4+s2] =	stream.indirect_vreg.scatter [tilespmem:s0], [sflag:$0x1], $0x80, v3, vm0, $0xb8;
	[tilespmem:$0x10100] =	vst v63  }
0x71: {  	s0 =	simm.s32 $0xF100  }
0x72: {  	[hbm4b:s5+s2] =	stream.indirect_vreg.scatter [tilespmem:s0], [sflag:$0x1], $0x80, v3, vm0, $0xb8;
	[tilespmem:$0x10100] =	vst v63  }
0x73: {  	s0 =	simm.s32 $0xF900  }
0x74: {  	[hbm4b:s6+s2] =	stream.indirect_vreg.scatter [tilespmem:s0], [sflag:$0x1], $0x80, v3, vm0, $0xb8;
	[tilespmem:$0x10100] =	vst v63  }
0x75: {  	v3 =	vld [tilespmem:$0x80];
	_ =	sdelay $0x4  }
0x76: {  	v60 =	vshll.u32 v3, $0x3  }
0x77: {  	v3 =	vand.u32 $0x7, v3;
	v4 =	vand.u32 $0xFFFFFFC0, v60  }
0x78: {  	v3 =	vor.u32 v3, v4  }
0x79: {  	v4 =	vperm.xlane v3, v0;
	_ =	sdelay $0x1  }
0x7a: {  	v4 =	vadd.s32 v1, v4;
	_ =	sdelay $0x4  }
0x7b: {  	[hbm4b:s3+s2] =	stream.indirect_vreg.scatter [tilespmem:s18], [sflag:$0x2], $0x80, v4, vm0, $0xb8;
	[tilespmem:$0x10100] =	vst v63  }
0x7c: {  	v3 =	vperm.xlane v3, v2  }
0x7d: {  	[hbm4b:s4+s2] =	stream.indirect_vreg.scatter [tilespmem:s20], [sflag:$0x2], $0x80, v4, vm0, $0xb8;
	[tilespmem:$0x10100] =	vst v63  }
0x7e: {  	v3 =	vadd.s32 v1, v3  }
0x7f: {  	[hbm4b:s5+s2] =	stream.indirect_vreg.scatter [tilespmem:s21], [sflag:$0x2], $0x80, v4, vm0, $0xb8;
	[tilespmem:$0x10100] =	vst v63  }
0x80: {  	_ = 	snop  }
0x81: {  	[hbm4b:s6+s2] =	stream.indirect_vreg.scatter [tilespmem:s22], [sflag:$0x2], $0x80, v4, vm0, $0xb8;
	[tilespmem:$0x10100] =	vst v63  }
0x82: {  	_ = 	snop  }
0x83: {  	[hbm4b:s3+s2] =	stream.indirect_vreg.scatter [tilespmem:s23], [sflag:$0x2], $0x80, v3, vm0, $0xb8;
	[tilespmem:$0x10100] =	vst v63  }
0x84: {  	_ = 	snop  }
0x85: {  	[hbm4b:s4+s2] =	stream.indirect_vreg.scatter [tilespmem:s24], [sflag:$0x2], $0x80, v3, vm0, $0xb8;
	[tilespmem:$0x10100] =	vst v63  }
0x86: {  	_ = 	snop  }
0x87: {  	[hbm4b:s5+s2] =	stream.indirect_vreg.scatter [tilespmem:s25], [sflag:$0x2], $0x80, v3, vm0, $0xb8;
	[tilespmem:$0x10100] =	vst v63  }
0x88: {  	_ = 	snop  }
0x89: {  	[hbm4b:s6+s2] =	stream.indirect_vreg.scatter [tilespmem:s26], [sflag:$0x2], $0x80, v3, vm0, $0xb8;
	[tilespmem:$0x10100] =	vst v63  }
0x8a: {  	v3 =	vld [tilespmem:$0x90];
	_ =	sdelay $0x4  }
0x8b: {  	v61 =	vshll.u32 v3, $0x3  }
0x8c: {  	v3 =	vand.u32 $0x7, v3;
	v4 =	vand.u32 $0xFFFFFFC0, v61  }
0x8d: {  	v3 =	vor.u32 v3, v4  }
0x8e: {  	v4 =	vperm.xlane v3, v0;
	_ =	sdelay $0x1  }
0x8f: {  	v4 =	vadd.s32 v1, v4;
	_ =	sdelay $0x4  }
0x90: {  	[hbm4b:s3+s2] =	stream.indirect_vreg.scatter [tilespmem:s28], [sflag:$0x2], $0x80, v4, vm0, $0xb8;
	[tilespmem:$0x10100] =	vst v63  }
0x91: {  	v3 =	vperm.xlane v3, v2  }
0x92: {  	[hbm4b:s4+s2] =	stream.indirect_vreg.scatter [tilespmem:s29], [sflag:$0x2], $0x80, v4, vm0, $0xb8;
	[tilespmem:$0x10100] =	vst v63  }
0x93: {  	v3 =	vadd.s32 v1, v3  }
0x94: {  	[hbm4b:s5+s2] =	stream.indirect_vreg.scatter [tilespmem:s30], [sflag:$0x2], $0x80, v4, vm0, $0xb8;
	[tilespmem:$0x10100] =	vst v63  }
0x95: {  	_ = 	snop  }
0x96: {  	[hbm4b:s6+s2] =	stream.indirect_vreg.scatter [tilespmem:s31], [sflag:$0x2], $0x80, v4, vm0, $0xb8;
	[tilespmem:$0x10100] =	vst v63  }
0x97: {  	_ = 	snop  }
0x98: {  	[hbm4b:s3+s2] =	stream.indirect_vreg.scatter [tilespmem:s1], [sflag:$0x2], $0x80, v3, vm0, $0xb8;
	[tilespmem:$0x10100] =	vst v63  }
0x99: {  	s20 =	simm.s32 $0x6900  }
0x9a: {  	[hbm4b:s4+s2] =	stream.indirect_vreg.scatter [tilespmem:s20], [sflag:$0x2], $0x80, v3, vm0, $0xb8;
	[tilespmem:$0x10100] =	vst v63  }
0x9b: {  	_ = 	snop  }
0x9c: {  	[hbm4b:s5+s2] =	stream.indirect_vreg.scatter [tilespmem:s10], [sflag:$0x2], $0x80, v3, vm0, $0xb8;
	[tilespmem:$0x10100] =	vst v63  }
0x9d: {  	_ = 	snop  }
0x9e: {  	[hbm4b:s6+s2] =	stream.indirect_vreg.scatter [tilespmem:s11], [sflag:$0x2], $0x80, v3, vm0, $0xb8;
	[tilespmem:$0x10100] =	vst v63  }
0x9f: {  	v3 =	vld [tilespmem:$0xA0];
	_ =	sdelay $0x4  }
0xa0: {  	v62 =	vshll.u32 v3, $0x3  }
0xa1: {  	v3 =	vand.u32 $0x7, v3;
	v4 =	vand.u32 $0xFFFFFFC0, v62  }
0xa2: {  	v3 =	vor.u32 v3, v4  }
0xa3: {  	v4 =	vperm.xlane v3, v0;
	_ =	sdelay $0x1  }
0xa4: {  	v4 =	vadd.s32 v1, v4;
	_ =	sdelay $0x4  }
0xa5: {  	[hbm4b:s3+s2] =	stream.indirect_vreg.scatter [tilespmem:s12], [sflag:$0x2], $0x80, v4, vm0, $0xb8;
	[tilespmem:$0x10100] =	vst v63  }
0xa6: {  	v3 =	vperm.xlane v3, v2  }
0xa7: {  	[hbm4b:s4+s2] =	stream.indirect_vreg.scatter [tilespmem:s13], [sflag:$0x2], $0x80, v4, vm0, $0xb8;
	[tilespmem:$0x10100] =	vst v63  }
0xa8: {  	v3 =	vadd.s32 v1, v3  }
0xa9: {  	[hbm4b:s5+s2] =	stream.indirect_vreg.scatter [tilespmem:s14], [sflag:$0x2], $0x80, v4, vm0, $0xb8;
	[tilespmem:$0x10100] =	vst v63  }
0xaa: {  	_ = 	snop  }
0xab: {  	[hbm4b:s6+s2] =	stream.indirect_vreg.scatter [tilespmem:s15], [sflag:$0x2], $0x80, v4, vm0, $0xb8;
	[tilespmem:$0x10100] =	vst v63  }
0xac: {  	_ = 	snop  }
0xad: {  	[hbm4b:s3+s2] =	stream.indirect_vreg.scatter [tilespmem:s16], [sflag:$0x2], $0x80, v3, vm0, $0xb8;
	[tilespmem:$0x10100] =	vst v63  }
0xae: {  	_ = 	snop  }
0xaf: {  	[hbm4b:s4+s2] =	stream.indirect_vreg.scatter [tilespmem:s17], [sflag:$0x2], $0x80, v3, vm0, $0xb8;
	[tilespmem:$0x10100] =	vst v63  }
0xb0: {  	_ = 	snop  }
0xb1: {  	[hbm4b:s5+s2] =	stream.indirect_vreg.scatter [tilespmem:s8], [sflag:$0x2], $0x80, v3, vm0, $0xb8;
	[tilespmem:$0x10100] =	vst v63  }
0xb2: {  	_ = 	snop  }
0xb3: {  	[hbm4b:s6+s2] =	stream.indirect_vreg.scatter [tilespmem:s19], [sflag:$0x2], $0x80, v3, vm0, $0xb8;
	[tilespmem:$0x10100] =	vst v63  }
0xb4: {  	v3 =	vld [tilespmem:$0xB0];
	_ =	sdelay $0x4  }
0xb5: {  	v63 =	vshll.u32 v3, $0x3  }
0xb6: {  	v3 =	vand.u32 $0x7, v3;
	v4 =	vand.u32 $0xFFFFFFC0, v63  }
0xb7: {  	v3 =	vor.u32 v3, v4  }
0xb8: {  	v4 =	vperm.xlane v3, v0;
	_ =	sdelay $0x1  }
0xb9: {  	v4 =	vadd.s32 v1, v4;
	_ =	sdelay $0x3  }
0xba: {  	s21 =	simm.s32 $0xC100  }
0xbb: {  	[hbm4b:s3+s2] =	stream.indirect_vreg.scatter [tilespmem:s21], [sflag:$0x2], $0x80, v4, vm0, $0xb8;
	[tilespmem:$0x10100] =	vst v63  }
0xbc: {  	s20 =	simm.s32 $0xC900;
	v3 =	vperm.xlane v3, v2  }
0xbd: {  	[hbm4b:s4+s2] =	stream.indirect_vreg.scatter [tilespmem:s20], [sflag:$0x2], $0x80, v4, vm0, $0xb8;
	[tilespmem:$0x10100] =	vst v63  }
0xbe: {  	v3 =	vadd.s32 v1, v3;
	s21 =	simm.s32 $0xD100  }
0xbf: {  	[hbm4b:s5+s2] =	stream.indirect_vreg.scatter [tilespmem:s21], [sflag:$0x2], $0x80, v4, vm0, $0xb8;
	[tilespmem:$0x10100] =	vst v63  }
0xc0: {  	s20 =	simm.s32 $0xD900  }
0xc1: {  	[hbm4b:s6+s2] =	stream.indirect_vreg.scatter [tilespmem:s20], [sflag:$0x2], $0x80, v4, vm0, $0xb8;
	[tilespmem:$0x10100] =	vst v63  }
0xc2: {  	s21 =	simm.s32 $0xE100  }
0xc3: {  	[hbm4b:s3+s2] =	stream.indirect_vreg.scatter [tilespmem:s21], [sflag:$0x2], $0x80, v3, vm0, $0xb8;
	[tilespmem:$0x10100] =	vst v63  }
0xc4: {  	s20 =	simm.s32 $0xE900  }
0xc5: {  	[hbm4b:s4+s2] =	stream.indirect_vreg.scatter [tilespmem:s20], [sflag:$0x2], $0x80, v3, vm0, $0xb8;
	[tilespmem:$0x10100] =	vst v63  }
0xc6: {  	s21 =	simm.s32 $0xF100  }
0xc7: {  	[hbm4b:s5+s2] =	stream.indirect_vreg.scatter [tilespmem:s21], [sflag:$0x2], $0x80, v3, vm0, $0xb8;
	[tilespmem:$0x10100] =	vst v63  }
0xc8: {  	s20 =	simm.s32 $0x1  }
0xc9: {  	[hbm4b:s6+s2] =	stream.indirect_vreg.scatter [tilespmem:s0], [sflag:$0x2], $0x80, v3, vm0, $0xb8;
	[tilespmem:$0x10100] =	vst v63  }
0xca: {  	p0 =	sne.s32 s7, $0x1;
	_ =	swait.ge [sflag:s20], $0x10000  }
.Ltmp0:
0xcb: {  	[sflag:s20] =	ssyncset.done $0x0;
	(pc) =	sbr.rel @p0 .LBB2_1-.Ltmp0, $4  }
0xcc: {  	s21 =	simm.s32 $0x2;
	[sflag:s20] =	ssyncadd.s32 $0xFFFF0000  }
0xcd: {  	_ =	swait.ge [sflag:s21], $0x10000  }
0xce: {  	[sflag:s21] =	ssyncset.done $0x0  }
0xcf: {  	s7 =	sadd.s32 $0xFFFFFFFF, s7;
	[sflag:s21] =	ssyncadd.s32 $0xFFFF0000  }
0xd0: {  	_ =	sfence.sel $0x180000  }
0xd1: {  	[bflag:$0x0] =	sbarrier.arrive $0xFFFF  }
0xd2: {  	_ =	strace $0x9000004A  }
0xd3: {  	s0 =	stileid.u32;
	[bflag:$0x2] =	sbarrier.arrive $0xFFFF  }
0xd4: {  	p0 =	sne.s32 s0, $0x0;
	s0 =	rddreg [dreg:$0x1]  }
0xd5: {  	s0 =	sadd.s32 @!p0 $0x100000, s0  }
0xd6: {  	[sflag:s0] =	ssyncadd.tile.s32 @!p0 $0x1;
	_ =	shalt  }
.Lfunc_end2:
_tile_overlayer_lowered:
.L_overlay_start_2:
0xd7: {  	(tag) =	ssettag $0x2  }
0xd8: {  	s0 =	rddreg [dreg:$0x0];
	s2 =	stileid.u32  }
0xd9: {  	s1 =	rddreg [dreg:$0x1];
	p0 =	sne.s32 s2, $0x0  }
0xda: {  	s3 =	rddreg [dreg:$0x2];
	[bflag:$0x3] =	sbarrier.arrive $0xFFFF;
	s2 =	simm.s32 @!p0 $0x1C03  }
0xdb: {  	[timem:s3], [sflag:s2] =	dma.local @!p0 [hbm:s0], s1  }
0xdc: {  	s0 =	simm.s32 @!p0 $0x3  }
0xdd: {  	_ =	swait.ge @!p0 [sflag:s0], s1  }
0xde: {  	s1 =	ssub.s32 @!p0 $0x0, s1;
	[sflag:s0] =	ssyncset.done @!p0 $0x0  }
0xdf: {  	[sflag:s0] =	ssyncadd.s32 @!p0 s1  }
0xe0: {  	[bflag:$0x3] =	sbarrier.arrive $0xFFFF  }
0xe1: {  	_ =	shalt  }

// kernel: kernel.22.cloned.1.call-start
scs
__scs_entry_jumppad:
0x0: {  	(pc) =	sbr.rel $0x88, $3  }
0x1: {  	(tag) =	ssettag $0x0;
	lr =	simm.s32 $0x1  }
0x2: {  	[smem:$0x3F8E] =	sst lr;
	_ =	strace $0xD0000000  }
0x3: {  	_ = 	snop  }
0x4: {  	_ = 	snop  }
0x5: {  	_ = 	snop  }
0x6: {  	_ = 	snop  }
0x7: {  	_ = 	snop  }
__scs_overlays_trampoline_lowered:
0x8: {  	[smem:$0x3F9D] =	sst s0  }
0x9: {  	[smem:$0x3F9E] =	sst s1  }
0xa: {  	[smem:$0x3F9F] =	sst s2  }
0xb: {  	[smem:$0x3FA0] =	sst s3  }
0xc: {  	[smem:$0x3FA1] =	sst s4  }
0xd: {  	[smem:$0x3FA2] =	sst s5  }
0xe: {  	[smem:$0x3FA3] =	sst s6  }
0xf: {  	[smem:$0x3FA4] =	sst s7  }
0x10: {  	[smem:$0x3FA5] =	sst s8  }
0x11: {  	[smem:$0x3FA6] =	sst s9;
	s0 =	simm.s32 @!p0 $0x0  }
0x12: {  	s1 =	sld [smem:$0x3F8C];
	s0 =	simm.s32 @p0 $0x1  }
0x13: {  	[smem:$0x3FA7] =	sst s0;
	s0 =	simm.s32 @!p1 $0x0  }
0x14: {  	s2 =	sld [smem:$0x3F8B];
	s0 =	simm.s32 @p1 $0x1  }
0x15: {  	[smem:$0x3FA8] =	sst s0;
	s0 =	simm.s32 @!p2 $0x0  }
0x16: {  	s3 =	sld [smem:$0x3FDB];
	s0 =	simm.s32 @p2 $0x1  }
0x17: {  	s4 =	simm.s32 $0x1BF5;
	[smem:$0x3FAA] =	sst s0  }
0x18: {  	s0 =	sld [smem:$0x3F8D];
	_ =	swait.ge [sflag:s4], $0x0  }
0x19: {  	s7 =	sld [smem:$0x3F8E]  }
0x1a: {  	s8 =	sadd.s32 $0xFFFFE003, lr  }
0x1b: {  	s9 =	sadd.s32 $0xFFFFFEF7, lr;
	s5 =	simm.s32 $0xFFFFFFFF;
	p2 =	slt.u32 s8, $0xFFFFF086  }
0x1c: {  	p1 =	slt.u32 s9, $0xF7A;
	s5 =	simm.s32 @!p2 $0x0  }
0x1d: {  	s5 =	simm.s32 @p1 $0x1;
	p0 =	seq.s32 s7, s2  }
0x1e: {  	s7 =	smul.u32 @!p0 $0xF7A, s2;
	p2 =	seq.s32 @!p0 s5, $0x0  }
0x1f: {  	s9 =	smul.u32 $0xF7A, s1;
	s8 =	simm.s32 @!p0 $0x1BF5;
	p2 =	por !p2, p0  }
0x20: {  	[sflag:s8] =	ssyncset.s32 @!p0 $0xFFFFF086;
	s6 =	sadd.s32 @!p0 s3, s7;
	s7 =	simm.s32 @!p0 $0x108  }
0x21: {  	s3 =	sadd.s32 s3, s9;
	s6 =	sadd.s32 @!p0 $0x88, s6;
	s7 =	simm.s32 @p2 $0x1082  }
0x22: {  	[simem:s7], [sflag:s8] =	dma.local @!p0 [hbm:s6], $0xF7A  }
0x23: {  	s9 =	sor.u32 $0xD0000000, s2;
	s6 =	simm.s32 $0x108;
	_ =	swait.ge @!p0 [sflag:s8], $0x0  }
0x24: {  	s3 =	sadd.s32 $0x88, s3;
	s6 =	simm.s32 @!p1 $0x1082;
	[sflag:s4] =	ssyncset.s32 $0xFFFFF086  }
0x25: {  	[simem:s6], [sflag:s4] =	dma.local [hbm:s3], $0xF7A  }
0x26: {  	[smem:$0x3F8E] =	sst s1;
	(tag) =	ssettag s2;
	_ =	strace s9  }
0x27: {  	s1 =	sld [smem:$0x3F9E]  }
0x28: {  	s2 =	sld [smem:$0x3F9F]  }
0x29: {  	s4 =	sld [smem:$0x3FA1]  }
0x2a: {  	p0 =	seq.s32 s5, $0x0;
	s5 =	sld [smem:$0x3FA2]  }
0x2b: {  	s6 =	sld [smem:$0x3FA3]  }
0x2c: {  	s7 =	sld [smem:$0x3FA4]  }
0x2d: {  	s3 =	simm.s32 $0x108;
	s8 =	sld [smem:$0x3FA5]  }
0x2e: {  	s3 =	simm.s32 @!p0 $0x1082;
	s9 =	sld [smem:$0x3FA6]  }
0x2f: {  	lr =	sadd.s32 s0, s3;
	s0 =	sld [smem:$0x3F9D]  }
0x30: {  	s3 =	sld [smem:$0x3FA0]  }
0x31: {  	[smem:$0x3FA9] =	sst s10  }
0x32: {  	s10 =	sld [smem:$0x3FA7];
	_ =	sdelay $0x3  }
0x33: {  	p0 =	seq.s32 s10, $0x1;
	s10 =	sld [smem:$0x3FA9];
	_ =	sdelay $0x3  }
0x34: {  	[smem:$0x3FA9] =	sst s10  }
0x35: {  	s10 =	sld [smem:$0x3FA8];
	_ =	sdelay $0x3  }
0x36: {  	p1 =	seq.s32 s10, $0x1;
	s10 =	sld [smem:$0x3FA9];
	_ =	sdelay $0x3  }
0x37: {  	[smem:$0x3FA9] =	sst s10  }
0x38: {  	s10 =	sld [smem:$0x3FAA]  }
0x39: {  	_ = 	snop;
	(pc) =	sbr.ind lr, $3  }
0x3a: {  	_ = 	snop  }
0x3b: {  	_ = 	snop  }
0x3c: {  	p2 =	seq.s32 s10, $0x1;
	s10 =	sld [smem:$0x3FA9]  }
0x3d: {  	_ =	shalt  }
0x3e: {  	_ =	shalt  }
0x3f: {  	_ =	shalt  }
0x40: {  	_ =	shalt  }
0x41: {  	_ =	shalt  }
0x42: {  	_ =	shalt  }
0x43: {  	_ =	shalt  }
0x44: {  	_ =	shalt  }
0x45: {  	_ =	shalt  }
0x46: {  	_ =	shalt  }
0x47: {  	_ =	shalt  }
0x48: {  	_ =	shalt  }
0x49: {  	_ =	shalt  }
0x4a: {  	_ =	shalt  }
0x4b: {  	_ =	shalt  }
0x4c: {  	_ =	shalt  }
0x4d: {  	_ =	shalt  }
0x4e: {  	_ =	shalt  }
0x4f: {  	_ =	shalt  }
0x50: {  	_ =	shalt  }
0x51: {  	_ =	shalt  }
0x52: {  	_ =	shalt  }
0x53: {  	_ =	shalt  }
0x54: {  	_ =	shalt  }
0x55: {  	_ =	shalt  }
0x56: {  	_ =	shalt  }
0x57: {  	_ =	shalt  }
0x58: {  	_ =	shalt  }
0x59: {  	_ =	shalt  }
0x5a: {  	_ =	shalt  }
0x5b: {  	_ =	shalt  }
0x5c: {  	_ =	shalt  }
0x5d: {  	_ =	shalt  }
0x5e: {  	_ =	shalt  }
0x5f: {  	_ =	shalt  }
0x60: {  	_ =	shalt  }
0x61: {  	_ =	shalt  }
0x62: {  	_ =	shalt  }
0x63: {  	_ =	shalt  }
0x64: {  	_ =	shalt  }
0x65: {  	_ =	shalt  }
0x66: {  	_ =	shalt  }
0x67: {  	_ =	shalt  }
0x68: {  	_ =	shalt  }
0x69: {  	_ =	shalt  }
0x6a: {  	_ =	shalt  }
0x6b: {  	_ =	shalt  }
0x6c: {  	_ =	shalt  }
0x6d: {  	_ =	shalt  }
0x6e: {  	_ =	shalt  }
0x6f: {  	_ =	shalt  }
0x70: {  	_ =	shalt  }
0x71: {  	_ =	shalt  }
0x72: {  	_ =	shalt  }
0x73: {  	_ =	shalt  }
0x74: {  	_ =	shalt  }
0x75: {  	_ =	shalt  }
0x76: {  	_ =	shalt  }
0x77: {  	_ =	shalt  }
0x78: {  	_ =	shalt  }
0x79: {  	_ =	shalt  }
0x7a: {  	_ =	shalt  }
0x7b: {  	_ =	shalt  }
0x7c: {  	_ =	shalt  }
0x7d: {  	_ =	shalt  }
0x7e: {  	_ =	shalt  }
0x7f: {  	_ =	shalt  }
0x80: {  	_ =	shalt  }
0x81: {  	_ =	shalt  }
0x82: {  	_ =	shalt  }
0x83: {  	_ =	shalt  }
0x84: {  	_ =	shalt  }
0x85: {  	_ =	shalt  }
0x86: {  	_ =	shalt  }
0x87: {  	_ =	shalt  }
.Lfunc_end0:
.L_simem_size_0:
called_computation.2_lowered:
.L_overlay_start_0:
0x88: {  	s2 =	sld [smem:$0x3FD9]  }
0x89: {  	s3 =	sld [smem:$0x3FFE];
	_ =	sdelay $0x1  }
0x8a: {  	s1 =	srdreg.scid  }
0x8b: {  	s0 =	sand.u32 $0x1, s1  }
0x8c: {  	s16 =	sshll.u32 s0, $0xA;
	s2 =	sadd.s32 s3, s2  }
0x8d: {  	s2 =	sadd.s32 s2, s16  }
0x8e: {  	[smem:$0x3FB5] =	sst s2  }
0x8f: {  	_ = 	snop  }
0x90: {  	(tm) =	ssettm $0x1  }
0x91: {  	s17 =	sld [smem:$0x3FFB];
	_ =	sdelay $0x3  }
0x92: {  	_ =	strace s17  }
0x93: {  	s2 =	sld [smem:$0x3FFC];
	_ =	sdelay $0x3  }
0x94: {  	_ =	strace s2  }
0x95: {  	s2 =	sld [smem:$0x3FFD];
	_ =	sdelay $0x3  }
0x96: {  	_ =	strace s2  }
0x97: {  	_ =	strace $0x8FFFFFFF  }
0x98: {  	s18 =	sld [smem:$0x3FDB];
	_ =	sdelay $0x1  }
0x99: {  	s19 =	simm.s32 $_scs_section_size  }
0x9a: {  	s4 =	simm.s32 $_size__tile_overlayer_lowered;
	s5 =	simm.s32 $_tile_overlayer_lowered  }
0x9b: {  	s22 =	simm.s32 $0x1BFF;
	s21 =	sshll.u32 s5, $0x1;
	s2 =	sadd.s32 s19, s18  }
0x9c: {  	s6 =	simm.s32 $0x0;
	s20 =	sshll.u32 s4, $0x1;
	s4 =	sadd.s32 s21, s2  }
0x9d: {  	[timem:s6], [sflag:s22] =	dma.local [hbm:s4], s20  }
0x9e: {  	_ =	swait.ge [sflag:s22], s20  }
0x9f: {  	s3 =	ssub.s32 $0x0, s20;
	[sflag:s22] =	ssyncset.done $0x0  }
0xa0: {  	[sflag:s22] =	ssyncadd.s32 s3;
	_ =	sdelay $0x1  }
0xa1: {  	s23 =	simm.s32 $0x1B8B  }
0xa2: {  	_ =	swait.ge [sflag:s23], $0x1  }
0xa3: {  	[sflag:s23] =	ssyncset.done $0x0  }
0xa4: {  	s25 =	simm.s32 $0x1B8E;
	s24 =	sld [smem:$0x3FFE];
	[sflag:s23] =	ssyncadd.s32 $0xFFFFFFFF  }
0xa5: {  	s26 =	simm.s32 $execute0_lowered;
	[smem:$0x3FD2] =	sst s25  }
0xa6: {  	s4 =	sshll.u32 s26, $0x1;
	_ =	strace $0x8000004C;
	[dreg:$0x1] =	wrdreg $0xFFFFFFFF  }
0xa7: {  	s28 =	simm.s32 $_size_execute0_lowered;
	s2 =	sadd.s32 s2, s4;
	[dreg:$0x0] =	wrdreg $0x0  }
0xa8: {  	s4 =	sshll.u32 s28, $0x1;
	[dreg:$0x2] =	wrdreg s2  }
0xa9: {  	[dreg:$0x3] =	wrdreg s4  }
0xaa: {  	[dreg:$0x4] =	wrdreg $0xC0  }
0xab: {  	_ =	task [dreg:s6], $0x5FFFF  }
0xac: {  	[dreg:$0x1] =	wrdreg $0xFFFFFFFF  }
0xad: {  	[dreg:$0x0] =	wrdreg $0x60  }
0xae: {  	[dreg:$0x2] =	wrdreg s24  }
0xaf: {  	[dreg:$0x3] =	wrdreg $0x9  }
0xb0: {  	_ =	task.clear_ibuf [dreg:s6], $0x4FFFF;
	_ =	strace $0x9000004C  }
0xb1: {  	s29 =	simm.s32 $0x9;
	_ =	strace $0x8000004E  }
0xb2: {  	_ =	swait.ge [sflag:s29], $0x1  }
0xb3: {  	[sflag:s29] =	ssyncadd.s32 $0xFFFFFFFF  }
0xb4: {  	_ =	strace $0x9000004E  }
0xb5: {  	_ =	sfence  }
0xb6: {  	s30 =	sld [smem:$0x0];
	_ =	sdelay $0x2  }
0xb7: {  	s31 =	sshll.u32 s1, $0xD;
	s1 =	sshrl.u32 s1, $0x2  }
0xb8: {  	s3 =	sand.u32 $0x4000, s31;
	s1 =	sadd.s32 s1, s30  }
0xb9: {  	s0 =	sor.u32 s3, s0;
	s1 =	sshll.u32 s1, $0x11  }
0xba: {  	s0 =	sor.u32 s1, s0  }
0xbb: {  	s0 =	sadd.s32 $0x8F2B, s0  }
0xbc: {  	[sflag:s0] =	ssyncadd.remote.s32 $0x1  }
0xbd: {  	_ =	sfence.sel $0xFFFF  }
0xbe: {  	[dreg:$0x0] =	wrdreg $0xFFFFFFFF;
	(pc) =	sbr.abs _section_cstart, $3  }
0xbf: {  	[dreg:$0x1] =	wrdreg $0xFFFFFFFF  }
0xc0: {  	_ =	task.clear_ibuf [dreg:s6], $0x2FFFF;
	_ =	strace $0x9FFFFFFF  }
0xc1: {  	(tm) =	ssettm $0x7FFFFFFF  }
tec
execute0_lowered:
.L_overlay_start_1:
0x0: {  	(tag) =	ssettag $0x1  }
0x1: {  	s0 =	rddreg [dreg:$0x0]  }
0x2: {  	s1 =	srdreg.scid;
	s3 =	stileid.u32  }
0x3: {  	s2 =	simm.s32 $0x0;
	s26 =	simm.s32 $0x80;
	s18 =	simm.s32 $0x1  }
0x4: {  	s19 =	simm.s32 $0x2;
	s20 =	simm.s32 $0x3;
	s21 =	simm.s32 $0x4  }
0x5: {  	s28 =	simm.s32 $0x2100;
	s29 =	simm.s32 $0x2900;
	s30 =	simm.s32 $0x3100  }
0x6: {  	s31 =	simm.s32 $0x3900;
	s11 =	simm.s32 $0x5900;
	s12 =	simm.s32 $0x6100  }
0x7: {  	s13 =	simm.s32 $0x6900;
	s14 =	simm.s32 $0x7100;
	s15 =	simm.s32 $0x7900  }
0x8: {  	s16 =	simm.s32 $0x8900;
	s17 =	simm.s32 $0x9100;
	s1 =	sand.u32 $0x1, s1  }
0x9: {  	s3 =	sshll.u32 s3, $0x7;
	[smem:$0x7FF] =	sst s2;
	s6 =	sadd.s32 $0x3D1C00, s0  }
0xa: {  	s7 =	sadd.s32 $0x91000, s0;
	s4 =	sshll.u32 s1, $0x6;
	_ =	strace $0x8000004D  }
0xb: {  	s1 =	ssub.s32 $0x2, s1;
	[dreg:$0x8] =	wrdreg s26;
	s26 =	simm.s32 $0x1900  }
0xc: {  	s4 =	sor.u32 s4, s3;
	s3 =	sadd.s32 $0x331C00, s0;
	s8 =	sshrl.u32 s1, $0x1  }
0xd: {  	s5 =	sshrl.u32 s4, $0x3;
	s23 =	sshll.u32 s4, $0x7;
	s1 =	ssub.s32 s1, s8  }
0xe: {  	s8 =	simm.s32 $0x8100;
	s5 =	sadd.s32 s5, s0;
	s4 =	sadd.s32 s6, s23  }
0xf: {  	s10 =	sor.u32 $0x1000, s23;
	s25 =	sadd.s32 s7, s23;
	[dreg:$0x4] =	wrdreg s4  }
0x10: {  	s9 =	sadd.s32 $0x90C00, s5;
	s5 =	sadd.s32 $0x90E00, s5;
	[dreg:$0x6] =	wrdreg s25  }
0x11: {  	s24 =	sadd.s32 s6, s10;
	s4 =	sadd.s32 $0x331D00, s0;
	[dreg:$0x2] =	wrdreg s9  }
0x12: {  	s7 =	sadd.s32 s7, s10;
	s6 =	sadd.s32 $0x331F00, s0;
	[dreg:$0x3] =	wrdreg s5  }
0x13: {  	v2 =	vlaneseq.u32;
	s25 =	simm.s32 $0x100;
	s10 =	simm.s32 $0x5100;
	[dreg:$0x5] =	wrdreg s24  }
0x14: {  	vm0 =	vmmov $0xffff;
	v1 =	vshrl.u32 v2, $0x3;
	s5 =	sadd.s32 $0x331E00, s0;
	[dreg:$0x7] =	wrdreg s7;
	s7 =	smax.u32 s1, $0x1  }
0x15: {  	v0 =	vand.u32 $0x7, v2;
	v2 =	vor.u32 $0x8, v2;
	v1 =	vmul.u32 $0x8, v1;
	s24 =	simm.s32 $0x1100;
	s1 =	simm.s32 $0x4900;
	s9 =	simm.s32 $0x9900  }
.LBB2_1:
0x16: {  	s22 =	rddreg [dreg:$0x2];
	s0 =	simm.s32 $0x5  }
0x17: {  	[tilespmem:s2], [sflag:$0x5] =	stream.linear.gather [hbm4b:s22+s2], $0x40, $0x38;
	[tilespmem:$0x10100] =	vst v63  }
0x18: {  	_ =	swait.ge [sflag:s0], $0x40  }
0x19: {  	s22 =	rddreg [dreg:$0x3];
	[sflag:s0] =	ssyncset.done $0x0  }
0x1a: {  	s23 =	rddreg [dreg:$0x8];
	[sflag:s0] =	ssyncadd.s32 $0xFFFFFFC0  }
0x1b: {  	[tilespmem:s23], [sflag:$0x5] =	stream.linear.gather [hbm4b:s22+s2], $0x40, $0x38;
	[tilespmem:$0x10100] =	vst v63  }
0x1c: {  	_ =	swait.ge [sflag:s0], $0x40  }
0x1d: {  	[sflag:s0] =	ssyncset.done $0x0  }
0x1e: {  	[sflag:s0] =	ssyncadd.s32 $0xFFFFFFC0  }
0x1f: {  	v3 =	vld [tilespmem:$0x0];
	_ =	sdelay $0x4  }
0x20: {  	v4 =	vshll.u32 v3, $0x3  }
0x21: {  	v3 =	vand.u32 $0x7, v3;
	v4 =	vand.u32 $0xFFFFFFC0, v4  }
0x22: {  	v3 =	vor.u32 v3, v4  }
0x23: {  	v4 =	vperm.xlane v3, v0;
	_ =	sdelay $0x1  }
0x24: {  	v4 =	vadd.s32 v1, v4;
	_ =	sdelay $0x4  }
0x25: {  	[tilespmem:s25], [sflag:$0x1] =	stream.indirect_vreg.gather [hbm4b:s3+s2], $0x80, v4, vm0, $0xb8;
	[tilespmem:$0x10100] =	vst v63  }
0x26: {  	s23 =	simm.s32 $0x900;
	v3 =	vperm.xlane v3, v2  }
0x27: {  	[tilespmem:s23], [sflag:$0x1] =	stream.indirect_vreg.gather [hbm4b:s4+s2], $0x80, v4, vm0, $0xb8;
	[tilespmem:$0x10100] =	vst v63  }
0x28: {  	v3 =	vadd.s32 v1, v3  }
0x29: {  	[tilespmem:s24], [sflag:$0x1] =	stream.indirect_vreg.gather [hbm4b:s5+s2], $0x80, v4, vm0, $0xb8;
	[tilespmem:$0x10100] =	vst v63  }
0x2a: {  	_ = 	snop  }
0x2b: {  	[tilespmem:s26], [sflag:$0x1] =	stream.indirect_vreg.gather [hbm4b:s6+s2], $0x80, v4, vm0, $0xb8;
	[tilespmem:$0x10100] =	vst v63  }
0x2c: {  	_ = 	snop  }
0x2d: {  	[tilespmem:s28], [sflag:$0x1] =	stream.indirect_vreg.gather [hbm4b:s3+s2], $0x80, v3, vm0, $0xb8;
	[tilespmem:$0x10100] =	vst v63  }
0x2e: {  	_ = 	snop  }
0x2f: {  	[tilespmem:s29], [sflag:$0x1] =	stream.indirect_vreg.gather [hbm4b:s4+s2], $0x80, v3, vm0, $0xb8;
	[tilespmem:$0x10100] =	vst v63  }
0x30: {  	_ = 	snop  }
0x31: {  	[tilespmem:s30], [sflag:$0x1] =	stream.indirect_vreg.gather [hbm4b:s5+s2], $0x80, v3, vm0, $0xb8;
	[tilespmem:$0x10100] =	vst v63  }
0x32: {  	_ = 	snop  }
0x33: {  	[tilespmem:s31], [sflag:$0x1] =	stream.indirect_vreg.gather [hbm4b:s6+s2], $0x80, v3, vm0, $0xb8;
	[tilespmem:$0x10100] =	vst v63  }
0x34: {  	v3 =	vld [tilespmem:$0x10];
	_ =	sdelay $0x4  }
0x35: {  	v57 =	vshll.u32 v3, $0x3  }
0x36: {  	v3 =	vand.u32 $0x7, v3;
	v4 =	vand.u32 $0xFFFFFFC0, v57  }
0x37: {  	v3 =	vor.u32 v3, v4  }
0x38: {  	v4 =	vperm.xlane v3, v0;
	_ =	sdelay $0x1  }
0x39: {  	v4 =	vadd.s32 v1, v4;
	_ =	sdelay $0x3  }
0x3a: {  	s0 =	simm.s32 $0x4100  }
0x3b: {  	[tilespmem:s0], [sflag:$0x1] =	stream.indirect_vreg.gather [hbm4b:s3+s2], $0x80, v4, vm0, $0xb8;
	[tilespmem:$0x10100] =	vst v63  }
0x3c: {  	v3 =	vperm.xlane v3, v2  }
0x3d: {  	[tilespmem:s1], [sflag:$0x1] =	stream.indirect_vreg.gather [hbm4b:s4+s2], $0x80, v4, vm0, $0xb8;
	[tilespmem:$0x10100] =	vst v63  }
0x3e: {  	v3 =	vadd.s32 v1, v3  }
0x3f: {  	[tilespmem:s10], [sflag:$0x1] =	stream.indirect_vreg.gather [hbm4b:s5+s2], $0x80, v4, vm0, $0xb8;
	[tilespmem:$0x10100] =	vst v63  }
0x40: {  	_ = 	snop  }
0x41: {  	[tilespmem:s11], [sflag:$0x1] =	stream.indirect_vreg.gather [hbm4b:s6+s2], $0x80, v4, vm0, $0xb8;
	[tilespmem:$0x10100] =	vst v63  }
0x42: {  	_ = 	snop  }
0x43: {  	[tilespmem:s12], [sflag:$0x1] =	stream.indirect_vreg.gather [hbm4b:s3+s2], $0x80, v3, vm0, $0xb8;
	[tilespmem:$0x10100] =	vst v63  }
0x44: {  	_ = 	snop  }
0x45: {  	[tilespmem:s13], [sflag:$0x1] =	stream.indirect_vreg.gather [hbm4b:s4+s2], $0x80, v3, vm0, $0xb8;
	[tilespmem:$0x10100] =	vst v63  }
0x46: {  	_ = 	snop  }
0x47: {  	[tilespmem:s14], [sflag:$0x1] =	stream.indirect_vreg.gather [hbm4b:s5+s2], $0x80, v3, vm0, $0xb8;
	[tilespmem:$0x10100] =	vst v63  }
0x48: {  	_ = 	snop  }
0x49: {  	[tilespmem:s15], [sflag:$0x1] =	stream.indirect_vreg.gather [hbm4b:s6+s2], $0x80, v3, vm0, $0xb8;
	[tilespmem:$0x10100] =	vst v63  }
0x4a: {  	v3 =	vld [tilespmem:$0x20];
	_ =	sdelay $0x4  }
0x4b: {  	v58 =	vshll.u32 v3, $0x3  }
0x4c: {  	v3 =	vand.u32 $0x7, v3;
	v4 =	vand.u32 $0xFFFFFFC0, v58  }
0x4d: {  	v3 =	vor.u32 v3, v4  }
0x4e: {  	v4 =	vperm.xlane v3, v0;
	_ =	sdelay $0x1  }
0x4f: {  	v4 =	vadd.s32 v1, v4;
	_ =	sdelay $0x4  }
0x50: {  	[tilespmem:s8], [sflag:$0x2] =	stream.indirect_vreg.gather [hbm4b:s3+s2], $0x80, v4, vm0, $0xb8;
	[tilespmem:$0x10100] =	vst v63  }
0x51: {  	v3 =	vperm.xlane v3, v2  }
0x52: {  	[tilespmem:s16], [sflag:$0x2] =	stream.indirect_vreg.gather [hbm4b:s4+s2], $0x80, v4, vm0, $0xb8;
	[tilespmem:$0x10100] =	vst v63  }
0x53: {  	v3 =	vadd.s32 v1, v3  }
0x54: {  	[tilespmem:s17], [sflag:$0x2] =	stream.indirect_vreg.gather [hbm4b:s5+s2], $0x80, v4, vm0, $0xb8;
	[tilespmem:$0x10100] =	vst v63  }
0x55: {  	_ = 	snop  }
0x56: {  	[tilespmem:s9], [sflag:$0x2] =	stream.indirect_vreg.gather [hbm4b:s6+s2], $0x80, v4, vm0, $0xb8;
	[tilespmem:$0x10100] =	vst v63  }
0x57: {  	s22 =	simm.s32 $0xA100  }
0x58: {  	[tilespmem:s22], [sflag:$0x2] =	stream.indirect_vreg.gather [hbm4b:s3+s2], $0x80, v3, vm0, $0xb8;
	[tilespmem:$0x10100] =	vst v63  }
0x59: {  	s22 =	simm.s32 $0xA900  }
0x5a: {  	[tilespmem:s22], [sflag:$0x2] =	stream.indirect_vreg.gather [hbm4b:s4+s2], $0x80, v3, vm0, $0xb8;
	[tilespmem:$0x10100] =	vst v63  }
0x5b: {  	s22 =	simm.s32 $0xB100  }
0x5c: {  	[tilespmem:s22], [sflag:$0x2] =	stream.indirect_vreg.gather [hbm4b:s5+s2], $0x80, v3, vm0, $0xb8;
	[tilespmem:$0x10100] =	vst v63  }
0x5d: {  	s22 =	simm.s32 $0xB900  }
0x5e: {  	[tilespmem:s22], [sflag:$0x2] =	stream.indirect_vreg.gather [hbm4b:s6+s2], $0x80, v3, vm0, $0xb8;
	[tilespmem:$0x10100] =	vst v63  }
0x5f: {  	v3 =	vld [tilespmem:$0x30];
	_ =	sdelay $0x4  }
0x60: {  	v59 =	vshll.u32 v3, $0x3  }
0x61: {  	v3 =	vand.u32 $0x7, v3;
	v4 =	vand.u32 $0xFFFFFFC0, v59  }
0x62: {  	v3 =	vor.u32 v3, v4  }
0x63: {  	v4 =	vperm.xlane v3, v0;
	_ =	sdelay $0x1  }
0x64: {  	v4 =	vadd.s32 v1, v4;
	_ =	sdelay $0x3  }
0x65: {  	s22 =	simm.s32 $0xC100  }
0x66: {  	[tilespmem:s22], [sflag:$0x2] =	stream.indirect_vreg.gather [hbm4b:s3+s2], $0x80, v4, vm0, $0xb8;
	[tilespmem:$0x10100] =	vst v63  }
0x67: {  	v3 =	vperm.xlane v3, v2;
	s22 =	simm.s32 $0xC900  }
0x68: {  	[tilespmem:s22], [sflag:$0x2] =	stream.indirect_vreg.gather [hbm4b:s4+s2], $0x80, v4, vm0, $0xb8;
	[tilespmem:$0x10100] =	vst v63  }
0x69: {  	v3 =	vadd.s32 v1, v3;
	s22 =	simm.s32 $0xD100  }
0x6a: {  	[tilespmem:s22], [sflag:$0x2] =	stream.indirect_vreg.gather [hbm4b:s5+s2], $0x80, v4, vm0, $0xb8;
	[tilespmem:$0x10100] =	vst v63  }
0x6b: {  	s22 =	simm.s32 $0xD900  }
0x6c: {  	[tilespmem:s22], [sflag:$0x2] =	stream.indirect_vreg.gather [hbm4b:s6+s2], $0x80, v4, vm0, $0xb8;
	[tilespmem:$0x10100] =	vst v63  }
0x6d: {  	s22 =	simm.s32 $0xE100  }
0x6e: {  	[tilespmem:s22], [sflag:$0x2] =	stream.indirect_vreg.gather [hbm4b:s3+s2], $0x80, v3, vm0, $0xb8;
	[tilespmem:$0x10100] =	vst v63  }
0x6f: {  	s22 =	simm.s32 $0xE900  }
0x70: {  	[tilespmem:s22], [sflag:$0x2] =	stream.indirect_vreg.gather [hbm4b:s4+s2], $0x80, v3, vm0, $0xb8;
	[tilespmem:$0x10100] =	vst v63  }
0x71: {  	s22 =	simm.s32 $0xF100  }
0x72: {  	[tilespmem:s22], [sflag:$0x2] =	stream.indirect_vreg.gather [hbm4b:s5+s2], $0x80, v3, vm0, $0xb8;
	[tilespmem:$0x10100] =	vst v63  }
0x73: {  	s22 =	simm.s32 $0xF900  }
0x74: {  	[tilespmem:s22], [sflag:$0x2] =	stream.indirect_vreg.gather [hbm4b:s6+s2], $0x80, v3, vm0, $0xb8;
	[tilespmem:$0x10100] =	vst v63  }
0x75: {  	_ =	swait.ge [sflag:s18], $0x8000  }
0x76: {  	[sflag:s18] =	ssyncset.done $0x0  }
0x77: {  	s22 =	rddreg [dreg:$0x4];
	[sflag:s18] =	ssyncadd.s32 $0xFFFF8000  }
0x78: {  	[hbm4b:s22+s2] =	stream.linear.scatter [tilespmem:s25], [sflag:$0x3], $0x8000, $0x38;
	[tilespmem:$0x10100] =	vst v63  }
0x79: {  	_ =	swait.ge [sflag:s19], $0x8000  }
0x7a: {  	[sflag:s19] =	ssyncset.done $0x0  }
0x7b: {  	s22 =	rddreg [dreg:$0x5];
	[sflag:s19] =	ssyncadd.s32 $0xFFFF8000  }
0x7c: {  	[hbm4b:s22+s2] =	stream.linear.scatter [tilespmem:s8], [sflag:$0x4], $0x8000, $0x38;
	[tilespmem:$0x10100] =	vst v63  }
0x7d: {  	_ =	swait.ge [sflag:s20], $0x8000  }
0x7e: {  	[sflag:s20] =	ssyncset.done $0x0  }
0x7f: {  	[sflag:s20] =	ssyncadd.s32 $0xFFFF8000  }
0x80: {  	v3 =	vld [tilespmem:$0x80];
	_ =	sdelay $0x4  }
0x81: {  	v60 =	vshll.u32 v3, $0x3  }
0x82: {  	v3 =	vand.u32 $0x7, v3;
	v4 =	vand.u32 $0xFFFFFFC0, v60  }
0x83: {  	v3 =	vor.u32 v3, v4  }
0x84: {  	v4 =	vperm.xlane v3, v0;
	_ =	sdelay $0x1  }
0x85: {  	v4 =	vadd.s32 v1, v4;
	_ =	sdelay $0x4  }
0x86: {  	[tilespmem:s25], [sflag:$0x1] =	stream.indirect_vreg.gather [hbm4b:s3+s2], $0x80, v4, vm0, $0xb8;
	[tilespmem:$0x10100] =	vst v63  }
0x87: {  	v3 =	vperm.xlane v3, v2  }
0x88: {  	[tilespmem:s23], [sflag:$0x1] =	stream.indirect_vreg.gather [hbm4b:s4+s2], $0x80, v4, vm0, $0xb8;
	[tilespmem:$0x10100] =	vst v63  }
0x89: {  	v3 =	vadd.s32 v1, v3  }
0x8a: {  	[tilespmem:s24], [sflag:$0x1] =	stream.indirect_vreg.gather [hbm4b:s5+s2], $0x80, v4, vm0, $0xb8;
	[tilespmem:$0x10100] =	vst v63  }
0x8b: {  	_ = 	snop  }
0x8c: {  	[tilespmem:s26], [sflag:$0x1] =	stream.indirect_vreg.gather [hbm4b:s6+s2], $0x80, v4, vm0, $0xb8;
	[tilespmem:$0x10100] =	vst v63  }
0x8d: {  	_ = 	snop  }
0x8e: {  	[tilespmem:s28], [sflag:$0x1] =	stream.indirect_vreg.gather [hbm4b:s3+s2], $0x80, v3, vm0, $0xb8;
	[tilespmem:$0x10100] =	vst v63  }
0x8f: {  	_ = 	snop  }
0x90: {  	[tilespmem:s29], [sflag:$0x1] =	stream.indirect_vreg.gather [hbm4b:s4+s2], $0x80, v3, vm0, $0xb8;
	[tilespmem:$0x10100] =	vst v63  }
0x91: {  	_ = 	snop  }
0x92: {  	[tilespmem:s30], [sflag:$0x1] =	stream.indirect_vreg.gather [hbm4b:s5+s2], $0x80, v3, vm0, $0xb8;
	[tilespmem:$0x10100] =	vst v63  }
0x93: {  	_ = 	snop  }
0x94: {  	[tilespmem:s31], [sflag:$0x1] =	stream.indirect_vreg.gather [hbm4b:s6+s2], $0x80, v3, vm0, $0xb8;
	[tilespmem:$0x10100] =	vst v63  }
0x95: {  	v3 =	vld [tilespmem:$0x90];
	_ =	sdelay $0x4  }
0x96: {  	v61 =	vshll.u32 v3, $0x3  }
0x97: {  	v3 =	vand.u32 $0x7, v3;
	v4 =	vand.u32 $0xFFFFFFC0, v61  }
0x98: {  	v3 =	vor.u32 v3, v4  }
0x99: {  	v4 =	vperm.xlane v3, v0;
	_ =	sdelay $0x1  }
0x9a: {  	v4 =	vadd.s32 v1, v4;
	_ =	sdelay $0x4  }
0x9b: {  	[tilespmem:s0], [sflag:$0x1] =	stream.indirect_vreg.gather [hbm4b:s3+s2], $0x80, v4, vm0, $0xb8;
	[tilespmem:$0x10100] =	vst v63  }
0x9c: {  	v3 =	vperm.xlane v3, v2  }
0x9d: {  	[tilespmem:s1], [sflag:$0x1] =	stream.indirect_vreg.gather [hbm4b:s4+s2], $0x80, v4, vm0, $0xb8;
	[tilespmem:$0x10100] =	vst v63  }
0x9e: {  	v3 =	vadd.s32 v1, v3  }
0x9f: {  	[tilespmem:s10], [sflag:$0x1] =	stream.indirect_vreg.gather [hbm4b:s5+s2], $0x80, v4, vm0, $0xb8;
	[tilespmem:$0x10100] =	vst v63  }
0xa0: {  	_ = 	snop  }
0xa1: {  	[tilespmem:s11], [sflag:$0x1] =	stream.indirect_vreg.gather [hbm4b:s6+s2], $0x80, v4, vm0, $0xb8;
	[tilespmem:$0x10100] =	vst v63  }
0xa2: {  	_ = 	snop  }
0xa3: {  	[tilespmem:s12], [sflag:$0x1] =	stream.indirect_vreg.gather [hbm4b:s3+s2], $0x80, v3, vm0, $0xb8;
	[tilespmem:$0x10100] =	vst v63  }
0xa4: {  	_ = 	snop  }
0xa5: {  	[tilespmem:s13], [sflag:$0x1] =	stream.indirect_vreg.gather [hbm4b:s4+s2], $0x80, v3, vm0, $0xb8;
	[tilespmem:$0x10100] =	vst v63  }
0xa6: {  	_ = 	snop  }
0xa7: {  	[tilespmem:s14], [sflag:$0x1] =	stream.indirect_vreg.gather [hbm4b:s5+s2], $0x80, v3, vm0, $0xb8;
	[tilespmem:$0x10100] =	vst v63  }
0xa8: {  	_ = 	snop  }
0xa9: {  	[tilespmem:s15], [sflag:$0x1] =	stream.indirect_vreg.gather [hbm4b:s6+s2], $0x80, v3, vm0, $0xb8;
	[tilespmem:$0x10100] =	vst v63  }
0xaa: {  	_ =	swait.ge [sflag:s21], $0x8000  }
0xab: {  	[sflag:s21] =	ssyncset.done $0x0  }
0xac: {  	[sflag:s21] =	ssyncadd.s32 $0xFFFF8000  }
0xad: {  	v3 =	vld [tilespmem:$0xA0];
	_ =	sdelay $0x4  }
0xae: {  	v62 =	vshll.u32 v3, $0x3  }
0xaf: {  	v3 =	vand.u32 $0x7, v3;
	v4 =	vand.u32 $0xFFFFFFC0, v62  }
0xb0: {  	v3 =	vor.u32 v3, v4  }
0xb1: {  	v4 =	vperm.xlane v3, v0;
	_ =	sdelay $0x1  }
0xb2: {  	v4 =	vadd.s32 v1, v4;
	_ =	sdelay $0x4  }
0xb3: {  	[tilespmem:s8], [sflag:$0x2] =	stream.indirect_vreg.gather [hbm4b:s3+s2], $0x80, v4, vm0, $0xb8;
	[tilespmem:$0x10100] =	vst v63  }
0xb4: {  	v3 =	vperm.xlane v3, v2  }
0xb5: {  	[tilespmem:s16], [sflag:$0x2] =	stream.indirect_vreg.gather [hbm4b:s4+s2], $0x80, v4, vm0, $0xb8;
	[tilespmem:$0x10100] =	vst v63  }
0xb6: {  	v3 =	vadd.s32 v1, v3  }
0xb7: {  	[tilespmem:s17], [sflag:$0x2] =	stream.indirect_vreg.gather [hbm4b:s5+s2], $0x80, v4, vm0, $0xb8;
	[tilespmem:$0x10100] =	vst v63  }
0xb8: {  	_ = 	snop  }
0xb9: {  	[tilespmem:s9], [sflag:$0x2] =	stream.indirect_vreg.gather [hbm4b:s6+s2], $0x80, v4, vm0, $0xb8;
	[tilespmem:$0x10100] =	vst v63  }
0xba: {  	s22 =	simm.s32 $0xA100  }
0xbb: {  	[tilespmem:s22], [sflag:$0x2] =	stream.indirect_vreg.gather [hbm4b:s3+s2], $0x80, v3, vm0, $0xb8;
	[tilespmem:$0x10100] =	vst v63  }
0xbc: {  	s23 =	simm.s32 $0xA900  }
0xbd: {  	[tilespmem:s23], [sflag:$0x2] =	stream.indirect_vreg.gather [hbm4b:s4+s2], $0x80, v3, vm0, $0xb8;
	[tilespmem:$0x10100] =	vst v63  }
0xbe: {  	s22 =	simm.s32 $0xB100  }
0xbf: {  	[tilespmem:s22], [sflag:$0x2] =	stream.indirect_vreg.gather [hbm4b:s5+s2], $0x80, v3, vm0, $0xb8;
	[tilespmem:$0x10100] =	vst v63  }
0xc0: {  	s23 =	simm.s32 $0xB900  }
0xc1: {  	[tilespmem:s23], [sflag:$0x2] =	stream.indirect_vreg.gather [hbm4b:s6+s2], $0x80, v3, vm0, $0xb8;
	[tilespmem:$0x10100] =	vst v63  }
0xc2: {  	v3 =	vld [tilespmem:$0xB0];
	_ =	sdelay $0x4  }
0xc3: {  	v63 =	vshll.u32 v3, $0x3  }
0xc4: {  	v3 =	vand.u32 $0x7, v3;
	v4 =	vand.u32 $0xFFFFFFC0, v63  }
0xc5: {  	v3 =	vor.u32 v3, v4  }
0xc6: {  	v4 =	vperm.xlane v3, v0;
	_ =	sdelay $0x1  }
0xc7: {  	v4 =	vadd.s32 v1, v4;
	_ =	sdelay $0x3  }
0xc8: {  	s22 =	simm.s32 $0xC100  }
0xc9: {  	[tilespmem:s22], [sflag:$0x2] =	stream.indirect_vreg.gather [hbm4b:s3+s2], $0x80, v4, vm0, $0xb8;
	[tilespmem:$0x10100] =	vst v63  }
0xca: {  	s23 =	simm.s32 $0xC900;
	v3 =	vperm.xlane v3, v2  }
0xcb: {  	[tilespmem:s23], [sflag:$0x2] =	stream.indirect_vreg.gather [hbm4b:s4+s2], $0x80, v4, vm0, $0xb8;
	[tilespmem:$0x10100] =	vst v63  }
0xcc: {  	v3 =	vadd.s32 v1, v3;
	s22 =	simm.s32 $0xD100  }
0xcd: {  	[tilespmem:s22], [sflag:$0x2] =	stream.indirect_vreg.gather [hbm4b:s5+s2], $0x80, v4, vm0, $0xb8;
	[tilespmem:$0x10100] =	vst v63  }
0xce: {  	s23 =	simm.s32 $0xD900  }
0xcf: {  	[tilespmem:s23], [sflag:$0x2] =	stream.indirect_vreg.gather [hbm4b:s6+s2], $0x80, v4, vm0, $0xb8;
	[tilespmem:$0x10100] =	vst v63  }
0xd0: {  	s22 =	simm.s32 $0xE100  }
0xd1: {  	[tilespmem:s22], [sflag:$0x2] =	stream.indirect_vreg.gather [hbm4b:s3+s2], $0x80, v3, vm0, $0xb8;
	[tilespmem:$0x10100] =	vst v63  }
0xd2: {  	s23 =	simm.s32 $0xE900  }
0xd3: {  	[tilespmem:s23], [sflag:$0x2] =	stream.indirect_vreg.gather [hbm4b:s4+s2], $0x80, v3, vm0, $0xb8;
	[tilespmem:$0x10100] =	vst v63  }
0xd4: {  	s22 =	simm.s32 $0xF100  }
0xd5: {  	[tilespmem:s22], [sflag:$0x2] =	stream.indirect_vreg.gather [hbm4b:s5+s2], $0x80, v3, vm0, $0xb8;
	[tilespmem:$0x10100] =	vst v63  }
0xd6: {  	s23 =	simm.s32 $0xF900  }
0xd7: {  	[tilespmem:s23], [sflag:$0x2] =	stream.indirect_vreg.gather [hbm4b:s6+s2], $0x80, v3, vm0, $0xb8;
	[tilespmem:$0x10100] =	vst v63  }
0xd8: {  	_ =	swait.ge [sflag:s18], $0x8000  }
0xd9: {  	[sflag:s18] =	ssyncset.done $0x0  }
0xda: {  	s0 =	rddreg [dreg:$0x6];
	[sflag:s18] =	ssyncadd.s32 $0xFFFF8000  }
0xdb: {  	[hbm4b:s0+s2] =	stream.linear.scatter [tilespmem:s25], [sflag:$0x3], $0x8000, $0x38;
	[tilespmem:$0x10100] =	vst v63  }
0xdc: {  	_ =	swait.ge [sflag:s19], $0x8000  }
0xdd: {  	[sflag:s19] =	ssyncset.done $0x0  }
0xde: {  	s23 =	rddreg [dreg:$0x7];
	[sflag:s19] =	ssyncadd.s32 $0xFFFF8000  }
0xdf: {  	[hbm4b:s23+s2] =	stream.linear.scatter [tilespmem:s8], [sflag:$0x4], $0x8000, $0x38;
	[tilespmem:$0x10100] =	vst v63  }
0xe0: {  	p0 =	sne.s32 s7, $0x1;
	_ =	swait.ge [sflag:s20], $0x8000  }
.Ltmp0:
0xe1: {  	[sflag:s20] =	ssyncset.done $0x0;
	(pc) =	sbr.rel @p0 .LBB2_1-.Ltmp0, $4  }
0xe2: {  	[sflag:s20] =	ssyncadd.s32 $0xFFFF8000  }
0xe3: {  	_ =	swait.ge [sflag:s21], $0x8000  }
0xe4: {  	[sflag:s21] =	ssyncset.done $0x0  }
0xe5: {  	s7 =	sadd.s32 $0xFFFFFFFF, s7;
	[sflag:s21] =	ssyncadd.s32 $0xFFFF8000  }
0xe6: {  	_ =	sfence.sel $0x180000  }
0xe7: {  	[bflag:$0x0] =	sbarrier.arrive $0xFFFF  }
0xe8: {  	_ =	strace $0x9000004D  }
0xe9: {  	s0 =	stileid.u32;
	[bflag:$0x2] =	sbarrier.arrive $0xFFFF  }
0xea: {  	p0 =	sne.s32 s0, $0x0;
	s0 =	rddreg [dreg:$0x1]  }
0xeb: {  	s0 =	sadd.s32 @!p0 $0x100000, s0  }
0xec: {  	[sflag:s0] =	ssyncadd.tile.s32 @!p0 $0x1;
	_ =	shalt  }
.Lfunc_end2:
_tile_overlayer_lowered:
.L_overlay_start_2:
0xed: {  	(tag) =	ssettag $0x2  }
0xee: {  	s0 =	rddreg [dreg:$0x0];
	s2 =	stileid.u32  }
0xef: {  	s1 =	rddreg [dreg:$0x1];
	p0 =	sne.s32 s2, $0x0  }
0xf0: {  	s3 =	rddreg [dreg:$0x2];
	[bflag:$0x3] =	sbarrier.arrive $0xFFFF;
	s2 =	simm.s32 @!p0 $0x1C05  }
0xf1: {  	[timem:s3], [sflag:s2] =	dma.local @!p0 [hbm:s0], s1  }
0xf2: {  	s0 =	simm.s32 @!p0 $0x5  }
0xf3: {  	_ =	swait.ge @!p0 [sflag:s0], s1  }
0xf4: {  	s1 =	ssub.s32 @!p0 $0x0, s1;
	[sflag:s0] =	ssyncset.done @!p0 $0x0  }
0xf5: {  	[sflag:s0] =	ssyncadd.s32 @!p0 s1  }
0xf6: {  	[bflag:$0x3] =	sbarrier.arrive $0xFFFF  }
0xf7: {  	_ =	shalt  }

// kernel: kernel.25.cloned.1.call-start
scs
__scs_entry_jumppad:
0x0: {  	(pc) =	sbr.rel $0x88, $3  }
0x1: {  	(tag) =	ssettag $0x0;
	lr =	simm.s32 $0x1  }
0x2: {  	[smem:$0x3F8E] =	sst lr;
	_ =	strace $0xD0000000  }
0x3: {  	_ = 	snop  }
0x4: {  	_ = 	snop  }
0x5: {  	_ = 	snop  }
0x6: {  	_ = 	snop  }
0x7: {  	_ = 	snop  }
__scs_overlays_trampoline_lowered:
0x8: {  	[smem:$0x3F9D] =	sst s0  }
0x9: {  	[smem:$0x3F9E] =	sst s1  }
0xa: {  	[smem:$0x3F9F] =	sst s2  }
0xb: {  	[smem:$0x3FA0] =	sst s3  }
0xc: {  	[smem:$0x3FA1] =	sst s4  }
0xd: {  	[smem:$0x3FA2] =	sst s5  }
0xe: {  	[smem:$0x3FA3] =	sst s6  }
0xf: {  	[smem:$0x3FA4] =	sst s7  }
0x10: {  	[smem:$0x3FA5] =	sst s8  }
0x11: {  	[smem:$0x3FA6] =	sst s9;
	s0 =	simm.s32 @!p0 $0x0  }
0x12: {  	s1 =	sld [smem:$0x3F8C];
	s0 =	simm.s32 @p0 $0x1  }
0x13: {  	[smem:$0x3FA7] =	sst s0;
	s0 =	simm.s32 @!p1 $0x0  }
0x14: {  	s2 =	sld [smem:$0x3F8B];
	s0 =	simm.s32 @p1 $0x1  }
0x15: {  	[smem:$0x3FA8] =	sst s0;
	s0 =	simm.s32 @!p2 $0x0  }
0x16: {  	s3 =	sld [smem:$0x3FDB];
	s0 =	simm.s32 @p2 $0x1  }
0x17: {  	s4 =	simm.s32 $0x1BF5;
	[smem:$0x3FAA] =	sst s0  }
0x18: {  	s0 =	sld [smem:$0x3F8D];
	_ =	swait.ge [sflag:s4], $0x0  }
0x19: {  	s7 =	sld [smem:$0x3F8E]  }
0x1a: {  	s8 =	sadd.s32 $0xFFFFE003, lr  }
0x1b: {  	s9 =	sadd.s32 $0xFFFFFEF7, lr;
	s5 =	simm.s32 $0xFFFFFFFF;
	p2 =	slt.u32 s8, $0xFFFFF086  }
0x1c: {  	p1 =	slt.u32 s9, $0xF7A;
	s5 =	simm.s32 @!p2 $0x0  }
0x1d: {  	s5 =	simm.s32 @p1 $0x1;
	p0 =	seq.s32 s7, s2  }
0x1e: {  	s7 =	smul.u32 @!p0 $0xF7A, s2;
	p2 =	seq.s32 @!p0 s5, $0x0  }
0x1f: {  	s9 =	smul.u32 $0xF7A, s1;
	s8 =	simm.s32 @!p0 $0x1BF5;
	p2 =	por !p2, p0  }
0x20: {  	[sflag:s8] =	ssyncset.s32 @!p0 $0xFFFFF086;
	s6 =	sadd.s32 @!p0 s3, s7;
	s7 =	simm.s32 @!p0 $0x108  }
0x21: {  	s3 =	sadd.s32 s3, s9;
	s6 =	sadd.s32 @!p0 $0x88, s6;
	s7 =	simm.s32 @p2 $0x1082  }
0x22: {  	[simem:s7], [sflag:s8] =	dma.local @!p0 [hbm:s6], $0xF7A  }
0x23: {  	s9 =	sor.u32 $0xD0000000, s2;
	s6 =	simm.s32 $0x108;
	_ =	swait.ge @!p0 [sflag:s8], $0x0  }
0x24: {  	s3 =	sadd.s32 $0x88, s3;
	s6 =	simm.s32 @!p1 $0x1082;
	[sflag:s4] =	ssyncset.s32 $0xFFFFF086  }
0x25: {  	[simem:s6], [sflag:s4] =	dma.local [hbm:s3], $0xF7A  }
0x26: {  	[smem:$0x3F8E] =	sst s1;
	(tag) =	ssettag s2;
	_ =	strace s9  }
0x27: {  	s1 =	sld [smem:$0x3F9E]  }
0x28: {  	s2 =	sld [smem:$0x3F9F]  }
0x29: {  	s4 =	sld [smem:$0x3FA1]  }
0x2a: {  	p0 =	seq.s32 s5, $0x0;
	s5 =	sld [smem:$0x3FA2]  }
0x2b: {  	s6 =	sld [smem:$0x3FA3]  }
0x2c: {  	s7 =	sld [smem:$0x3FA4]  }
0x2d: {  	s3 =	simm.s32 $0x108;
	s8 =	sld [smem:$0x3FA5]  }
0x2e: {  	s3 =	simm.s32 @!p0 $0x1082;
	s9 =	sld [smem:$0x3FA6]  }
0x2f: {  	lr =	sadd.s32 s0, s3;
	s0 =	sld [smem:$0x3F9D]  }
0x30: {  	s3 =	sld [smem:$0x3FA0]  }
0x31: {  	[smem:$0x3FA9] =	sst s10  }
0x32: {  	s10 =	sld [smem:$0x3FA7];
	_ =	sdelay $0x3  }
0x33: {  	p0 =	seq.s32 s10, $0x1;
	s10 =	sld [smem:$0x3FA9];
	_ =	sdelay $0x3  }
0x34: {  	[smem:$0x3FA9] =	sst s10  }
0x35: {  	s10 =	sld [smem:$0x3FA8];
	_ =	sdelay $0x3  }
0x36: {  	p1 =	seq.s32 s10, $0x1;
	s10 =	sld [smem:$0x3FA9];
	_ =	sdelay $0x3  }
0x37: {  	[smem:$0x3FA9] =	sst s10  }
0x38: {  	s10 =	sld [smem:$0x3FAA]  }
0x39: {  	_ = 	snop;
	(pc) =	sbr.ind lr, $3  }
0x3a: {  	_ = 	snop  }
0x3b: {  	_ = 	snop  }
0x3c: {  	p2 =	seq.s32 s10, $0x1;
	s10 =	sld [smem:$0x3FA9]  }
0x3d: {  	_ =	shalt  }
0x3e: {  	_ =	shalt  }
0x3f: {  	_ =	shalt  }
0x40: {  	_ =	shalt  }
0x41: {  	_ =	shalt  }
0x42: {  	_ =	shalt  }
0x43: {  	_ =	shalt  }
0x44: {  	_ =	shalt  }
0x45: {  	_ =	shalt  }
0x46: {  	_ =	shalt  }
0x47: {  	_ =	shalt  }
0x48: {  	_ =	shalt  }
0x49: {  	_ =	shalt  }
0x4a: {  	_ =	shalt  }
0x4b: {  	_ =	shalt  }
0x4c: {  	_ =	shalt  }
0x4d: {  	_ =	shalt  }
0x4e: {  	_ =	shalt  }
0x4f: {  	_ =	shalt  }
0x50: {  	_ =	shalt  }
0x51: {  	_ =	shalt  }
0x52: {  	_ =	shalt  }
0x53: {  	_ =	shalt  }
0x54: {  	_ =	shalt  }
0x55: {  	_ =	shalt  }
0x56: {  	_ =	shalt  }
0x57: {  	_ =	shalt  }
0x58: {  	_ =	shalt  }
0x59: {  	_ =	shalt  }
0x5a: {  	_ =	shalt  }
0x5b: {  	_ =	shalt  }
0x5c: {  	_ =	shalt  }
0x5d: {  	_ =	shalt  }
0x5e: {  	_ =	shalt  }
0x5f: {  	_ =	shalt  }
0x60: {  	_ =	shalt  }
0x61: {  	_ =	shalt  }
0x62: {  	_ =	shalt  }
0x63: {  	_ =	shalt  }
0x64: {  	_ =	shalt  }
0x65: {  	_ =	shalt  }
0x66: {  	_ =	shalt  }
0x67: {  	_ =	shalt  }
0x68: {  	_ =	shalt  }
0x69: {  	_ =	shalt  }
0x6a: {  	_ =	shalt  }
0x6b: {  	_ =	shalt  }
0x6c: {  	_ =	shalt  }
0x6d: {  	_ =	shalt  }
0x6e: {  	_ =	shalt  }
0x6f: {  	_ =	shalt  }
0x70: {  	_ =	shalt  }
0x71: {  	_ =	shalt  }
0x72: {  	_ =	shalt  }
0x73: {  	_ =	shalt  }
0x74: {  	_ =	shalt  }
0x75: {  	_ =	shalt  }
0x76: {  	_ =	shalt  }
0x77: {  	_ =	shalt  }
0x78: {  	_ =	shalt  }
0x79: {  	_ =	shalt  }
0x7a: {  	_ =	shalt  }
0x7b: {  	_ =	shalt  }
0x7c: {  	_ =	shalt  }
0x7d: {  	_ =	shalt  }
0x7e: {  	_ =	shalt  }
0x7f: {  	_ =	shalt  }
0x80: {  	_ =	shalt  }
0x81: {  	_ =	shalt  }
0x82: {  	_ =	shalt  }
0x83: {  	_ =	shalt  }
0x84: {  	_ =	shalt  }
0x85: {  	_ =	shalt  }
0x86: {  	_ =	shalt  }
0x87: {  	_ =	shalt  }
.Lfunc_end0:
.L_simem_size_0:
called_computation.3_lowered:
.L_overlay_start_0:
0x88: {  	s2 =	sld [smem:$0x3FD9]  }
0x89: {  	s3 =	sld [smem:$0x3FFE];
	_ =	sdelay $0x1  }
0x8a: {  	s1 =	srdreg.scid  }
0x8b: {  	s0 =	sand.u32 $0x1, s1  }
0x8c: {  	s16 =	sshll.u32 s0, $0xA;
	s2 =	sadd.s32 s3, s2  }
0x8d: {  	s2 =	sadd.s32 s2, s16  }
0x8e: {  	[smem:$0x3FB5] =	sst s2  }
0x8f: {  	_ = 	snop  }
0x90: {  	(tm) =	ssettm $0x1  }
0x91: {  	s17 =	sld [smem:$0x3FFB];
	_ =	sdelay $0x3  }
0x92: {  	_ =	strace s17  }
0x93: {  	s2 =	sld [smem:$0x3FFC];
	_ =	sdelay $0x3  }
0x94: {  	_ =	strace s2  }
0x95: {  	s2 =	sld [smem:$0x3FFD];
	_ =	sdelay $0x3  }
0x96: {  	_ =	strace s2  }
0x97: {  	_ =	strace $0x8FFFFFFF  }
0x98: {  	s18 =	sld [smem:$0x3FDB];
	_ =	sdelay $0x1  }
0x99: {  	s19 =	simm.s32 $_scs_section_size  }
0x9a: {  	s4 =	simm.s32 $_size__tile_overlayer_lowered;
	s5 =	simm.s32 $_tile_overlayer_lowered  }
0x9b: {  	s22 =	simm.s32 $0x1BFF;
	s21 =	sshll.u32 s5, $0x1;
	s2 =	sadd.s32 s19, s18  }
0x9c: {  	s6 =	simm.s32 $0x0;
	s20 =	sshll.u32 s4, $0x1;
	s4 =	sadd.s32 s21, s2  }
0x9d: {  	[timem:s6], [sflag:s22] =	dma.local [hbm:s4], s20  }
0x9e: {  	_ =	swait.ge [sflag:s22], s20  }
0x9f: {  	s3 =	ssub.s32 $0x0, s20;
	[sflag:s22] =	ssyncset.done $0x0  }
0xa0: {  	[sflag:s22] =	ssyncadd.s32 s3;
	_ =	sdelay $0x1  }
0xa1: {  	s23 =	simm.s32 $0x1B8B  }
0xa2: {  	_ =	swait.ge [sflag:s23], $0x1  }
0xa3: {  	[sflag:s23] =	ssyncset.done $0x0  }
0xa4: {  	s25 =	simm.s32 $0x1B8E;
	s24 =	sld [smem:$0x3FFE];
	[sflag:s23] =	ssyncadd.s32 $0xFFFFFFFF  }
0xa5: {  	s26 =	simm.s32 $execute0_lowered;
	[smem:$0x3FD2] =	sst s25  }
0xa6: {  	s4 =	sshll.u32 s26, $0x1;
	_ =	strace $0x8000004F;
	[dreg:$0x1] =	wrdreg $0xFFFFFFFF  }
0xa7: {  	s28 =	simm.s32 $_size_execute0_lowered;
	s2 =	sadd.s32 s2, s4;
	[dreg:$0x0] =	wrdreg $0x0  }
0xa8: {  	s4 =	sshll.u32 s28, $0x1;
	[dreg:$0x2] =	wrdreg s2  }
0xa9: {  	[dreg:$0x3] =	wrdreg s4  }
0xaa: {  	[dreg:$0x4] =	wrdreg $0xC0  }
0xab: {  	_ =	task [dreg:s6], $0x5FFFF  }
0xac: {  	[dreg:$0x1] =	wrdreg $0xFFFFFFFF  }
0xad: {  	[dreg:$0x0] =	wrdreg $0x60  }
0xae: {  	[dreg:$0x2] =	wrdreg s24  }
0xaf: {  	[dreg:$0x3] =	wrdreg $0x9  }
0xb0: {  	_ =	task.clear_ibuf [dreg:s6], $0x4FFFF;
	_ =	strace $0x9000004F  }
0xb1: {  	s29 =	simm.s32 $0x9;
	_ =	strace $0x80000051  }
0xb2: {  	_ =	swait.ge [sflag:s29], $0x1  }
0xb3: {  	[sflag:s29] =	ssyncadd.s32 $0xFFFFFFFF  }
0xb4: {  	_ =	strace $0x90000051  }
0xb5: {  	_ =	sfence  }
0xb6: {  	s30 =	sld [smem:$0x0];
	_ =	sdelay $0x2  }
0xb7: {  	s31 =	sshll.u32 s1, $0xD;
	s1 =	sshrl.u32 s1, $0x2  }
0xb8: {  	s3 =	sand.u32 $0x4000, s31;
	s1 =	sadd.s32 s1, s30  }
0xb9: {  	s0 =	sor.u32 s3, s0;
	s1 =	sshll.u32 s1, $0x11  }
0xba: {  	s0 =	sor.u32 s1, s0  }
0xbb: {  	s0 =	sadd.s32 $0x8F2B, s0  }
0xbc: {  	[sflag:s0] =	ssyncadd.remote.s32 $0x1  }
0xbd: {  	_ =	sfence.sel $0xFFFF  }
0xbe: {  	[dreg:$0x0] =	wrdreg $0xFFFFFFFF;
	(pc) =	sbr.abs _section_cstart, $3  }
0xbf: {  	[dreg:$0x1] =	wrdreg $0xFFFFFFFF  }
0xc0: {  	_ =	task.clear_ibuf [dreg:s6], $0x2FFFF;
	_ =	strace $0x9FFFFFFF  }
0xc1: {  	(tm) =	ssettm $0x7FFFFFFF  }
tec
execute0_lowered:
.L_overlay_start_1:
0x0: {  	(tag) =	ssettag $0x1  }
0x1: {  	s0 =	srdreg.scid  }
0x2: {  	s2 =	stileid.u32;
	s1 =	rddreg [dreg:$0x0]  }
0x3: {  	s26 =	simm.s32 $0x80;
	s9 =	simm.s32 $0x3;
	s18 =	simm.s32 $0x100  }
0x4: {  	s22 =	simm.s32 $0x1900;
	s23 =	simm.s32 $0x2100;
	s28 =	simm.s32 $0x4100  }
0x5: {  	s29 =	simm.s32 $0x4900;
	s30 =	simm.s32 $0x5100;
	s31 =	simm.s32 $0x5900  }
0x6: {  	s10 =	simm.s32 $0x7100;
	s11 =	simm.s32 $0x7900;
	s12 =	simm.s32 $0x8100  }
0x7: {  	s13 =	simm.s32 $0x8900;
	s14 =	simm.s32 $0x9100;
	s15 =	simm.s32 $0x9900  }
0x8: {  	s16 =	simm.s32 $0xA100;
	s17 =	simm.s32 $0xA900;
	s8 =	simm.s32 $0xB100  }
0x9: {  	s0 =	sand.u32 $0x1, s0;
	s3 =	sshll.u32 s2, $0x7;
	s2 =	simm.s32 $0x0  }
0xa: {  	s19 =	simm.s32 $0xB900;
	s4 =	sshll.u32 s0, $0x6;
	[smem:$0x7FF] =	sst s2  }
0xb: {  	s0 =	ssub.s32 $0x2, s0;
	s3 =	sor.u32 s4, s3;
	_ =	strace $0x80000050  }
0xc: {  	s6 =	sshrl.u32 s0, $0x1;
	[dreg:$0x5] =	wrdreg s26;
	s4 =	sshll.u32 s3, $0x7  }
0xd: {  	s26 =	simm.s32 $0x3900;
	s3 =	sshrl.u32 s3, $0x3;
	s4 =	sadd.s32 s4, s1  }
0xe: {  	s0 =	ssub.s32 s0, s6;
	s5 =	sadd.s32 s3, s1;
	s4 =	sadd.s32 $0x331C00, s4  }
0xf: {  	s6 =	sadd.s32 $0x372300, s1;
	s24 =	sadd.s32 $0x371C00, s5;
	[dreg:$0x2] =	wrdreg s4  }
0x10: {  	v2 =	vlaneseq.u32;
	s3 =	sadd.s32 $0x372000, s1;
	s25 =	sadd.s32 $0x371E00, s5;
	[dreg:$0x3] =	wrdreg s24  }
0x11: {  	vm0 =	vmmov $0xffff;
	v1 =	vshrl.u32 v2, $0x3;
	s7 =	smax.u32 s0, $0x1;
	s5 =	sadd.s32 $0x372200, s1;
	[dreg:$0x4] =	wrdreg s25  }
0x12: {  	v0 =	vand.u32 $0x7, v2;
	v2 =	vor.u32 $0x8, v2;
	v1 =	vmul.u32 $0x8, v1;
	s4 =	sadd.s32 $0x372100, s1;
	s24 =	simm.s32 $0x2900;
	s25 =	simm.s32 $0x3100  }
.LBB2_1:
0x13: {  	s20 =	rddreg [dreg:$0x2]  }
0x14: {  	[tilespmem:s18], [sflag:$0x3] =	stream.linear.gather [hbm4b:s20+s2], $0x10000, $0x38;
	[tilespmem:$0x10100] =	vst v63  }
0x15: {  	_ =	swait.ge [sflag:s9], $0x10000  }
0x16: {  	[sflag:s9] =	ssyncset.done $0x0  }
0x17: {  	s0 =	rddreg [dreg:$0x3];
	[sflag:s9] =	ssyncadd.s32 $0xFFFF0000  }
0x18: {  	[tilespmem:s2], [sflag:$0x3] =	stream.linear.gather [hbm4b:s0+s2], $0x40, $0x38;
	[tilespmem:$0x10100] =	vst v63  }
0x19: {  	_ =	swait.ge [sflag:s9], $0x40  }
0x1a: {  	s1 =	rddreg [dreg:$0x4];
	[sflag:s9] =	ssyncset.done $0x0  }
0x1b: {  	s21 =	rddreg [dreg:$0x5];
	[sflag:s9] =	ssyncadd.s32 $0xFFFFFFC0  }
0x1c: {  	[tilespmem:s21], [sflag:$0x3] =	stream.linear.gather [hbm4b:s1+s2], $0x40, $0x38;
	[tilespmem:$0x10100] =	vst v63  }
0x1d: {  	_ =	swait.ge [sflag:s9], $0x40  }
0x1e: {  	[sflag:s9] =	ssyncset.done $0x0  }
0x1f: {  	[sflag:s9] =	ssyncadd.s32 $0xFFFFFFC0  }
0x20: {  	v3 =	vld [tilespmem:$0x0];
	_ =	sdelay $0x4  }
0x21: {  	v4 =	vshll.u32 v3, $0x3  }
0x22: {  	v3 =	vand.u32 $0x7, v3;
	v4 =	vand.u32 $0xFFFFFFC0, v4  }
0x23: {  	v3 =	vor.u32 v3, v4  }
0x24: {  	v4 =	vperm.xlane v3, v0;
	_ =	sdelay $0x1  }
0x25: {  	v4 =	vadd.s32 v1, v4;
	_ =	sdelay $0x4  }
0x26: {  	[hbm4b:s3+s2] =	stream.indirect_vreg.scatter [tilespmem:s18], [sflag:$0x1], $0x80, v4, vm0, $0xb8;
	[tilespmem:$0x10100] =	vst v63  }
0x27: {  	s20 =	simm.s32 $0x900;
	v3 =	vperm.xlane v3, v2  }
0x28: {  	[hbm4b:s4+s2] =	stream.indirect_vreg.scatter [tilespmem:s20], [sflag:$0x1], $0x80, v4, vm0, $0xb8;
	[tilespmem:$0x10100] =	vst v63  }
0x29: {  	s21 =	simm.s32 $0x1100;
	v3 =	vadd.s32 v1, v3  }
0x2a: {  	[hbm4b:s5+s2] =	stream.indirect_vreg.scatter [tilespmem:s21], [sflag:$0x1], $0x80, v4, vm0, $0xb8;
	[tilespmem:$0x10100] =	vst v63  }
0x2b: {  	_ = 	snop  }
0x2c: {  	[hbm4b:s6+s2] =	stream.indirect_vreg.scatter [tilespmem:s22], [sflag:$0x1], $0x80, v4, vm0, $0xb8;
	[tilespmem:$0x10100] =	vst v63  }
0x2d: {  	_ = 	snop  }
0x2e: {  	[hbm4b:s3+s2] =	stream.indirect_vreg.scatter [tilespmem:s23], [sflag:$0x1], $0x80, v3, vm0, $0xb8;
	[tilespmem:$0x10100] =	vst v63  }
0x2f: {  	_ = 	snop  }
0x30: {  	[hbm4b:s4+s2] =	stream.indirect_vreg.scatter [tilespmem:s24], [sflag:$0x1], $0x80, v3, vm0, $0xb8;
	[tilespmem:$0x10100] =	vst v63  }
0x31: {  	_ = 	snop  }
0x32: {  	[hbm4b:s5+s2] =	stream.indirect_vreg.scatter [tilespmem:s25], [sflag:$0x1], $0x80, v3, vm0, $0xb8;
	[tilespmem:$0x10100] =	vst v63  }
0x33: {  	_ = 	snop  }
0x34: {  	[hbm4b:s6+s2] =	stream.indirect_vreg.scatter [tilespmem:s26], [sflag:$0x1], $0x80, v3, vm0, $0xb8;
	[tilespmem:$0x10100] =	vst v63  }
0x35: {  	v3 =	vld [tilespmem:$0x10];
	_ =	sdelay $0x4  }
0x36: {  	v57 =	vshll.u32 v3, $0x3  }
0x37: {  	v3 =	vand.u32 $0x7, v3;
	v4 =	vand.u32 $0xFFFFFFC0, v57  }
0x38: {  	v3 =	vor.u32 v3, v4  }
0x39: {  	v4 =	vperm.xlane v3, v0;
	_ =	sdelay $0x1  }
0x3a: {  	v4 =	vadd.s32 v1, v4;
	_ =	sdelay $0x4  }
0x3b: {  	[hbm4b:s3+s2] =	stream.indirect_vreg.scatter [tilespmem:s28], [sflag:$0x1], $0x80, v4, vm0, $0xb8;
	[tilespmem:$0x10100] =	vst v63  }
0x3c: {  	v3 =	vperm.xlane v3, v2  }
0x3d: {  	[hbm4b:s4+s2] =	stream.indirect_vreg.scatter [tilespmem:s29], [sflag:$0x1], $0x80, v4, vm0, $0xb8;
	[tilespmem:$0x10100] =	vst v63  }
0x3e: {  	v3 =	vadd.s32 v1, v3  }
0x3f: {  	[hbm4b:s5+s2] =	stream.indirect_vreg.scatter [tilespmem:s30], [sflag:$0x1], $0x80, v4, vm0, $0xb8;
	[tilespmem:$0x10100] =	vst v63  }
0x40: {  	_ = 	snop  }
0x41: {  	[hbm4b:s6+s2] =	stream.indirect_vreg.scatter [tilespmem:s31], [sflag:$0x1], $0x80, v4, vm0, $0xb8;
	[tilespmem:$0x10100] =	vst v63  }
0x42: {  	s1 =	simm.s32 $0x6100  }
0x43: {  	[hbm4b:s3+s2] =	stream.indirect_vreg.scatter [tilespmem:s1], [sflag:$0x1], $0x80, v3, vm0, $0xb8;
	[tilespmem:$0x10100] =	vst v63  }
0x44: {  	s0 =	simm.s32 $0x6900  }
0x45: {  	[hbm4b:s4+s2] =	stream.indirect_vreg.scatter [tilespmem:s0], [sflag:$0x1], $0x80, v3, vm0, $0xb8;
	[tilespmem:$0x10100] =	vst v63  }
0x46: {  	_ = 	snop  }
0x47: {  	[hbm4b:s5+s2] =	stream.indirect_vreg.scatter [tilespmem:s10], [sflag:$0x1], $0x80, v3, vm0, $0xb8;
	[tilespmem:$0x10100] =	vst v63  }
0x48: {  	_ = 	snop  }
0x49: {  	[hbm4b:s6+s2] =	stream.indirect_vreg.scatter [tilespmem:s11], [sflag:$0x1], $0x80, v3, vm0, $0xb8;
	[tilespmem:$0x10100] =	vst v63  }
0x4a: {  	v3 =	vld [tilespmem:$0x20];
	_ =	sdelay $0x4  }
0x4b: {  	v58 =	vshll.u32 v3, $0x3  }
0x4c: {  	v3 =	vand.u32 $0x7, v3;
	v4 =	vand.u32 $0xFFFFFFC0, v58  }
0x4d: {  	v3 =	vor.u32 v3, v4  }
0x4e: {  	v4 =	vperm.xlane v3, v0;
	_ =	sdelay $0x1  }
0x4f: {  	v4 =	vadd.s32 v1, v4;
	_ =	sdelay $0x4  }
0x50: {  	[hbm4b:s3+s2] =	stream.indirect_vreg.scatter [tilespmem:s12], [sflag:$0x1], $0x80, v4, vm0, $0xb8;
	[tilespmem:$0x10100] =	vst v63  }
0x51: {  	v3 =	vperm.xlane v3, v2  }
0x52: {  	[hbm4b:s4+s2] =	stream.indirect_vreg.scatter [tilespmem:s13], [sflag:$0x1], $0x80, v4, vm0, $0xb8;
	[tilespmem:$0x10100] =	vst v63  }
0x53: {  	v3 =	vadd.s32 v1, v3  }
0x54: {  	[hbm4b:s5+s2] =	stream.indirect_vreg.scatter [tilespmem:s14], [sflag:$0x1], $0x80, v4, vm0, $0xb8;
	[tilespmem:$0x10100] =	vst v63  }
0x55: {  	_ = 	snop  }
0x56: {  	[hbm4b:s6+s2] =	stream.indirect_vreg.scatter [tilespmem:s15], [sflag:$0x1], $0x80, v4, vm0, $0xb8;
	[tilespmem:$0x10100] =	vst v63  }
0x57: {  	_ = 	snop  }
0x58: {  	[hbm4b:s3+s2] =	stream.indirect_vreg.scatter [tilespmem:s16], [sflag:$0x1], $0x80, v3, vm0, $0xb8;
	[tilespmem:$0x10100] =	vst v63  }
0x59: {  	_ = 	snop  }
0x5a: {  	[hbm4b:s4+s2] =	stream.indirect_vreg.scatter [tilespmem:s17], [sflag:$0x1], $0x80, v3, vm0, $0xb8;
	[tilespmem:$0x10100] =	vst v63  }
0x5b: {  	_ = 	snop  }
0x5c: {  	[hbm4b:s5+s2] =	stream.indirect_vreg.scatter [tilespmem:s8], [sflag:$0x1], $0x80, v3, vm0, $0xb8;
	[tilespmem:$0x10100] =	vst v63  }
0x5d: {  	_ = 	snop  }
0x5e: {  	[hbm4b:s6+s2] =	stream.indirect_vreg.scatter [tilespmem:s19], [sflag:$0x1], $0x80, v3, vm0, $0xb8;
	[tilespmem:$0x10100] =	vst v63  }
0x5f: {  	v3 =	vld [tilespmem:$0x30];
	_ =	sdelay $0x4  }
0x60: {  	v59 =	vshll.u32 v3, $0x3  }
0x61: {  	v3 =	vand.u32 $0x7, v3;
	v4 =	vand.u32 $0xFFFFFFC0, v59  }
0x62: {  	v3 =	vor.u32 v3, v4  }
0x63: {  	v4 =	vperm.xlane v3, v0;
	_ =	sdelay $0x1  }
0x64: {  	v4 =	vadd.s32 v1, v4;
	_ =	sdelay $0x3  }
0x65: {  	s0 =	simm.s32 $0xC100  }
0x66: {  	[hbm4b:s3+s2] =	stream.indirect_vreg.scatter [tilespmem:s0], [sflag:$0x1], $0x80, v4, vm0, $0xb8;
	[tilespmem:$0x10100] =	vst v63  }
0x67: {  	v3 =	vperm.xlane v3, v2;
	s0 =	simm.s32 $0xC900  }
0x68: {  	[hbm4b:s4+s2] =	stream.indirect_vreg.scatter [tilespmem:s0], [sflag:$0x1], $0x80, v4, vm0, $0xb8;
	[tilespmem:$0x10100] =	vst v63  }
0x69: {  	v3 =	vadd.s32 v1, v3;
	s0 =	simm.s32 $0xD100  }
0x6a: {  	[hbm4b:s5+s2] =	stream.indirect_vreg.scatter [tilespmem:s0], [sflag:$0x1], $0x80, v4, vm0, $0xb8;
	[tilespmem:$0x10100] =	vst v63  }
0x6b: {  	s0 =	simm.s32 $0xD900  }
0x6c: {  	[hbm4b:s6+s2] =	stream.indirect_vreg.scatter [tilespmem:s0], [sflag:$0x1], $0x80, v4, vm0, $0xb8;
	[tilespmem:$0x10100] =	vst v63  }
0x6d: {  	s0 =	simm.s32 $0xE100  }
0x6e: {  	[hbm4b:s3+s2] =	stream.indirect_vreg.scatter [tilespmem:s0], [sflag:$0x1], $0x80, v3, vm0, $0xb8;
	[tilespmem:$0x10100] =	vst v63  }
0x6f: {  	s0 =	simm.s32 $0xE900  }
0x70: {  	[hbm4b:s4+s2] =	stream.indirect_vreg.scatter [tilespmem:s0], [sflag:$0x1], $0x80, v3, vm0, $0xb8;
	[tilespmem:$0x10100] =	vst v63  }
0x71: {  	s0 =	simm.s32 $0xF100  }
0x72: {  	[hbm4b:s5+s2] =	stream.indirect_vreg.scatter [tilespmem:s0], [sflag:$0x1], $0x80, v3, vm0, $0xb8;
	[tilespmem:$0x10100] =	vst v63  }
0x73: {  	s0 =	simm.s32 $0xF900  }
0x74: {  	[hbm4b:s6+s2] =	stream.indirect_vreg.scatter [tilespmem:s0], [sflag:$0x1], $0x80, v3, vm0, $0xb8;
	[tilespmem:$0x10100] =	vst v63  }
0x75: {  	v3 =	vld [tilespmem:$0x80];
	_ =	sdelay $0x4  }
0x76: {  	v60 =	vshll.u32 v3, $0x3  }
0x77: {  	v3 =	vand.u32 $0x7, v3;
	v4 =	vand.u32 $0xFFFFFFC0, v60  }
0x78: {  	v3 =	vor.u32 v3, v4  }
0x79: {  	v4 =	vperm.xlane v3, v0;
	_ =	sdelay $0x1  }
0x7a: {  	v4 =	vadd.s32 v1, v4;
	_ =	sdelay $0x4  }
0x7b: {  	[hbm4b:s3+s2] =	stream.indirect_vreg.scatter [tilespmem:s18], [sflag:$0x2], $0x80, v4, vm0, $0xb8;
	[tilespmem:$0x10100] =	vst v63  }
0x7c: {  	v3 =	vperm.xlane v3, v2  }
0x7d: {  	[hbm4b:s4+s2] =	stream.indirect_vreg.scatter [tilespmem:s20], [sflag:$0x2], $0x80, v4, vm0, $0xb8;
	[tilespmem:$0x10100] =	vst v63  }
0x7e: {  	v3 =	vadd.s32 v1, v3  }
0x7f: {  	[hbm4b:s5+s2] =	stream.indirect_vreg.scatter [tilespmem:s21], [sflag:$0x2], $0x80, v4, vm0, $0xb8;
	[tilespmem:$0x10100] =	vst v63  }
0x80: {  	_ = 	snop  }
0x81: {  	[hbm4b:s6+s2] =	stream.indirect_vreg.scatter [tilespmem:s22], [sflag:$0x2], $0x80, v4, vm0, $0xb8;
	[tilespmem:$0x10100] =	vst v63  }
0x82: {  	_ = 	snop  }
0x83: {  	[hbm4b:s3+s2] =	stream.indirect_vreg.scatter [tilespmem:s23], [sflag:$0x2], $0x80, v3, vm0, $0xb8;
	[tilespmem:$0x10100] =	vst v63  }
0x84: {  	_ = 	snop  }
0x85: {  	[hbm4b:s4+s2] =	stream.indirect_vreg.scatter [tilespmem:s24], [sflag:$0x2], $0x80, v3, vm0, $0xb8;
	[tilespmem:$0x10100] =	vst v63  }
0x86: {  	_ = 	snop  }
0x87: {  	[hbm4b:s5+s2] =	stream.indirect_vreg.scatter [tilespmem:s25], [sflag:$0x2], $0x80, v3, vm0, $0xb8;
	[tilespmem:$0x10100] =	vst v63  }
0x88: {  	_ = 	snop  }
0x89: {  	[hbm4b:s6+s2] =	stream.indirect_vreg.scatter [tilespmem:s26], [sflag:$0x2], $0x80, v3, vm0, $0xb8;
	[tilespmem:$0x10100] =	vst v63  }
0x8a: {  	v3 =	vld [tilespmem:$0x90];
	_ =	sdelay $0x4  }
0x8b: {  	v61 =	vshll.u32 v3, $0x3  }
0x8c: {  	v3 =	vand.u32 $0x7, v3;
	v4 =	vand.u32 $0xFFFFFFC0, v61  }
0x8d: {  	v3 =	vor.u32 v3, v4  }
0x8e: {  	v4 =	vperm.xlane v3, v0;
	_ =	sdelay $0x1  }
0x8f: {  	v4 =	vadd.s32 v1, v4;
	_ =	sdelay $0x4  }
0x90: {  	[hbm4b:s3+s2] =	stream.indirect_vreg.scatter [tilespmem:s28], [sflag:$0x2], $0x80, v4, vm0, $0xb8;
	[tilespmem:$0x10100] =	vst v63  }
0x91: {  	v3 =	vperm.xlane v3, v2  }
0x92: {  	[hbm4b:s4+s2] =	stream.indirect_vreg.scatter [tilespmem:s29], [sflag:$0x2], $0x80, v4, vm0, $0xb8;
	[tilespmem:$0x10100] =	vst v63  }
0x93: {  	v3 =	vadd.s32 v1, v3  }
0x94: {  	[hbm4b:s5+s2] =	stream.indirect_vreg.scatter [tilespmem:s30], [sflag:$0x2], $0x80, v4, vm0, $0xb8;
	[tilespmem:$0x10100] =	vst v63  }
0x95: {  	_ = 	snop  }
0x96: {  	[hbm4b:s6+s2] =	stream.indirect_vreg.scatter [tilespmem:s31], [sflag:$0x2], $0x80, v4, vm0, $0xb8;
	[tilespmem:$0x10100] =	vst v63  }
0x97: {  	_ = 	snop  }
0x98: {  	[hbm4b:s3+s2] =	stream.indirect_vreg.scatter [tilespmem:s1], [sflag:$0x2], $0x80, v3, vm0, $0xb8;
	[tilespmem:$0x10100] =	vst v63  }
0x99: {  	s20 =	simm.s32 $0x6900  }
0x9a: {  	[hbm4b:s4+s2] =	stream.indirect_vreg.scatter [tilespmem:s20], [sflag:$0x2], $0x80, v3, vm0, $0xb8;
	[tilespmem:$0x10100] =	vst v63  }
0x9b: {  	_ = 	snop  }
0x9c: {  	[hbm4b:s5+s2] =	stream.indirect_vreg.scatter [tilespmem:s10], [sflag:$0x2], $0x80, v3, vm0, $0xb8;
	[tilespmem:$0x10100] =	vst v63  }
0x9d: {  	_ = 	snop  }
0x9e: {  	[hbm4b:s6+s2] =	stream.indirect_vreg.scatter [tilespmem:s11], [sflag:$0x2], $0x80, v3, vm0, $0xb8;
	[tilespmem:$0x10100] =	vst v63  }
0x9f: {  	v3 =	vld [tilespmem:$0xA0];
	_ =	sdelay $0x4  }
0xa0: {  	v62 =	vshll.u32 v3, $0x3  }
0xa1: {  	v3 =	vand.u32 $0x7, v3;
	v4 =	vand.u32 $0xFFFFFFC0, v62  }
0xa2: {  	v3 =	vor.u32 v3, v4  }
0xa3: {  	v4 =	vperm.xlane v3, v0;
	_ =	sdelay $0x1  }
0xa4: {  	v4 =	vadd.s32 v1, v4;
	_ =	sdelay $0x4  }
0xa5: {  	[hbm4b:s3+s2] =	stream.indirect_vreg.scatter [tilespmem:s12], [sflag:$0x2], $0x80, v4, vm0, $0xb8;
	[tilespmem:$0x10100] =	vst v63  }
0xa6: {  	v3 =	vperm.xlane v3, v2  }
0xa7: {  	[hbm4b:s4+s2] =	stream.indirect_vreg.scatter [tilespmem:s13], [sflag:$0x2], $0x80, v4, vm0, $0xb8;
	[tilespmem:$0x10100] =	vst v63  }
0xa8: {  	v3 =	vadd.s32 v1, v3  }
0xa9: {  	[hbm4b:s5+s2] =	stream.indirect_vreg.scatter [tilespmem:s14], [sflag:$0x2], $0x80, v4, vm0, $0xb8;
	[tilespmem:$0x10100] =	vst v63  }
0xaa: {  	_ = 	snop  }
0xab: {  	[hbm4b:s6+s2] =	stream.indirect_vreg.scatter [tilespmem:s15], [sflag:$0x2], $0x80, v4, vm0, $0xb8;
	[tilespmem:$0x10100] =	vst v63  }
0xac: {  	_ = 	snop  }
0xad: {  	[hbm4b:s3+s2] =	stream.indirect_vreg.scatter [tilespmem:s16], [sflag:$0x2], $0x80, v3, vm0, $0xb8;
	[tilespmem:$0x10100] =	vst v63  }
0xae: {  	_ = 	snop  }
0xaf: {  	[hbm4b:s4+s2] =	stream.indirect_vreg.scatter [tilespmem:s17], [sflag:$0x2], $0x80, v3, vm0, $0xb8;
	[tilespmem:$0x10100] =	vst v63  }
0xb0: {  	_ = 	snop  }
0xb1: {  	[hbm4b:s5+s2] =	stream.indirect_vreg.scatter [tilespmem:s8], [sflag:$0x2], $0x80, v3, vm0, $0xb8;
	[tilespmem:$0x10100] =	vst v63  }
0xb2: {  	_ = 	snop  }
0xb3: {  	[hbm4b:s6+s2] =	stream.indirect_vreg.scatter [tilespmem:s19], [sflag:$0x2], $0x80, v3, vm0, $0xb8;
	[tilespmem:$0x10100] =	vst v63  }
0xb4: {  	v3 =	vld [tilespmem:$0xB0];
	_ =	sdelay $0x4  }
0xb5: {  	v63 =	vshll.u32 v3, $0x3  }
0xb6: {  	v3 =	vand.u32 $0x7, v3;
	v4 =	vand.u32 $0xFFFFFFC0, v63  }
0xb7: {  	v3 =	vor.u32 v3, v4  }
0xb8: {  	v4 =	vperm.xlane v3, v0;
	_ =	sdelay $0x1  }
0xb9: {  	v4 =	vadd.s32 v1, v4;
	_ =	sdelay $0x3  }
0xba: {  	s21 =	simm.s32 $0xC100  }
0xbb: {  	[hbm4b:s3+s2] =	stream.indirect_vreg.scatter [tilespmem:s21], [sflag:$0x2], $0x80, v4, vm0, $0xb8;
	[tilespmem:$0x10100] =	vst v63  }
0xbc: {  	s20 =	simm.s32 $0xC900;
	v3 =	vperm.xlane v3, v2  }
0xbd: {  	[hbm4b:s4+s2] =	stream.indirect_vreg.scatter [tilespmem:s20], [sflag:$0x2], $0x80, v4, vm0, $0xb8;
	[tilespmem:$0x10100] =	vst v63  }
0xbe: {  	v3 =	vadd.s32 v1, v3;
	s21 =	simm.s32 $0xD100  }
0xbf: {  	[hbm4b:s5+s2] =	stream.indirect_vreg.scatter [tilespmem:s21], [sflag:$0x2], $0x80, v4, vm0, $0xb8;
	[tilespmem:$0x10100] =	vst v63  }
0xc0: {  	s20 =	simm.s32 $0xD900  }
0xc1: {  	[hbm4b:s6+s2] =	stream.indirect_vreg.scatter [tilespmem:s20], [sflag:$0x2], $0x80, v4, vm0, $0xb8;
	[tilespmem:$0x10100] =	vst v63  }
0xc2: {  	s21 =	simm.s32 $0xE100  }
0xc3: {  	[hbm4b:s3+s2] =	stream.indirect_vreg.scatter [tilespmem:s21], [sflag:$0x2], $0x80, v3, vm0, $0xb8;
	[tilespmem:$0x10100] =	vst v63  }
0xc4: {  	s20 =	simm.s32 $0xE900  }
0xc5: {  	[hbm4b:s4+s2] =	stream.indirect_vreg.scatter [tilespmem:s20], [sflag:$0x2], $0x80, v3, vm0, $0xb8;
	[tilespmem:$0x10100] =	vst v63  }
0xc6: {  	s21 =	simm.s32 $0xF100  }
0xc7: {  	[hbm4b:s5+s2] =	stream.indirect_vreg.scatter [tilespmem:s21], [sflag:$0x2], $0x80, v3, vm0, $0xb8;
	[tilespmem:$0x10100] =	vst v63  }
0xc8: {  	s20 =	simm.s32 $0x1  }
0xc9: {  	[hbm4b:s6+s2] =	stream.indirect_vreg.scatter [tilespmem:s0], [sflag:$0x2], $0x80, v3, vm0, $0xb8;
	[tilespmem:$0x10100] =	vst v63  }
0xca: {  	p0 =	sne.s32 s7, $0x1;
	_ =	swait.ge [sflag:s20], $0x10000  }
.Ltmp0:
0xcb: {  	[sflag:s20] =	ssyncset.done $0x0;
	(pc) =	sbr.rel @p0 .LBB2_1-.Ltmp0, $4  }
0xcc: {  	s21 =	simm.s32 $0x2;
	[sflag:s20] =	ssyncadd.s32 $0xFFFF0000  }
0xcd: {  	_ =	swait.ge [sflag:s21], $0x10000  }
0xce: {  	[sflag:s21] =	ssyncset.done $0x0  }
0xcf: {  	s7 =	sadd.s32 $0xFFFFFFFF, s7;
	[sflag:s21] =	ssyncadd.s32 $0xFFFF0000  }
0xd0: {  	_ =	sfence.sel $0x180000  }
0xd1: {  	[bflag:$0x0] =	sbarrier.arrive $0xFFFF  }
0xd2: {  	_ =	strace $0x90000050  }
0xd3: {  	s0 =	stileid.u32;
	[bflag:$0x2] =	sbarrier.arrive $0xFFFF  }
0xd4: {  	p0 =	sne.s32 s0, $0x0;
	s0 =	rddreg [dreg:$0x1]  }
0xd5: {  	s0 =	sadd.s32 @!p0 $0x100000, s0  }
0xd6: {  	[sflag:s0] =	ssyncadd.tile.s32 @!p0 $0x1;
	_ =	shalt  }
.Lfunc_end2:
_tile_overlayer_lowered:
.L_overlay_start_2:
0xd7: {  	(tag) =	ssettag $0x2  }
0xd8: {  	s0 =	rddreg [dreg:$0x0];
	s2 =	stileid.u32  }
0xd9: {  	s1 =	rddreg [dreg:$0x1];
	p0 =	sne.s32 s2, $0x0  }
0xda: {  	s3 =	rddreg [dreg:$0x2];
	[bflag:$0x3] =	sbarrier.arrive $0xFFFF;
	s2 =	simm.s32 @!p0 $0x1C03  }
0xdb: {  	[timem:s3], [sflag:s2] =	dma.local @!p0 [hbm:s0], s1  }
0xdc: {  	s0 =	simm.s32 @!p0 $0x3  }
0xdd: {  	_ =	swait.ge @!p0 [sflag:s0], s1  }
0xde: {  	s1 =	ssub.s32 @!p0 $0x0, s1;
	[sflag:s0] =	ssyncset.done @!p0 $0x0  }
0xdf: {  	[sflag:s0] =	ssyncadd.s32 @!p0 s1  }
0xe0: {  	[bflag:$0x3] =	sbarrier.arrive $0xFFFF  }
0xe1: {  	_ =	shalt  }

// kernel: kernel.28.cloned.1.call-start
scs
__scs_entry_jumppad:
0x0: {  	(pc) =	sbr.rel $0x88, $3  }
0x1: {  	(tag) =	ssettag $0x0;
	lr =	simm.s32 $0x1  }
0x2: {  	[smem:$0x3F8E] =	sst lr;
	_ =	strace $0xD0000000  }
0x3: {  	_ = 	snop  }
0x4: {  	_ = 	snop  }
0x5: {  	_ = 	snop  }
0x6: {  	_ = 	snop  }
0x7: {  	_ = 	snop  }
__scs_overlays_trampoline_lowered:
0x8: {  	[smem:$0x3F9D] =	sst s0  }
0x9: {  	[smem:$0x3F9E] =	sst s1  }
0xa: {  	[smem:$0x3F9F] =	sst s2  }
0xb: {  	[smem:$0x3FA0] =	sst s3  }
0xc: {  	[smem:$0x3FA1] =	sst s4  }
0xd: {  	[smem:$0x3FA2] =	sst s5  }
0xe: {  	[smem:$0x3FA3] =	sst s6  }
0xf: {  	[smem:$0x3FA4] =	sst s7  }
0x10: {  	[smem:$0x3FA5] =	sst s8  }
0x11: {  	[smem:$0x3FA6] =	sst s9;
	s0 =	simm.s32 @!p0 $0x0  }
0x12: {  	s1 =	sld [smem:$0x3F8C];
	s0 =	simm.s32 @p0 $0x1  }
0x13: {  	[smem:$0x3FA7] =	sst s0;
	s0 =	simm.s32 @!p1 $0x0  }
0x14: {  	s2 =	sld [smem:$0x3F8B];
	s0 =	simm.s32 @p1 $0x1  }
0x15: {  	[smem:$0x3FA8] =	sst s0;
	s0 =	simm.s32 @!p2 $0x0  }
0x16: {  	s3 =	sld [smem:$0x3FDB];
	s0 =	simm.s32 @p2 $0x1  }
0x17: {  	s4 =	simm.s32 $0x1BF5;
	[smem:$0x3FAA] =	sst s0  }
0x18: {  	s0 =	sld [smem:$0x3F8D];
	_ =	swait.ge [sflag:s4], $0x0  }
0x19: {  	s7 =	sld [smem:$0x3F8E]  }
0x1a: {  	s8 =	sadd.s32 $0xFFFFE003, lr  }
0x1b: {  	s9 =	sadd.s32 $0xFFFFFEF7, lr;
	s5 =	simm.s32 $0xFFFFFFFF;
	p2 =	slt.u32 s8, $0xFFFFF086  }
0x1c: {  	p1 =	slt.u32 s9, $0xF7A;
	s5 =	simm.s32 @!p2 $0x0  }
0x1d: {  	s5 =	simm.s32 @p1 $0x1;
	p0 =	seq.s32 s7, s2  }
0x1e: {  	s7 =	smul.u32 @!p0 $0xF7A, s2;
	p2 =	seq.s32 @!p0 s5, $0x0  }
0x1f: {  	s9 =	smul.u32 $0xF7A, s1;
	s8 =	simm.s32 @!p0 $0x1BF5;
	p2 =	por !p2, p0  }
0x20: {  	[sflag:s8] =	ssyncset.s32 @!p0 $0xFFFFF086;
	s6 =	sadd.s32 @!p0 s3, s7;
	s7 =	simm.s32 @!p0 $0x108  }
0x21: {  	s3 =	sadd.s32 s3, s9;
	s6 =	sadd.s32 @!p0 $0x88, s6;
	s7 =	simm.s32 @p2 $0x1082  }
0x22: {  	[simem:s7], [sflag:s8] =	dma.local @!p0 [hbm:s6], $0xF7A  }
0x23: {  	s9 =	sor.u32 $0xD0000000, s2;
	s6 =	simm.s32 $0x108;
	_ =	swait.ge @!p0 [sflag:s8], $0x0  }
0x24: {  	s3 =	sadd.s32 $0x88, s3;
	s6 =	simm.s32 @!p1 $0x1082;
	[sflag:s4] =	ssyncset.s32 $0xFFFFF086  }
0x25: {  	[simem:s6], [sflag:s4] =	dma.local [hbm:s3], $0xF7A  }
0x26: {  	[smem:$0x3F8E] =	sst s1;
	(tag) =	ssettag s2;
	_ =	strace s9  }
0x27: {  	s1 =	sld [smem:$0x3F9E]  }
0x28: {  	s2 =	sld [smem:$0x3F9F]  }
0x29: {  	s4 =	sld [smem:$0x3FA1]  }
0x2a: {  	p0 =	seq.s32 s5, $0x0;
	s5 =	sld [smem:$0x3FA2]  }
0x2b: {  	s6 =	sld [smem:$0x3FA3]  }
0x2c: {  	s7 =	sld [smem:$0x3FA4]  }
0x2d: {  	s3 =	simm.s32 $0x108;
	s8 =	sld [smem:$0x3FA5]  }
0x2e: {  	s3 =	simm.s32 @!p0 $0x1082;
	s9 =	sld [smem:$0x3FA6]  }
0x2f: {  	lr =	sadd.s32 s0, s3;
	s0 =	sld [smem:$0x3F9D]  }
0x30: {  	s3 =	sld [smem:$0x3FA0]  }
0x31: {  	[smem:$0x3FA9] =	sst s10  }
0x32: {  	s10 =	sld [smem:$0x3FA7];
	_ =	sdelay $0x3  }
0x33: {  	p0 =	seq.s32 s10, $0x1;
	s10 =	sld [smem:$0x3FA9];
	_ =	sdelay $0x3  }
0x34: {  	[smem:$0x3FA9] =	sst s10  }
0x35: {  	s10 =	sld [smem:$0x3FA8];
	_ =	sdelay $0x3  }
0x36: {  	p1 =	seq.s32 s10, $0x1;
	s10 =	sld [smem:$0x3FA9];
	_ =	sdelay $0x3  }
0x37: {  	[smem:$0x3FA9] =	sst s10  }
0x38: {  	s10 =	sld [smem:$0x3FAA]  }
0x39: {  	_ = 	snop;
	(pc) =	sbr.ind lr, $3  }
0x3a: {  	_ = 	snop  }
0x3b: {  	_ = 	snop  }
0x3c: {  	p2 =	seq.s32 s10, $0x1;
	s10 =	sld [smem:$0x3FA9]  }
0x3d: {  	_ =	shalt  }
0x3e: {  	_ =	shalt  }
0x3f: {  	_ =	shalt  }
0x40: {  	_ =	shalt  }
0x41: {  	_ =	shalt  }
0x42: {  	_ =	shalt  }
0x43: {  	_ =	shalt  }
0x44: {  	_ =	shalt  }
0x45: {  	_ =	shalt  }
0x46: {  	_ =	shalt  }
0x47: {  	_ =	shalt  }
0x48: {  	_ =	shalt  }
0x49: {  	_ =	shalt  }
0x4a: {  	_ =	shalt  }
0x4b: {  	_ =	shalt  }
0x4c: {  	_ =	shalt  }
0x4d: {  	_ =	shalt  }
0x4e: {  	_ =	shalt  }
0x4f: {  	_ =	shalt  }
0x50: {  	_ =	shalt  }
0x51: {  	_ =	shalt  }
0x52: {  	_ =	shalt  }
0x53: {  	_ =	shalt  }
0x54: {  	_ =	shalt  }
0x55: {  	_ =	shalt  }
0x56: {  	_ =	shalt  }
0x57: {  	_ =	shalt  }
0x58: {  	_ =	shalt  }
0x59: {  	_ =	shalt  }
0x5a: {  	_ =	shalt  }
0x5b: {  	_ =	shalt  }
0x5c: {  	_ =	shalt  }
0x5d: {  	_ =	shalt  }
0x5e: {  	_ =	shalt  }
0x5f: {  	_ =	shalt  }
0x60: {  	_ =	shalt  }
0x61: {  	_ =	shalt  }
0x62: {  	_ =	shalt  }
0x63: {  	_ =	shalt  }
0x64: {  	_ =	shalt  }
0x65: {  	_ =	shalt  }
0x66: {  	_ =	shalt  }
0x67: {  	_ =	shalt  }
0x68: {  	_ =	shalt  }
0x69: {  	_ =	shalt  }
0x6a: {  	_ =	shalt  }
0x6b: {  	_ =	shalt  }
0x6c: {  	_ =	shalt  }
0x6d: {  	_ =	shalt  }
0x6e: {  	_ =	shalt  }
0x6f: {  	_ =	shalt  }
0x70: {  	_ =	shalt  }
0x71: {  	_ =	shalt  }
0x72: {  	_ =	shalt  }
0x73: {  	_ =	shalt  }
0x74: {  	_ =	shalt  }
0x75: {  	_ =	shalt  }
0x76: {  	_ =	shalt  }
0x77: {  	_ =	shalt  }
0x78: {  	_ =	shalt  }
0x79: {  	_ =	shalt  }
0x7a: {  	_ =	shalt  }
0x7b: {  	_ =	shalt  }
0x7c: {  	_ =	shalt  }
0x7d: {  	_ =	shalt  }
0x7e: {  	_ =	shalt  }
0x7f: {  	_ =	shalt  }
0x80: {  	_ =	shalt  }
0x81: {  	_ =	shalt  }
0x82: {  	_ =	shalt  }
0x83: {  	_ =	shalt  }
0x84: {  	_ =	shalt  }
0x85: {  	_ =	shalt  }
0x86: {  	_ =	shalt  }
0x87: {  	_ =	shalt  }
.Lfunc_end0:
.L_simem_size_0:
called_computation.4_lowered:
.L_overlay_start_0:
0x88: {  	s2 =	sld [smem:$0x3FD9]  }
0x89: {  	s3 =	sld [smem:$0x3FFE];
	_ =	sdelay $0x1  }
0x8a: {  	s1 =	srdreg.scid  }
0x8b: {  	s0 =	sand.u32 $0x1, s1  }
0x8c: {  	s17 =	sshll.u32 s0, $0xA;
	s2 =	sadd.s32 s3, s2  }
0x8d: {  	s2 =	sadd.s32 s2, s17  }
0x8e: {  	[smem:$0x3FB5] =	sst s2  }
0x8f: {  	_ = 	snop  }
0x90: {  	s2 =	sld [smem:$0x3FD0];
	(tm) =	ssettm $0x1  }
0x91: {  	s18 =	sld [smem:$0x3FFB];
	_ =	sdelay $0x3  }
0x92: {  	_ =	strace s18  }
0x93: {  	s3 =	sld [smem:$0x3FFC];
	_ =	sdelay $0x3  }
0x94: {  	_ =	strace s3  }
0x95: {  	s3 =	sld [smem:$0x3FFD];
	_ =	sdelay $0x3  }
0x96: {  	_ =	strace s3  }
0x97: {  	_ =	strace $0x8FFFFFFF  }
0x98: {  	s19 =	sld [smem:$0x3FDB];
	_ =	sdelay $0x1  }
0x99: {  	s4 =	simm.s32 $_scs_section_size  }
0x9a: {  	s5 =	simm.s32 $_size__tile_overlayer_lowered;
	s6 =	simm.s32 $_tile_overlayer_lowered  }
0x9b: {  	s22 =	simm.s32 $0x1BFF;
	s21 =	sshll.u32 s6, $0x1;
	s3 =	sadd.s32 s4, s19  }
0x9c: {  	s7 =	simm.s32 $0x0;
	s20 =	sshll.u32 s5, $0x1;
	s5 =	sadd.s32 s21, s3  }
0x9d: {  	[timem:s7], [sflag:s22] =	dma.local [hbm:s5], s20  }
0x9e: {  	_ =	swait.ge [sflag:s22], s20  }
0x9f: {  	s4 =	ssub.s32 $0x0, s20;
	[sflag:s22] =	ssyncset.done $0x0  }
0xa0: {  	[sflag:s22] =	ssyncadd.s32 s4;
	_ =	sdelay $0x1  }
0xa1: {  	s23 =	simm.s32 $0x1B8B  }
0xa2: {  	_ =	swait.ge [sflag:s23], $0x1  }
0xa3: {  	[sflag:s23] =	ssyncset.done $0x0  }
0xa4: {  	s25 =	simm.s32 $0x1B8E;
	s24 =	sld [smem:$0x3FFE];
	[sflag:s23] =	ssyncadd.s32 $0xFFFFFFFF  }
0xa5: {  	s26 =	simm.s32 $execute0_lowered;
	[smem:$0x3FD2] =	sst s25  }
0xa6: {  	s5 =	sshll.u32 s26, $0x1;
	_ =	strace $0x80000052;
	[dreg:$0x1] =	wrdreg $0xFFFFFFFF  }
0xa7: {  	s28 =	simm.s32 $_size_execute0_lowered;
	s3 =	sadd.s32 s3, s5;
	[dreg:$0x0] =	wrdreg $0x0  }
0xa8: {  	s5 =	sshll.u32 s28, $0x1;
	[dreg:$0x2] =	wrdreg s3  }
0xa9: {  	[dreg:$0x3] =	wrdreg s5  }
0xaa: {  	[dreg:$0x4] =	wrdreg $0xC0  }
0xab: {  	_ =	task [dreg:s7], $0x5FFFF  }
0xac: {  	[dreg:$0x1] =	wrdreg $0xFFFFFFFF  }
0xad: {  	[dreg:$0x0] =	wrdreg $0x60  }
0xae: {  	[dreg:$0x2] =	wrdreg s2  }
0xaf: {  	[dreg:$0x3] =	wrdreg s24  }
0xb0: {  	[dreg:$0x4] =	wrdreg $0x9  }
0xb1: {  	_ =	task.clear_ibuf [dreg:s7], $0x5FFFF;
	_ =	strace $0x90000052  }
0xb2: {  	s29 =	simm.s32 $0x9;
	_ =	strace $0x80000054  }
0xb3: {  	_ =	swait.ge [sflag:s29], $0x1  }
0xb4: {  	[sflag:s29] =	ssyncadd.s32 $0xFFFFFFFF  }
0xb5: {  	_ =	strace $0x90000054  }
0xb6: {  	_ =	sfence  }
0xb7: {  	s30 =	sld [smem:$0x0];
	_ =	sdelay $0x2  }
0xb8: {  	s31 =	sshll.u32 s1, $0xD;
	s1 =	sshrl.u32 s1, $0x2  }
0xb9: {  	s3 =	sand.u32 $0x4000, s31;
	s1 =	sadd.s32 s1, s30  }
0xba: {  	s0 =	sor.u32 s3, s0;
	s1 =	sshll.u32 s1, $0x11  }
0xbb: {  	s0 =	sor.u32 s1, s0  }
0xbc: {  	s0 =	sadd.s32 $0x8F2B, s0  }
0xbd: {  	[sflag:s0] =	ssyncadd.remote.s32 $0x1  }
0xbe: {  	_ =	sfence.sel $0xFFFF  }
0xbf: {  	[dreg:$0x0] =	wrdreg $0xFFFFFFFF;
	(pc) =	sbr.abs _section_cstart, $3  }
0xc0: {  	[dreg:$0x1] =	wrdreg $0xFFFFFFFF  }
0xc1: {  	_ =	task.clear_ibuf [dreg:s7], $0x2FFFF;
	_ =	strace $0x9FFFFFFF  }
0xc2: {  	(tm) =	ssettm $0x7FFFFFFF  }
0xc3: {  	_ =	shalt  }
tec
execute0_lowered:
.L_overlay_start_1:
0x0: {  	(tag) =	ssettag $0x1  }
0x1: {  	s2 =	rddreg [dreg:$0x0]  }
0x2: {  	s0 =	rddreg [dreg:$0x1];
	s1 =	srdreg.scid  }
0x3: {  	s4 =	stileid.u32;
	s3 =	simm.s32 $0x0;
	s26 =	simm.s32 $0x80  }
0x4: {  	s18 =	simm.s32 $0x1;
	s19 =	simm.s32 $0x2;
	s20 =	simm.s32 $0x3  }
0x5: {  	s21 =	simm.s32 $0x4;
	s28 =	simm.s32 $0x2100;
	s29 =	simm.s32 $0x2900  }
0x6: {  	s30 =	simm.s32 $0x3100;
	s31 =	simm.s32 $0x3900;
	s10 =	simm.s32 $0x5100  }
0x7: {  	s11 =	simm.s32 $0x5900;
	s12 =	simm.s32 $0x6100;
	s13 =	simm.s32 $0x6900  }
0x8: {  	s14 =	simm.s32 $0x7100;
	s15 =	simm.s32 $0x7900;
	s16 =	simm.s32 $0x8900  }
0x9: {  	s17 =	simm.s32 $0x9100;
	s1 =	sand.u32 $0x1, s1;
	s4 =	sshll.u32 s4, $0x7  }
0xa: {  	[smem:$0x7FF] =	sst s3;
	s6 =	sadd.s32 $0x7A00, s0;
	s5 =	sshll.u32 s1, $0x6  }
0xb: {  	_ =	strace $0x80000053;
	s1 =	ssub.s32 $0x2, s1;
	[dreg:$0x9] =	wrdreg s26  }
0xc: {  	s26 =	simm.s32 $0x1900;
	s4 =	sor.u32 s5, s4;
	s7 =	sshrl.u32 s1, $0x1  }
0xd: {  	s5 =	sshrl.u32 s4, $0x3;
	s23 =	sshll.u32 s4, $0x7;
	s1 =	ssub.s32 s1, s7  }
0xe: {  	s5 =	sadd.s32 s5, s0;
	s0 =	sadd.s32 $0x47A00, s0;
	s4 =	sadd.s32 s6, s23  }
0xf: {  	s9 =	sor.u32 $0x1000, s23;
	s8 =	sadd.s32 $0x371C00, s5;
	[dreg:$0x5] =	wrdreg s4  }
0x10: {  	s7 =	smax.u32 s1, $0x1;
	s5 =	sadd.s32 $0x371E00, s5;
	[dreg:$0x3] =	wrdreg s8  }
0x11: {  	s1 =	simm.s32 $0x4900;
	s24 =	sadd.s32 s6, s9;
	[dreg:$0x4] =	wrdreg s5  }
0x12: {  	s4 =	sadd.s32 $0x100, s2;
	s25 =	sadd.s32 s0, s23;
	[dreg:$0x6] =	wrdreg s24  }
0x13: {  	v2 =	vlaneseq.u32;
	s0 =	sadd.s32 s0, s9;
	s6 =	sadd.s32 $0x300, s2;
	[dreg:$0x7] =	wrdreg s25  }
0x14: {  	vm0 =	vmmov $0xffff;
	v1 =	vshrl.u32 v2, $0x3;
	s9 =	simm.s32 $0x9900;
	s5 =	sadd.s32 $0x200, s2;
	[dreg:$0x8] =	wrdreg s0  }
0x15: {  	v0 =	vand.u32 $0x7, v2;
	v2 =	vor.u32 $0x8, v2;
	v1 =	vmul.u32 $0x8, v1;
	s25 =	simm.s32 $0x100;
	s24 =	simm.s32 $0x1100;
	s8 =	simm.s32 $0x8100  }
.LBB2_1:
0x16: {  	s22 =	rddreg [dreg:$0x3];
	s0 =	simm.s32 $0x5  }
0x17: {  	[tilespmem:s3], [sflag:$0x5] =	stream.linear.gather [hbm4b:s22+s3], $0x40, $0x38;
	[tilespmem:$0x10100] =	vst v63  }
0x18: {  	_ =	swait.ge [sflag:s0], $0x40  }
0x19: {  	s22 =	rddreg [dreg:$0x4];
	[sflag:s0] =	ssyncset.done $0x0  }
0x1a: {  	s23 =	rddreg [dreg:$0x9];
	[sflag:s0] =	ssyncadd.s32 $0xFFFFFFC0  }
0x1b: {  	[tilespmem:s23], [sflag:$0x5] =	stream.linear.gather [hbm4b:s22+s3], $0x40, $0x38;
	[tilespmem:$0x10100] =	vst v63  }
0x1c: {  	_ =	swait.ge [sflag:s0], $0x40  }
0x1d: {  	[sflag:s0] =	ssyncset.done $0x0  }
0x1e: {  	[sflag:s0] =	ssyncadd.s32 $0xFFFFFFC0  }
0x1f: {  	v3 =	vld [tilespmem:$0x0];
	_ =	sdelay $0x4  }
0x20: {  	v4 =	vshll.u32 v3, $0x3  }
0x21: {  	v3 =	vand.u32 $0x7, v3;
	v4 =	vand.u32 $0xFFFFFFC0, v4  }
0x22: {  	v3 =	vor.u32 v3, v4  }
0x23: {  	v4 =	vperm.xlane v3, v0;
	_ =	sdelay $0x1  }
0x24: {  	v4 =	vadd.s32 v1, v4;
	_ =	sdelay $0x4  }
0x25: {  	[tilespmem:s25], [sflag:$0x1] =	stream.indirect_vreg.gather [hbm4b:s2+s3], $0x80, v4, vm0, $0xb8;
	[tilespmem:$0x10100] =	vst v63  }
0x26: {  	s23 =	simm.s32 $0x900;
	v3 =	vperm.xlane v3, v2  }
0x27: {  	[tilespmem:s23], [sflag:$0x1] =	stream.indirect_vreg.gather [hbm4b:s4+s3], $0x80, v4, vm0, $0xb8;
	[tilespmem:$0x10100] =	vst v63  }
0x28: {  	v3 =	vadd.s32 v1, v3  }
0x29: {  	[tilespmem:s24], [sflag:$0x1] =	stream.indirect_vreg.gather [hbm4b:s5+s3], $0x80, v4, vm0, $0xb8;
	[tilespmem:$0x10100] =	vst v63  }
0x2a: {  	_ = 	snop  }
0x2b: {  	[tilespmem:s26], [sflag:$0x1] =	stream.indirect_vreg.gather [hbm4b:s6+s3], $0x80, v4, vm0, $0xb8;
	[tilespmem:$0x10100] =	vst v63  }
0x2c: {  	_ = 	snop  }
0x2d: {  	[tilespmem:s28], [sflag:$0x1] =	stream.indirect_vreg.gather [hbm4b:s2+s3], $0x80, v3, vm0, $0xb8;
	[tilespmem:$0x10100] =	vst v63  }
0x2e: {  	_ = 	snop  }
0x2f: {  	[tilespmem:s29], [sflag:$0x1] =	stream.indirect_vreg.gather [hbm4b:s4+s3], $0x80, v3, vm0, $0xb8;
	[tilespmem:$0x10100] =	vst v63  }
0x30: {  	_ = 	snop  }
0x31: {  	[tilespmem:s30], [sflag:$0x1] =	stream.indirect_vreg.gather [hbm4b:s5+s3], $0x80, v3, vm0, $0xb8;
	[tilespmem:$0x10100] =	vst v63  }
0x32: {  	_ = 	snop  }
0x33: {  	[tilespmem:s31], [sflag:$0x1] =	stream.indirect_vreg.gather [hbm4b:s6+s3], $0x80, v3, vm0, $0xb8;
	[tilespmem:$0x10100] =	vst v63  }
0x34: {  	v3 =	vld [tilespmem:$0x10];
	_ =	sdelay $0x4  }
0x35: {  	v57 =	vshll.u32 v3, $0x3  }
0x36: {  	v3 =	vand.u32 $0x7, v3;
	v4 =	vand.u32 $0xFFFFFFC0, v57  }
0x37: {  	v3 =	vor.u32 v3, v4  }
0x38: {  	v4 =	vperm.xlane v3, v0;
	_ =	sdelay $0x1  }
0x39: {  	v4 =	vadd.s32 v1, v4;
	_ =	sdelay $0x3  }
0x3a: {  	s0 =	simm.s32 $0x4100  }
0x3b: {  	[tilespmem:s0], [sflag:$0x1] =	stream.indirect_vreg.gather [hbm4b:s2+s3], $0x80, v4, vm0, $0xb8;
	[tilespmem:$0x10100] =	vst v63  }
0x3c: {  	v3 =	vperm.xlane v3, v2  }
0x3d: {  	[tilespmem:s1], [sflag:$0x1] =	stream.indirect_vreg.gather [hbm4b:s4+s3], $0x80, v4, vm0, $0xb8;
	[tilespmem:$0x10100] =	vst v63  }
0x3e: {  	v3 =	vadd.s32 v1, v3  }
0x3f: {  	[tilespmem:s10], [sflag:$0x1] =	stream.indirect_vreg.gather [hbm4b:s5+s3], $0x80, v4, vm0, $0xb8;
	[tilespmem:$0x10100] =	vst v63  }
0x40: {  	_ = 	snop  }
0x41: {  	[tilespmem:s11], [sflag:$0x1] =	stream.indirect_vreg.gather [hbm4b:s6+s3], $0x80, v4, vm0, $0xb8;
	[tilespmem:$0x10100] =	vst v63  }
0x42: {  	_ = 	snop  }
0x43: {  	[tilespmem:s12], [sflag:$0x1] =	stream.indirect_vreg.gather [hbm4b:s2+s3], $0x80, v3, vm0, $0xb8;
	[tilespmem:$0x10100] =	vst v63  }
0x44: {  	_ = 	snop  }
0x45: {  	[tilespmem:s13], [sflag:$0x1] =	stream.indirect_vreg.gather [hbm4b:s4+s3], $0x80, v3, vm0, $0xb8;
	[tilespmem:$0x10100] =	vst v63  }
0x46: {  	_ = 	snop  }
0x47: {  	[tilespmem:s14], [sflag:$0x1] =	stream.indirect_vreg.gather [hbm4b:s5+s3], $0x80, v3, vm0, $0xb8;
	[tilespmem:$0x10100] =	vst v63  }
0x48: {  	_ = 	snop  }
0x49: {  	[tilespmem:s15], [sflag:$0x1] =	stream.indirect_vreg.gather [hbm4b:s6+s3], $0x80, v3, vm0, $0xb8;
	[tilespmem:$0x10100] =	vst v63  }
0x4a: {  	v3 =	vld [tilespmem:$0x20];
	_ =	sdelay $0x4  }
0x4b: {  	v58 =	vshll.u32 v3, $0x3  }
0x4c: {  	v3 =	vand.u32 $0x7, v3;
	v4 =	vand.u32 $0xFFFFFFC0, v58  }
0x4d: {  	v3 =	vor.u32 v3, v4  }
0x4e: {  	v4 =	vperm.xlane v3, v0;
	_ =	sdelay $0x1  }
0x4f: {  	v4 =	vadd.s32 v1, v4;
	_ =	sdelay $0x4  }
0x50: {  	[tilespmem:s8], [sflag:$0x2] =	stream.indirect_vreg.gather [hbm4b:s2+s3], $0x80, v4, vm0, $0xb8;
	[tilespmem:$0x10100] =	vst v63  }
0x51: {  	v3 =	vperm.xlane v3, v2  }
0x52: {  	[tilespmem:s16], [sflag:$0x2] =	stream.indirect_vreg.gather [hbm4b:s4+s3], $0x80, v4, vm0, $0xb8;
	[tilespmem:$0x10100] =	vst v63  }
0x53: {  	v3 =	vadd.s32 v1, v3  }
0x54: {  	[tilespmem:s17], [sflag:$0x2] =	stream.indirect_vreg.gather [hbm4b:s5+s3], $0x80, v4, vm0, $0xb8;
	[tilespmem:$0x10100] =	vst v63  }
0x55: {  	_ = 	snop  }
0x56: {  	[tilespmem:s9], [sflag:$0x2] =	stream.indirect_vreg.gather [hbm4b:s6+s3], $0x80, v4, vm0, $0xb8;
	[tilespmem:$0x10100] =	vst v63  }
0x57: {  	s22 =	simm.s32 $0xA100  }
0x58: {  	[tilespmem:s22], [sflag:$0x2] =	stream.indirect_vreg.gather [hbm4b:s2+s3], $0x80, v3, vm0, $0xb8;
	[tilespmem:$0x10100] =	vst v63  }
0x59: {  	s22 =	simm.s32 $0xA900  }
0x5a: {  	[tilespmem:s22], [sflag:$0x2] =	stream.indirect_vreg.gather [hbm4b:s4+s3], $0x80, v3, vm0, $0xb8;
	[tilespmem:$0x10100] =	vst v63  }
0x5b: {  	s22 =	simm.s32 $0xB100  }
0x5c: {  	[tilespmem:s22], [sflag:$0x2] =	stream.indirect_vreg.gather [hbm4b:s5+s3], $0x80, v3, vm0, $0xb8;
	[tilespmem:$0x10100] =	vst v63  }
0x5d: {  	s22 =	simm.s32 $0xB900  }
0x5e: {  	[tilespmem:s22], [sflag:$0x2] =	stream.indirect_vreg.gather [hbm4b:s6+s3], $0x80, v3, vm0, $0xb8;
	[tilespmem:$0x10100] =	vst v63  }
0x5f: {  	v3 =	vld [tilespmem:$0x30];
	_ =	sdelay $0x4  }
0x60: {  	v59 =	vshll.u32 v3, $0x3  }
0x61: {  	v3 =	vand.u32 $0x7, v3;
	v4 =	vand.u32 $0xFFFFFFC0, v59  }
0x62: {  	v3 =	vor.u32 v3, v4  }
0x63: {  	v4 =	vperm.xlane v3, v0;
	_ =	sdelay $0x1  }
0x64: {  	v4 =	vadd.s32 v1, v4;
	_ =	sdelay $0x3  }
0x65: {  	s22 =	simm.s32 $0xC100  }
0x66: {  	[tilespmem:s22], [sflag:$0x2] =	stream.indirect_vreg.gather [hbm4b:s2+s3], $0x80, v4, vm0, $0xb8;
	[tilespmem:$0x10100] =	vst v63  }
0x67: {  	v3 =	vperm.xlane v3, v2;
	s22 =	simm.s32 $0xC900  }
0x68: {  	[tilespmem:s22], [sflag:$0x2] =	stream.indirect_vreg.gather [hbm4b:s4+s3], $0x80, v4, vm0, $0xb8;
	[tilespmem:$0x10100] =	vst v63  }
0x69: {  	v3 =	vadd.s32 v1, v3;
	s22 =	simm.s32 $0xD100  }
0x6a: {  	[tilespmem:s22], [sflag:$0x2] =	stream.indirect_vreg.gather [hbm4b:s5+s3], $0x80, v4, vm0, $0xb8;
	[tilespmem:$0x10100] =	vst v63  }
0x6b: {  	s22 =	simm.s32 $0xD900  }
0x6c: {  	[tilespmem:s22], [sflag:$0x2] =	stream.indirect_vreg.gather [hbm4b:s6+s3], $0x80, v4, vm0, $0xb8;
	[tilespmem:$0x10100] =	vst v63  }
0x6d: {  	s22 =	simm.s32 $0xE100  }
0x6e: {  	[tilespmem:s22], [sflag:$0x2] =	stream.indirect_vreg.gather [hbm4b:s2+s3], $0x80, v3, vm0, $0xb8;
	[tilespmem:$0x10100] =	vst v63  }
0x6f: {  	s22 =	simm.s32 $0xE900  }
0x70: {  	[tilespmem:s22], [sflag:$0x2] =	stream.indirect_vreg.gather [hbm4b:s4+s3], $0x80, v3, vm0, $0xb8;
	[tilespmem:$0x10100] =	vst v63  }
0x71: {  	s22 =	simm.s32 $0xF100  }
0x72: {  	[tilespmem:s22], [sflag:$0x2] =	stream.indirect_vreg.gather [hbm4b:s5+s3], $0x80, v3, vm0, $0xb8;
	[tilespmem:$0x10100] =	vst v63  }
0x73: {  	s22 =	simm.s32 $0xF900  }
0x74: {  	[tilespmem:s22], [sflag:$0x2] =	stream.indirect_vreg.gather [hbm4b:s6+s3], $0x80, v3, vm0, $0xb8;
	[tilespmem:$0x10100] =	vst v63  }
0x75: {  	_ =	swait.ge [sflag:s18], $0x8000  }
0x76: {  	[sflag:s18] =	ssyncset.done $0x0  }
0x77: {  	s22 =	rddreg [dreg:$0x5];
	[sflag:s18] =	ssyncadd.s32 $0xFFFF8000  }
0x78: {  	[hbm4b:s22+s3] =	stream.linear.scatter [tilespmem:s25], [sflag:$0x3], $0x8000, $0x38;
	[tilespmem:$0x10100] =	vst v63  }
0x79: {  	_ =	swait.ge [sflag:s19], $0x8000  }
0x7a: {  	[sflag:s19] =	ssyncset.done $0x0  }
0x7b: {  	s22 =	rddreg [dreg:$0x6];
	[sflag:s19] =	ssyncadd.s32 $0xFFFF8000  }
0x7c: {  	[hbm4b:s22+s3] =	stream.linear.scatter [tilespmem:s8], [sflag:$0x4], $0x8000, $0x38;
	[tilespmem:$0x10100] =	vst v63  }
0x7d: {  	_ =	swait.ge [sflag:s20], $0x8000  }
0x7e: {  	[sflag:s20] =	ssyncset.done $0x0  }
0x7f: {  	[sflag:s20] =	ssyncadd.s32 $0xFFFF8000  }
0x80: {  	v3 =	vld [tilespmem:$0x80];
	_ =	sdelay $0x4  }
0x81: {  	v60 =	vshll.u32 v3, $0x3  }
0x82: {  	v3 =	vand.u32 $0x7, v3;
	v4 =	vand.u32 $0xFFFFFFC0, v60  }
0x83: {  	v3 =	vor.u32 v3, v4  }
0x84: {  	v4 =	vperm.xlane v3, v0;
	_ =	sdelay $0x1  }
0x85: {  	v4 =	vadd.s32 v1, v4;
	_ =	sdelay $0x4  }
0x86: {  	[tilespmem:s25], [sflag:$0x1] =	stream.indirect_vreg.gather [hbm4b:s2+s3], $0x80, v4, vm0, $0xb8;
	[tilespmem:$0x10100] =	vst v63  }
0x87: {  	v3 =	vperm.xlane v3, v2  }
0x88: {  	[tilespmem:s23], [sflag:$0x1] =	stream.indirect_vreg.gather [hbm4b:s4+s3], $0x80, v4, vm0, $0xb8;
	[tilespmem:$0x10100] =	vst v63  }
0x89: {  	v3 =	vadd.s32 v1, v3  }
0x8a: {  	[tilespmem:s24], [sflag:$0x1] =	stream.indirect_vreg.gather [hbm4b:s5+s3], $0x80, v4, vm0, $0xb8;
	[tilespmem:$0x10100] =	vst v63  }
0x8b: {  	_ = 	snop  }
0x8c: {  	[tilespmem:s26], [sflag:$0x1] =	stream.indirect_vreg.gather [hbm4b:s6+s3], $0x80, v4, vm0, $0xb8;
	[tilespmem:$0x10100] =	vst v63  }
0x8d: {  	_ = 	snop  }
0x8e: {  	[tilespmem:s28], [sflag:$0x1] =	stream.indirect_vreg.gather [hbm4b:s2+s3], $0x80, v3, vm0, $0xb8;
	[tilespmem:$0x10100] =	vst v63  }
0x8f: {  	_ = 	snop  }
0x90: {  	[tilespmem:s29], [sflag:$0x1] =	stream.indirect_vreg.gather [hbm4b:s4+s3], $0x80, v3, vm0, $0xb8;
	[tilespmem:$0x10100] =	vst v63  }
0x91: {  	_ = 	snop  }
0x92: {  	[tilespmem:s30], [sflag:$0x1] =	stream.indirect_vreg.gather [hbm4b:s5+s3], $0x80, v3, vm0, $0xb8;
	[tilespmem:$0x10100] =	vst v63  }
0x93: {  	_ = 	snop  }
0x94: {  	[tilespmem:s31], [sflag:$0x1] =	stream.indirect_vreg.gather [hbm4b:s6+s3], $0x80, v3, vm0, $0xb8;
	[tilespmem:$0x10100] =	vst v63  }
0x95: {  	v3 =	vld [tilespmem:$0x90];
	_ =	sdelay $0x4  }
0x96: {  	v61 =	vshll.u32 v3, $0x3  }
0x97: {  	v3 =	vand.u32 $0x7, v3;
	v4 =	vand.u32 $0xFFFFFFC0, v61  }
0x98: {  	v3 =	vor.u32 v3, v4  }
0x99: {  	v4 =	vperm.xlane v3, v0;
	_ =	sdelay $0x1  }
0x9a: {  	v4 =	vadd.s32 v1, v4;
	_ =	sdelay $0x4  }
0x9b: {  	[tilespmem:s0], [sflag:$0x1] =	stream.indirect_vreg.gather [hbm4b:s2+s3], $0x80, v4, vm0, $0xb8;
	[tilespmem:$0x10100] =	vst v63  }
0x9c: {  	v3 =	vperm.xlane v3, v2  }
0x9d: {  	[tilespmem:s1], [sflag:$0x1] =	stream.indirect_vreg.gather [hbm4b:s4+s3], $0x80, v4, vm0, $0xb8;
	[tilespmem:$0x10100] =	vst v63  }
0x9e: {  	v3 =	vadd.s32 v1, v3  }
0x9f: {  	[tilespmem:s10], [sflag:$0x1] =	stream.indirect_vreg.gather [hbm4b:s5+s3], $0x80, v4, vm0, $0xb8;
	[tilespmem:$0x10100] =	vst v63  }
0xa0: {  	_ = 	snop  }
0xa1: {  	[tilespmem:s11], [sflag:$0x1] =	stream.indirect_vreg.gather [hbm4b:s6+s3], $0x80, v4, vm0, $0xb8;
	[tilespmem:$0x10100] =	vst v63  }
0xa2: {  	_ = 	snop  }
0xa3: {  	[tilespmem:s12], [sflag:$0x1] =	stream.indirect_vreg.gather [hbm4b:s2+s3], $0x80, v3, vm0, $0xb8;
	[tilespmem:$0x10100] =	vst v63  }
0xa4: {  	_ = 	snop  }
0xa5: {  	[tilespmem:s13], [sflag:$0x1] =	stream.indirect_vreg.gather [hbm4b:s4+s3], $0x80, v3, vm0, $0xb8;
	[tilespmem:$0x10100] =	vst v63  }
0xa6: {  	_ = 	snop  }
0xa7: {  	[tilespmem:s14], [sflag:$0x1] =	stream.indirect_vreg.gather [hbm4b:s5+s3], $0x80, v3, vm0, $0xb8;
	[tilespmem:$0x10100] =	vst v63  }
0xa8: {  	_ = 	snop  }
0xa9: {  	[tilespmem:s15], [sflag:$0x1] =	stream.indirect_vreg.gather [hbm4b:s6+s3], $0x80, v3, vm0, $0xb8;
	[tilespmem:$0x10100] =	vst v63  }
0xaa: {  	_ =	swait.ge [sflag:s21], $0x8000  }
0xab: {  	[sflag:s21] =	ssyncset.done $0x0  }
0xac: {  	[sflag:s21] =	ssyncadd.s32 $0xFFFF8000  }
0xad: {  	v3 =	vld [tilespmem:$0xA0];
	_ =	sdelay $0x4  }
0xae: {  	v62 =	vshll.u32 v3, $0x3  }
0xaf: {  	v3 =	vand.u32 $0x7, v3;
	v4 =	vand.u32 $0xFFFFFFC0, v62  }
0xb0: {  	v3 =	vor.u32 v3, v4  }
0xb1: {  	v4 =	vperm.xlane v3, v0;
	_ =	sdelay $0x1  }
0xb2: {  	v4 =	vadd.s32 v1, v4;
	_ =	sdelay $0x4  }
0xb3: {  	[tilespmem:s8], [sflag:$0x2] =	stream.indirect_vreg.gather [hbm4b:s2+s3], $0x80, v4, vm0, $0xb8;
	[tilespmem:$0x10100] =	vst v63  }
0xb4: {  	v3 =	vperm.xlane v3, v2  }
0xb5: {  	[tilespmem:s16], [sflag:$0x2] =	stream.indirect_vreg.gather [hbm4b:s4+s3], $0x80, v4, vm0, $0xb8;
	[tilespmem:$0x10100] =	vst v63  }
0xb6: {  	v3 =	vadd.s32 v1, v3  }
0xb7: {  	[tilespmem:s17], [sflag:$0x2] =	stream.indirect_vreg.gather [hbm4b:s5+s3], $0x80, v4, vm0, $0xb8;
	[tilespmem:$0x10100] =	vst v63  }
0xb8: {  	_ = 	snop  }
0xb9: {  	[tilespmem:s9], [sflag:$0x2] =	stream.indirect_vreg.gather [hbm4b:s6+s3], $0x80, v4, vm0, $0xb8;
	[tilespmem:$0x10100] =	vst v63  }
0xba: {  	s22 =	simm.s32 $0xA100  }
0xbb: {  	[tilespmem:s22], [sflag:$0x2] =	stream.indirect_vreg.gather [hbm4b:s2+s3], $0x80, v3, vm0, $0xb8;
	[tilespmem:$0x10100] =	vst v63  }
0xbc: {  	s23 =	simm.s32 $0xA900  }
0xbd: {  	[tilespmem:s23], [sflag:$0x2] =	stream.indirect_vreg.gather [hbm4b:s4+s3], $0x80, v3, vm0, $0xb8;
	[tilespmem:$0x10100] =	vst v63  }
0xbe: {  	s22 =	simm.s32 $0xB100  }
0xbf: {  	[tilespmem:s22], [sflag:$0x2] =	stream.indirect_vreg.gather [hbm4b:s5+s3], $0x80, v3, vm0, $0xb8;
	[tilespmem:$0x10100] =	vst v63  }
0xc0: {  	s23 =	simm.s32 $0xB900  }
0xc1: {  	[tilespmem:s23], [sflag:$0x2] =	stream.indirect_vreg.gather [hbm4b:s6+s3], $0x80, v3, vm0, $0xb8;
	[tilespmem:$0x10100] =	vst v63  }
0xc2: {  	v3 =	vld [tilespmem:$0xB0];
	_ =	sdelay $0x4  }
0xc3: {  	v63 =	vshll.u32 v3, $0x3  }
0xc4: {  	v3 =	vand.u32 $0x7, v3;
	v4 =	vand.u32 $0xFFFFFFC0, v63  }
0xc5: {  	v3 =	vor.u32 v3, v4  }
0xc6: {  	v4 =	vperm.xlane v3, v0;
	_ =	sdelay $0x1  }
0xc7: {  	v4 =	vadd.s32 v1, v4;
	_ =	sdelay $0x3  }
0xc8: {  	s22 =	simm.s32 $0xC100  }
0xc9: {  	[tilespmem:s22], [sflag:$0x2] =	stream.indirect_vreg.gather [hbm4b:s2+s3], $0x80, v4, vm0, $0xb8;
	[tilespmem:$0x10100] =	vst v63  }
0xca: {  	s23 =	simm.s32 $0xC900;
	v3 =	vperm.xlane v3, v2  }
0xcb: {  	[tilespmem:s23], [sflag:$0x2] =	stream.indirect_vreg.gather [hbm4b:s4+s3], $0x80, v4, vm0, $0xb8;
	[tilespmem:$0x10100] =	vst v63  }
0xcc: {  	v3 =	vadd.s32 v1, v3;
	s22 =	simm.s32 $0xD100  }
0xcd: {  	[tilespmem:s22], [sflag:$0x2] =	stream.indirect_vreg.gather [hbm4b:s5+s3], $0x80, v4, vm0, $0xb8;
	[tilespmem:$0x10100] =	vst v63  }
0xce: {  	s23 =	simm.s32 $0xD900  }
0xcf: {  	[tilespmem:s23], [sflag:$0x2] =	stream.indirect_vreg.gather [hbm4b:s6+s3], $0x80, v4, vm0, $0xb8;
	[tilespmem:$0x10100] =	vst v63  }
0xd0: {  	s22 =	simm.s32 $0xE100  }
0xd1: {  	[tilespmem:s22], [sflag:$0x2] =	stream.indirect_vreg.gather [hbm4b:s2+s3], $0x80, v3, vm0, $0xb8;
	[tilespmem:$0x10100] =	vst v63  }
0xd2: {  	s23 =	simm.s32 $0xE900  }
0xd3: {  	[tilespmem:s23], [sflag:$0x2] =	stream.indirect_vreg.gather [hbm4b:s4+s3], $0x80, v3, vm0, $0xb8;
	[tilespmem:$0x10100] =	vst v63  }
0xd4: {  	s22 =	simm.s32 $0xF100  }
0xd5: {  	[tilespmem:s22], [sflag:$0x2] =	stream.indirect_vreg.gather [hbm4b:s5+s3], $0x80, v3, vm0, $0xb8;
	[tilespmem:$0x10100] =	vst v63  }
0xd6: {  	s23 =	simm.s32 $0xF900  }
0xd7: {  	[tilespmem:s23], [sflag:$0x2] =	stream.indirect_vreg.gather [hbm4b:s6+s3], $0x80, v3, vm0, $0xb8;
	[tilespmem:$0x10100] =	vst v63  }
0xd8: {  	_ =	swait.ge [sflag:s18], $0x8000  }
0xd9: {  	[sflag:s18] =	ssyncset.done $0x0  }
0xda: {  	s0 =	rddreg [dreg:$0x7];
	[sflag:s18] =	ssyncadd.s32 $0xFFFF8000  }
0xdb: {  	[hbm4b:s0+s3] =	stream.linear.scatter [tilespmem:s25], [sflag:$0x3], $0x8000, $0x38;
	[tilespmem:$0x10100] =	vst v63  }
0xdc: {  	_ =	swait.ge [sflag:s19], $0x8000  }
0xdd: {  	[sflag:s19] =	ssyncset.done $0x0  }
0xde: {  	s23 =	rddreg [dreg:$0x8];
	[sflag:s19] =	ssyncadd.s32 $0xFFFF8000  }
0xdf: {  	[hbm4b:s23+s3] =	stream.linear.scatter [tilespmem:s8], [sflag:$0x4], $0x8000, $0x38;
	[tilespmem:$0x10100] =	vst v63  }
0xe0: {  	p0 =	sne.s32 s7, $0x1;
	_ =	swait.ge [sflag:s20], $0x8000  }
.Ltmp0:
0xe1: {  	[sflag:s20] =	ssyncset.done $0x0;
	(pc) =	sbr.rel @p0 .LBB2_1-.Ltmp0, $4  }
0xe2: {  	[sflag:s20] =	ssyncadd.s32 $0xFFFF8000  }
0xe3: {  	_ =	swait.ge [sflag:s21], $0x8000  }
0xe4: {  	[sflag:s21] =	ssyncset.done $0x0  }
0xe5: {  	s7 =	sadd.s32 $0xFFFFFFFF, s7;
	[sflag:s21] =	ssyncadd.s32 $0xFFFF8000  }
0xe6: {  	_ =	sfence.sel $0x180000  }
0xe7: {  	[bflag:$0x0] =	sbarrier.arrive $0xFFFF  }
0xe8: {  	_ =	strace $0x90000053  }
0xe9: {  	s0 =	stileid.u32;
	[bflag:$0x2] =	sbarrier.arrive $0xFFFF  }
0xea: {  	p0 =	sne.s32 s0, $0x0;
	s0 =	rddreg [dreg:$0x2]  }
0xeb: {  	s0 =	sadd.s32 @!p0 $0x100000, s0  }
0xec: {  	[sflag:s0] =	ssyncadd.tile.s32 @!p0 $0x1;
	_ =	shalt  }
.Lfunc_end2:
_tile_overlayer_lowered:
.L_overlay_start_2:
0xed: {  	(tag) =	ssettag $0x2  }
0xee: {  	s0 =	rddreg [dreg:$0x0];
	s2 =	stileid.u32  }
0xef: {  	s1 =	rddreg [dreg:$0x1];
	p0 =	sne.s32 s2, $0x0  }
0xf0: {  	s3 =	rddreg [dreg:$0x2];
	[bflag:$0x3] =	sbarrier.arrive $0xFFFF;
	s2 =	simm.s32 @!p0 $0x1C05  }
0xf1: {  	[timem:s3], [sflag:s2] =	dma.local @!p0 [hbm:s0], s1  }
0xf2: {  	s0 =	simm.s32 @!p0 $0x5  }
0xf3: {  	_ =	swait.ge @!p0 [sflag:s0], s1  }
0xf4: {  	s1 =	ssub.s32 @!p0 $0x0, s1;
	[sflag:s0] =	ssyncset.done @!p0 $0x0  }
0xf5: {  	[sflag:s0] =	ssyncadd.s32 @!p0 s1  }
0xf6: {  	[bflag:$0x3] =	sbarrier.arrive $0xFFFF  }
0xf7: {  	_ =	shalt  }

</sc_bundles>
